<compile_context>
chip_gen: v7x
topology: tpu7x:2x2x1
jax: 0.10.2.dev20260603
libtpu: 0.0.44.dev20260713+nightly
codegen_flags: <defaults>
</compile_context>

<pallas_src>
import functools

import jax
import jax.numpy as jnp
from jax import lax
from jax.experimental import pallas as pl
from jax.experimental.pallas import tpu as pltpu
from jax.experimental.pallas import tpu_sc as plsc

BATCH = 16384
EMBED = 64
VOCAB = 1000000

_info = plsc.get_sparse_core_info()
_NC, _NS = _info.num_cores, _info.num_subcores
_NW = _NC * _NS
_TCW = 244
_NR = _TCW * 128
_CHUNK = 512
_NCH = _NR // _CHUNK
_TAIL0 = _NW * _NR
_TAIL1 = _TAIL0 + 512
_CAP = 128
_NGROUPS = BATCH // 16


def _make_lookup():
  mesh = plsc.VectorSubcoreMesh(core_axis_name="c", subcore_axis_name="s")

  @functools.partial(
      pl.kernel,
      mesh=mesh,
      out_type=jax.ShapeDtypeStruct((BATCH + 1, 128), jnp.float32),
      scratch_types=[
          pltpu.VMEM((BATCH,), jnp.int32),
          pltpu.VMEM((BATCH,), jnp.int32),
          pltpu.VMEM((EMBED, _CHUNK), jnp.float32),
          pltpu.VMEM((EMBED, _CHUNK), jnp.float32),
          pltpu.VMEM((_CAP, 128), jnp.float32),
          pltpu.VMEM((_CAP,), jnp.int32),
          pltpu.SemaphoreType.DMA((4,)),
      ],
      compiler_params=pltpu.CompilerParams(needs_layout_passes=False),
  )
  def lookup_kernel(word_hbm, embt_hbm, out_hbm, word_v, plist_v, buf0, buf1,
                    rows_v, bidx_v, sem):
    wid = lax.axis_index("s") * _NC + lax.axis_index("c")
    lo = wid * _NR
    lane = lax.iota(jnp.int32, 16)
    trash = jnp.full((16,), BATCH, jnp.int32)

    is30 = wid == _NW - 2
    lo2 = jnp.where(is30, _TAIL0, VOCAB)
    len2 = jnp.where(is30, 512, 0)

    pltpu.sync_copy(word_hbm.at[pl.ds(0, BATCH)], word_v)

    for t in range(_CAP // 16):
      plsc.store_scatter(bidx_v, [lane + t * 16], trash)

    def scan_body(t, off):
      wv = word_v[pl.ds(t * 16, 16)]
      wrel = wv - lo
      in1 = (wrel >= 0) & (wrel < _NR)
      wrel2 = wv - lo2 + _NR
      in2 = (wrel2 >= _NR) & (wrel2 < _NR + len2)
      mask = in1 | in2
      wr = jnp.where(in2, wrel2, wrel)
      ones = jnp.where(mask, 1, 0)
      pos = off + plsc.cumsum(ones) - 1
      packed = lax.shift_left(wr, 14) + (lane + t * 16)
      plsc.store_scatter(plist_v, [pos], packed, mask=mask)
      return off + plsc.all_reduce_population_count(mask)[0]

    cnt = lax.fori_loop(0, _NGROUPS, scan_body, jnp.int32(0))
    ngrp = lax.div(cnt + 15, jnp.int32(16))

    def fire_chunk(c, buf):
      col0 = pl.multiple_of(lo + c * _CHUNK, 128)
      pltpu.async_copy(embt_hbm.at[:, pl.ds(col0, _CHUNK)], buf,
                       sem.at[c % 2])

    def wait_chunk(c, buf):
      pltpu.make_async_copy(embt_hbm.at[:, pl.ds(0, _CHUNK)], buf,
                            sem.at[c % 2]).wait()

    def process_range(buf, wlo, wlen, slot):
      def grp_body(t, slot):
        pv = plist_v[pl.ds(t * 16, 16)]
        valid = (lane + t * 16) < cnt
        wrel = lax.shift_right_logical(pv, 14)
        inr = valid & (wrel >= wlo) & (wrel < wlo + wlen)
        pos = plsc.cumsum(jnp.where(inr, 1, 0)) - 1
        n = plsc.all_reduce_population_count(inr)[0]
        cw = jnp.where(inr, wrel - wlo, 0)
        cb = jnp.where(inr, pv & 16383, 0)

        def sel_body(j, slot):
          @pl.when(slot == _CAP)
          def _():
            pltpu.async_copy(rows_v, out_hbm.at[bidx_v], sem.at[2])
            pltpu.make_async_copy(rows_v, out_hbm.at[bidx_v],
                                  sem.at[2]).wait()
            for u in range(_CAP // 16):
              plsc.store_scatter(bidx_v, [lane + u * 16], trash)

          slot = jnp.where(slot == _CAP, 0, slot)
          jspl = jnp.full((16,), j, jnp.int32)
          hit = inr & (pos == jspl)
          wsel = jnp.max(jnp.where(hit, cw, 0))
          bsel = jnp.max(jnp.where(hit, cb, 0))
          wspl = jnp.full((16,), wsel, jnp.int32)
          for g in range(EMBED // 16):
            vals = plsc.load_gather(buf, [lane + g * 16, wspl])
            rows_v[slot, pl.ds(g * 16, 16)] = vals
          plsc.store_scatter(bidx_v, [jnp.full((16,), slot, jnp.int32)],
                             jnp.full((16,), bsel, jnp.int32),
                             mask=lane == 0)
          return slot + 1

        return lax.fori_loop(0, n, sel_body, slot)

      return lax.fori_loop(0, ngrp, grp_body, slot)

    fire_chunk(0, buf0)
    fire_chunk(1, buf1)
    slot = jnp.int32(0)

    def pair_body(k, slot):
      c0 = 2 * k
      wait_chunk(c0, buf0)
      slot = process_range(buf0, c0 * _CHUNK, _CHUNK, slot)

      @pl.when(c0 + 2 < _NCH)
      def _():
        fire_chunk(c0 + 2, buf0)

      wait_chunk(c0 + 1, buf1)
      slot = process_range(buf1, (c0 + 1) * _CHUNK, _CHUNK, slot)

      @pl.when(c0 + 3 < _NCH)
      def _():
        fire_chunk(c0 + 3, buf1)

      return slot

    slot = lax.fori_loop(0, _NCH // 2, pair_body, slot)
    wait_chunk(_NCH - 1, buf0)
    slot = process_range(buf0, (_NCH - 1) * _CHUNK, _CHUNK, slot)

    pltpu.async_copy(embt_hbm.at[:, pl.ds(_TAIL0, _CHUNK)], buf0, sem.at[0])
    pltpu.make_async_copy(embt_hbm.at[:, pl.ds(0, _CHUNK)], buf0,
                          sem.at[0]).wait()
    slot = process_range(buf0, _NR, len2, slot)

    pltpu.async_copy(rows_v, out_hbm.at[bidx_v], sem.at[2])
    pltpu.make_async_copy(rows_v, out_hbm.at[bidx_v], sem.at[2]).wait()

  return lookup_kernel


_lookup = _make_lookup()


def kernel(word, emb):
  out_padded = _lookup(word, jnp.transpose(emb))
  out_main = lax.slice(out_padded, (0, 0), (BATCH, EMBED))
  tail_tab = lax.slice(emb, (_TAIL1, 0), (VOCAB, EMBED))
  wt = jnp.clip(word - _TAIL1, 0, VOCAB - _TAIL1 - 1)
  tail_rows = jnp.take(tail_tab, wt, axis=0)
  return jnp.where((word >= _TAIL1)[:, None], tail_rows, out_main)

# --- scband reference (transcript-rebuilt; emitter-appended) ---
"""Pipeline reference for scband-prior-mu-24077586661491 (READ-ONLY COPY).

The authoritative reference and input builder live on the scoring server;
editing this copy changes nothing except your own understanding.
"""

import jax, jax.numpy as jnp
import numpy as np

VOCAB = 1000000
EMBED = 64
BATCH = 16384

def setup_inputs(seed: int = 0) -> dict:
    key = jax.random.key(seed)
    k1, k2 = jax.random.split(key)
    word = jax.random.randint(k1, (BATCH,), 0, VOCAB, dtype=jnp.int32)
    emb = jax.random.normal(k2, (VOCAB, EMBED), dtype=jnp.float32) * 0.02
    return {"word": word, "emb": emb}

def reference(word, emb):
    # PriorMu.forward: self.emb(word).squeeze()
    out = jnp.take(emb, word, axis=0)
    return jnp.squeeze(out)

if __name__ == "__main__":
    import jax
    _d = setup_inputs()
    print(jax.jit(kernel)(*tuple(_d.values())))

</pallas_src>

<mosaic_0001>
#map = affine_map<(d0, d1) -> (0)>
#map1 = affine_map<(d0, d1) -> (0, 0)>
module attributes {stable_mosaic.version = 14 : i64} {
  func.func @lookup_kernel(%arg0: i32, %arg1: i32, %arg2: memref<16384xi32, #tpu.memory_space<hbm>>, %arg3: memref<64x1000000xf32, #tpu.memory_space<hbm>>, %arg4: memref<16385x128xf32, #tpu.memory_space<hbm>>, %arg5: memref<16384xi32, #tpu.memory_space<vmem>>, %arg6: memref<16384xi32, #tpu.memory_space<vmem>>, %arg7: memref<64x512xf32, #tpu.memory_space<vmem>>, %arg8: memref<64x512xf32, #tpu.memory_space<vmem>>, %arg9: memref<128x128xf32, #tpu.memory_space<vmem>>, %arg10: memref<128xi32, #tpu.memory_space<vmem>>, %arg11: memref<4x!tpu.dma_semaphore, #tpu.memory_space<semaphore_mem>>) attributes {dimension_semantics = [#tpu.dimension_semantics<core_parallel>, #tpu.dimension_semantics<subcore_parallel>], iteration_bounds = array<i64: 2, 16>, scalar_prefetch = 0 : i64, scratch_operands = 7 : i64, tpu.core_type = #tpu.core_type<sc_vector_subcore>, window_params = [{transform_indices = #map}, {transform_indices = #map1}, {transform_indices = #map1}]} {
    %mul3A = arith.constant 2 : i32
    %mul3A_0 = arith.muli %arg1, %mul3A : i32
    %add3A = arith.addi %mul3A_0, %arg0 : i32
    %mul3A_1 = arith.constant 31232 : i32
    %mul3A_2 = arith.muli %add3A, %mul3A_1 : i32
    %iota3A = tpu.iota {dimensions = array<i32: 0>} : vector<16xi32>
    %broadcast_in_dim3A = arith.constant 16384 : i32
    %broadcast_in_dim3A_3 = vector.broadcast %broadcast_in_dim3A : i32 to vector<16xi32>
    %eq3A = arith.constant 30 : i32
    %eq3A_4 = arith.cmpi eq, %add3A, %eq3A : i32
    %jit3A = arith.constant 999424 : i32
    %jit3A_5 = arith.constant 1000000 : i32
    %select_n3A = arith.select %eq3A_4, %jit3A, %jit3A_5 : i32
    %jit3A_6 = arith.constant 512 : i32
    %jit3A_7 = arith.constant 0 : i32
    %select_n3A_8 = arith.select %eq3A_4, %jit3A_6, %jit3A_7 : i32
    "tpu.region"() ({
      %run_scoped3A = tpu.sem_alloc : memref<!tpu.dma_semaphore, #tpu.memory_space<semaphore_mem>>
      %dma_start3A_126 = arith.constant 0 : i32
      %dma_start3A_127 = tpu.memref_slice %arg2[%dma_start3A_126] : memref<16384xi32, #tpu.memory_space<hbm>> -> memref<16384xi32, #tpu.memory_space<hbm>>
      %dma_start3A_128 = arith.constant 0 : i32
      %dma_start3A_129 = tpu.memref_slice %arg2[%dma_start3A_128] : memref<16384xi32, #tpu.memory_space<hbm>> -> memref<16384xi32, #tpu.memory_space<hbm>>
      tpu.enqueue_dma source(%dma_start3A_129 : memref<16384xi32, #tpu.memory_space<hbm>>) target(%arg5 : memref<16384xi32, #tpu.memory_space<vmem>>) target_semaphore(%run_scoped3A : memref<!tpu.dma_semaphore, #tpu.memory_space<semaphore_mem>>)
      %dma_wait3A_130 = arith.constant 0 : i32
      %dma_wait3A_131 = tpu.memref_slice %arg2[%dma_wait3A_130] : memref<16384xi32, #tpu.memory_space<hbm>> -> memref<16384xi32, #tpu.memory_space<hbm>>
      %dma_wait3A_132 = arith.constant 0 : i32
      %dma_wait3A_133 = tpu.memref_slice %arg2[%dma_wait3A_132] : memref<16384xi32, #tpu.memory_space<hbm>> -> memref<16384xi32, #tpu.memory_space<hbm>>
      tpu.wait_dma2 semaphore(%run_scoped3A : memref<!tpu.dma_semaphore, #tpu.memory_space<semaphore_mem>>) src(%dma_wait3A_133 : memref<16384xi32, #tpu.memory_space<hbm>>) dst(%arg5 : memref<16384xi32, #tpu.memory_space<vmem>>)
      tpu.yield
    }) : () -> ()
    %add3A_9 = arith.constant 0 : i32
    %add3A_10 = vector.broadcast %add3A_9 : i32 to vector<16xi32>
    %add3A_11 = arith.addi %iota3A, %add3A_10 : vector<16xi32>
    tpu.vector_store_idx %arg10[%add3A_11], %broadcast_in_dim3A_3 : memref<128xi32, #tpu.memory_space<vmem>>[vector<16xi32>], vector<16xi32>,
    %add3A_12 = arith.constant 16 : i32
    %add3A_13 = vector.broadcast %add3A_12 : i32 to vector<16xi32>
    %add3A_14 = arith.addi %iota3A, %add3A_13 : vector<16xi32>
    tpu.vector_store_idx %arg10[%add3A_14], %broadcast_in_dim3A_3 : memref<128xi32, #tpu.memory_space<vmem>>[vector<16xi32>], vector<16xi32>,
    %add3A_15 = arith.constant 32 : i32
    %add3A_16 = vector.broadcast %add3A_15 : i32 to vector<16xi32>
    %add3A_17 = arith.addi %iota3A, %add3A_16 : vector<16xi32>
    tpu.vector_store_idx %arg10[%add3A_17], %broadcast_in_dim3A_3 : memref<128xi32, #tpu.memory_space<vmem>>[vector<16xi32>], vector<16xi32>,
    %add3A_18 = arith.constant 48 : i32
    %add3A_19 = vector.broadcast %add3A_18 : i32 to vector<16xi32>
    %add3A_20 = arith.addi %iota3A, %add3A_19 : vector<16xi32>
    tpu.vector_store_idx %arg10[%add3A_20], %broadcast_in_dim3A_3 : memref<128xi32, #tpu.memory_space<vmem>>[vector<16xi32>], vector<16xi32>,
    %add3A_21 = arith.constant 64 : i32
    %add3A_22 = vector.broadcast %add3A_21 : i32 to vector<16xi32>
    %add3A_23 = arith.addi %iota3A, %add3A_22 : vector<16xi32>
    tpu.vector_store_idx %arg10[%add3A_23], %broadcast_in_dim3A_3 : memref<128xi32, #tpu.memory_space<vmem>>[vector<16xi32>], vector<16xi32>,
    %add3A_24 = arith.constant 80 : i32
    %add3A_25 = vector.broadcast %add3A_24 : i32 to vector<16xi32>
    %add3A_26 = arith.addi %iota3A, %add3A_25 : vector<16xi32>
    tpu.vector_store_idx %arg10[%add3A_26], %broadcast_in_dim3A_3 : memref<128xi32, #tpu.memory_space<vmem>>[vector<16xi32>], vector<16xi32>,
    %add3A_27 = arith.constant 96 : i32
    %add3A_28 = vector.broadcast %add3A_27 : i32 to vector<16xi32>
    %add3A_29 = arith.addi %iota3A, %add3A_28 : vector<16xi32>
    tpu.vector_store_idx %arg10[%add3A_29], %broadcast_in_dim3A_3 : memref<128xi32, #tpu.memory_space<vmem>>[vector<16xi32>], vector<16xi32>,
    %add3A_30 = arith.constant 112 : i32
    %add3A_31 = vector.broadcast %add3A_30 : i32 to vector<16xi32>
    %add3A_32 = arith.addi %iota3A, %add3A_31 : vector<16xi32>
    tpu.vector_store_idx %arg10[%add3A_32], %broadcast_in_dim3A_3 : memref<128xi32, #tpu.memory_space<vmem>>[vector<16xi32>], vector<16xi32>,
    %scan3A = arith.constant 0 : i32
    %scan3A_33 = arith.constant 0 : i32
    %scan3A_34 = arith.constant 1024 : i32
    %scan3A_35 = arith.addi %scan3A_33, %scan3A_34 : i32
    %scan3A_36 = arith.constant 1 : i32
    %scan3A_37 = scf.for %scan3A_126 = %scan3A_33 to %scan3A_35 step %scan3A_36 iter_args(%scan3A_127 = %scan3A) -> (i32)  : i32 {
      %mul3A_128 = arith.constant 16 : i32
      %mul3A_129 = arith.muli %scan3A_126, %mul3A_128 : i32
      %get3A = arith.index_cast %mul3A_129 : i32 to index
      %get3A_130 = tpu.vector_load %arg5[%get3A] {strides = array<i32>} : memref<16384xi32, #tpu.memory_space<vmem>>, vector<16xi32>,
      %sub3A = vector.broadcast %mul3A_2 : i32 to vector<16xi32>
      %sub3A_131 = arith.subi %get3A_130, %sub3A : vector<16xi32>
      %ge3A = arith.constant 0 : i32
      %ge3A_132 = vector.broadcast %ge3A : i32 to vector<16xi32>
      %ge3A_133 = arith.cmpi sge, %sub3A_131, %ge3A_132 : vector<16xi32>
      %lt3A = arith.constant 31232 : i32
      %lt3A_134 = vector.broadcast %lt3A : i32 to vector<16xi32>
      %lt3A_135 = arith.cmpi slt, %sub3A_131, %lt3A_134 : vector<16xi32>
      %and3A = arith.andi %ge3A_133, %lt3A_135 : vector<16xi1>
      %sub3A_136 = vector.broadcast %select_n3A : i32 to vector<16xi32>
      %sub3A_137 = arith.subi %get3A_130, %sub3A_136 : vector<16xi32>
      %add3A_138 = arith.constant 31232 : i32
      %add3A_139 = vector.broadcast %add3A_138 : i32 to vector<16xi32>
      %add3A_140 = arith.addi %sub3A_137, %add3A_139 : vector<16xi32>
      %ge3A_141 = arith.constant 31232 : i32
      %ge3A_142 = vector.broadcast %ge3A_141 : i32 to vector<16xi32>
      %ge3A_143 = arith.cmpi sge, %add3A_140, %ge3A_142 : vector<16xi32>
      %add3A_144 = arith.constant 31232 : i32
      %add3A_145 = arith.addi %add3A_144, %select_n3A_8 : i32
      %lt3A_146 = vector.broadcast %add3A_145 : i32 to vector<16xi32>
      %lt3A_147 = arith.cmpi slt, %add3A_140, %lt3A_146 : vector<16xi32>
      %and3A_148 = arith.andi %ge3A_143, %lt3A_147 : vector<16xi1>
      %or3A = arith.ori %and3A, %and3A_148 : vector<16xi1>
      %select_n3A_149 = arith.select %and3A_148, %add3A_140, %sub3A_131 : vector<16xi1>, vector<16xi32>
      %jit3A_150 = arith.constant 1 : i32
      %jit3A_151 = arith.constant 0 : i32
      %broadcast_in_dim3A_152 = vector.broadcast %jit3A_150 : i32 to vector<16xi32>
      %broadcast_in_dim3A_153 = vector.broadcast %jit3A_151 : i32 to vector<16xi32>
      %select_n3A_154 = arith.select %or3A, %broadcast_in_dim3A_152, %broadcast_in_dim3A_153 : vector<16xi1>, vector<16xi32>
      %broadcast_in_dim3A_155 = arith.constant true
      %broadcast_in_dim3A_156 = vector.broadcast %broadcast_in_dim3A_155 : i1 to vector<16xi1>
      %masked_cumsum3A = tpu.scan <sum>, %select_n3A_154 masked %broadcast_in_dim3A_156 : vector<16xi32>, vector<16xi1> -> vector<16xi32>
      %add3A_157 = vector.broadcast %scan3A_127 : i32 to vector<16xi32>
      %add3A_158 = arith.addi %add3A_157, %masked_cumsum3A : vector<16xi32>
      %sub3A_159 = arith.constant 1 : i32
      %sub3A_160 = vector.broadcast %sub3A_159 : i32 to vector<16xi32>
      %sub3A_161 = arith.subi %add3A_158, %sub3A_160 : vector<16xi32>
      %shift_left3A = arith.constant 14 : i32
      %shift_left3A_162 = vector.broadcast %shift_left3A : i32 to vector<16xi32>
      %shift_left3A_163 = arith.shli %select_n3A_149, %shift_left3A_162 : vector<16xi32>
      %mul3A_164 = arith.constant 16 : i32
      %mul3A_165 = arith.muli %scan3A_126, %mul3A_164 : i32
      %add3A_166 = vector.broadcast %mul3A_165 : i32 to vector<16xi32>
      %add3A_167 = arith.addi %iota3A, %add3A_166 : vector<16xi32>
      %add3A_168 = arith.addi %shift_left3A_163, %add3A_167 : vector<16xi32>
      tpu.vector_store_idx %arg6[%sub3A_161], %add3A_168 masked %or3A : memref<16384xi32, #tpu.memory_space<vmem>>[vector<16xi32>], vector<16xi32>, vector<16xi1>
      %all_reduce_population_count3A = tpu.all_reduce %or3A {dim = 0 : i64, kind = #tpu.reduction_kind<sum>} : vector<16xi1> -> vector<16xi32>
      %slice3A = vector.extract_strided_slice %all_reduce_population_count3A {offsets = [0], sizes = [1], strides = [1]} : vector<16xi32> to vector<1xi32>
      %squeeze3A = vector.extract %slice3A[0] : i32 from vector<1xi32>
      %add3A_169 = arith.addi %scan3A_127, %squeeze3A : i32
      scf.yield %add3A_169 : i32
    }
    %scan3A_38 = arith.constant 1024 : i32
    %add3A_39 = arith.constant 15 : i32
    %add3A_40 = arith.addi %scan3A_37, %add3A_39 : i32
    %div3A = arith.constant 16 : i32
    %div3A_41 = arith.divsi %add3A_40, %div3A : i32
    %add3A_42 = arith.constant 0 : i32
    %add3A_43 = arith.addi %mul3A_2, %add3A_42 : i32
    %multiple_of3A = tpu.assume_multiple %add3A_43, 128 : i32
    %dma_start3A = arith.constant 0 : i32
    %dma_start3A_44 = arith.constant 0 : i32
    %dma_start3A_45 = tpu.memref_slice %arg3[%dma_start3A_44, %multiple_of3A] : memref<64x1000000xf32, #tpu.memory_space<hbm>> -> memref<64x512xf32, #tpu.memory_space<hbm>>
    %dma_start3A_46 = tpu.memref_slice %arg11[%dma_start3A] : memref<4x!tpu.dma_semaphore, #tpu.memory_space<semaphore_mem>> -> memref<1x!tpu.dma_semaphore, #tpu.memory_space<semaphore_mem>>
    %dma_start3A_47 = tpu.memref_squeeze %dma_start3A_46 : memref<1x!tpu.dma_semaphore, #tpu.memory_space<semaphore_mem>> -> memref<!tpu.dma_semaphore, #tpu.memory_space<semaphore_mem>>
    %dma_start3A_48 = arith.constant 0 : i32
    %dma_start3A_49 = tpu.memref_slice %arg3[%dma_start3A_48, %multiple_of3A] : memref<64x1000000xf32, #tpu.memory_space<hbm>> -> memref<64x512xf32, #tpu.memory_space<hbm>>
    tpu.enqueue_dma source(%dma_start3A_49 : memref<64x512xf32, #tpu.memory_space<hbm>>) target(%arg7 : memref<64x512xf32, #tpu.memory_space<vmem>>) target_semaphore(%dma_start3A_47 : memref<!tpu.dma_semaphore, #tpu.memory_space<semaphore_mem>>)
    %add3A_50 = arith.constant 512 : i32
    %add3A_51 = arith.addi %mul3A_2, %add3A_50 : i32
    %multiple_of3A_52 = tpu.assume_multiple %add3A_51, 128 : i32
    %dma_start3A_53 = arith.constant 1 : i32
    %dma_start3A_54 = arith.constant 0 : i32
    %dma_start3A_55 = tpu.memref_slice %arg3[%dma_start3A_54, %multiple_of3A_52] : memref<64x1000000xf32, #tpu.memory_space<hbm>> -> memref<64x512xf32, #tpu.memory_space<hbm>>
    %dma_start3A_56 = tpu.memref_slice %arg11[%dma_start3A_53] : memref<4x!tpu.dma_semaphore, #tpu.memory_space<semaphore_mem>> -> memref<1x!tpu.dma_semaphore, #tpu.memory_space<semaphore_mem>>
    %dma_start3A_57 = tpu.memref_squeeze %dma_start3A_56 : memref<1x!tpu.dma_semaphore, #tpu.memory_space<semaphore_mem>> -> memref<!tpu.dma_semaphore, #tpu.memory_space<semaphore_mem>>
    %dma_start3A_58 = arith.constant 0 : i32
    %dma_start3A_59 = tpu.memref_slice %arg3[%dma_start3A_58, %multiple_of3A_52] : memref<64x1000000xf32, #tpu.memory_space<hbm>> -> memref<64x512xf32, #tpu.memory_space<hbm>>
    tpu.enqueue_dma source(%dma_start3A_59 : memref<64x512xf32, #tpu.memory_space<hbm>>) target(%arg8 : memref<64x512xf32, #tpu.memory_space<vmem>>) target_semaphore(%dma_start3A_57 : memref<!tpu.dma_semaphore, #tpu.memory_space<semaphore_mem>>)
    %scan3A_60 = arith.constant 0 : i32
    %scan3A_61 = arith.constant 0 : i32
    %scan3A_62 = arith.constant 30 : i32
    %scan3A_63 = arith.addi %scan3A_61, %scan3A_62 : i32
    %scan3A_64 = arith.constant 1 : i32
    %scan3A_65 = scf.for %scan3A_126 = %scan3A_61 to %scan3A_63 step %scan3A_64 iter_args(%scan3A_127 = %scan3A_60) -> (i32)  : i32 {
      %mul3A_128 = arith.constant 2 : i32
      %mul3A_129 = arith.muli %mul3A_128, %scan3A_126 : i32
      %jit3A_130 = arith.constant 2 : i32
      %eq3A_131 = arith.constant 0 : i32
      %eq3A_132 = arith.cmpi eq, %jit3A_130, %eq3A_131 : i32
      %jit3A_133 = arith.constant 1 : i32
      %select_n3A_134 = arith.select %eq3A_132, %jit3A_133, %jit3A_130 : i32
      %rem3A = arith.remsi %mul3A_129, %select_n3A_134 : i32
      %ne3A = arith.constant 0 : i32
      %ne3A_135 = arith.cmpi ne, %rem3A, %ne3A : i32
      %lt3A = arith.constant 0 : i32
      %lt3A_136 = arith.cmpi slt, %rem3A, %lt3A : i32
      %lt3A_137 = arith.constant 0 : i32
      %lt3A_138 = arith.cmpi slt, %select_n3A_134, %lt3A_137 : i32
      %ne3A_139 = arith.xori %lt3A_136, %lt3A_138 : i1
      %and3A = arith.andi %ne3A_139, %ne3A_135 : i1
      %add3A_140 = arith.addi %rem3A, %select_n3A_134 : i32
      %select_n3A_141 = arith.select %and3A, %add3A_140, %rem3A : i32
      %dma_wait3A_142 = arith.constant 0 : i32
      %dma_wait3A_143 = arith.constant 0 : i32
      %dma_wait3A_144 = tpu.memref_slice %arg3[%dma_wait3A_142, %dma_wait3A_143] : memref<64x1000000xf32, #tpu.memory_space<hbm>> -> memref<64x512xf32, #tpu.memory_space<hbm>>
      %dma_wait3A_145 = tpu.memref_slice %arg11[%select_n3A_141] : memref<4x!tpu.dma_semaphore, #tpu.memory_space<semaphore_mem>> -> memref<1x!tpu.dma_semaphore, #tpu.memory_space<semaphore_mem>>
      %dma_wait3A_146 = tpu.memref_squeeze %dma_wait3A_145 : memref<1x!tpu.dma_semaphore, #tpu.memory_space<semaphore_mem>> -> memref<!tpu.dma_semaphore, #tpu.memory_space<semaphore_mem>>
      %dma_wait3A_147 = arith.constant 0 : i32
      %dma_wait3A_148 = arith.constant 0 : i32
      %dma_wait3A_149 = tpu.memref_slice %arg3[%dma_wait3A_147, %dma_wait3A_148] : memref<64x1000000xf32, #tpu.memory_space<hbm>> -> memref<64x512xf32, #tpu.memory_space<hbm>>
      tpu.wait_dma2 semaphore(%dma_wait3A_146 : memref<!tpu.dma_semaphore, #tpu.memory_space<semaphore_mem>>) src(%dma_wait3A_149 : memref<64x512xf32, #tpu.memory_space<hbm>>) dst(%arg7 : memref<64x512xf32, #tpu.memory_space<vmem>>)
      %mul3A_150 = arith.constant 512 : i32
      %mul3A_151 = arith.muli %mul3A_129, %mul3A_150 : i32
      %while3A_152 = arith.constant 0 : i32
      %while3A_153 = arith.subi %div3A_41, %while3A_152 : i32
      %while3A_154 = arith.addi %while3A_152, %while3A_153 : i32
      %while3A_155 = arith.constant 1 : i32
      %while3A_156 = arith.divsi %while3A_153, %while3A_155 : i32
      %while3A_157 = arith.muli %while3A_156, %while3A_155 : i32
      %while3A_158 = arith.addi %while3A_152, %while3A_157 : i32
      %while3A_159 = arith.constant 1 : i32
      %while3A_160 = scf.for %while3A_216 = %while3A_152 to %while3A_158 step %while3A_159 iter_args(%while3A_217 = %scan3A_127) -> (i32)  : i32 {
        %mul3A_218 = arith.constant 16 : i32
        %mul3A_219 = arith.muli %while3A_216, %mul3A_218 : i32
        %get3A = arith.index_cast %mul3A_219 : i32 to index
        %get3A_220 = tpu.vector_load %arg6[%get3A] {strides = array<i32>} : memref<16384xi32, #tpu.memory_space<vmem>>, vector<16xi32>,
        %mul3A_221 = arith.constant 16 : i32
        %mul3A_222 = arith.muli %while3A_216, %mul3A_221 : i32
        %add3A_223 = vector.broadcast %mul3A_222 : i32 to vector<16xi32>
        %add3A_224 = arith.addi %iota3A, %add3A_223 : vector<16xi32>
        %lt3A_225 = vector.broadcast %scan3A_37 : i32 to vector<16xi32>
        %lt3A_226 = arith.cmpi slt, %add3A_224, %lt3A_225 : vector<16xi32>
        %shift_right_logical3A = arith.constant 14 : i32
        %shift_right_logical3A_227 = vector.broadcast %shift_right_logical3A : i32 to vector<16xi32>
        %shift_right_logical3A_228 = arith.shrui %get3A_220, %shift_right_logical3A_227 : vector<16xi32>
        %ge3A = vector.broadcast %mul3A_151 : i32 to vector<16xi32>
        %ge3A_229 = arith.cmpi sge, %shift_right_logical3A_228, %ge3A : vector<16xi32>
        %and3A_230 = arith.andi %lt3A_226, %ge3A_229 : vector<16xi1>
        %add3A_231 = arith.constant 512 : i32
        %add3A_232 = arith.addi %mul3A_151, %add3A_231 : i32
        %lt3A_233 = vector.broadcast %add3A_232 : i32 to vector<16xi32>
        %lt3A_234 = arith.cmpi slt, %shift_right_logical3A_228, %lt3A_233 : vector<16xi32>
        %and3A_235 = arith.andi %and3A_230, %lt3A_234 : vector<16xi1>
        %jit3A_236 = arith.constant 1 : i32
        %jit3A_237 = arith.constant 0 : i32
        %broadcast_in_dim3A_238 = vector.broadcast %jit3A_236 : i32 to vector<16xi32>
        %broadcast_in_dim3A_239 = vector.broadcast %jit3A_237 : i32 to vector<16xi32>
        %select_n3A_240 = arith.select %and3A_235, %broadcast_in_dim3A_238, %broadcast_in_dim3A_239 : vector<16xi1>, vector<16xi32>
        %broadcast_in_dim3A_241 = arith.constant true
        %broadcast_in_dim3A_242 = vector.broadcast %broadcast_in_dim3A_241 : i1 to vector<16xi1>
        %masked_cumsum3A = tpu.scan <sum>, %select_n3A_240 masked %broadcast_in_dim3A_242 : vector<16xi32>, vector<16xi1> -> vector<16xi32>
        %sub3A = arith.constant 1 : i32
        %sub3A_243 = vector.broadcast %sub3A : i32 to vector<16xi32>
        %sub3A_244 = arith.subi %masked_cumsum3A, %sub3A_243 : vector<16xi32>
        %all_reduce_population_count3A = tpu.all_reduce %and3A_235 {dim = 0 : i64, kind = #tpu.reduction_kind<sum>} : vector<16xi1> -> vector<16xi32>
        %slice3A = vector.extract_strided_slice %all_reduce_population_count3A {offsets = [0], sizes = [1], strides = [1]} : vector<16xi32> to vector<1xi32>
        %squeeze3A = vector.extract %slice3A[0] : i32 from vector<1xi32>
        %sub3A_245 = vector.broadcast %mul3A_151 : i32 to vector<16xi32>
        %sub3A_246 = arith.subi %shift_right_logical3A_228, %sub3A_245 : vector<16xi32>
        %jit3A_247 = arith.constant 0 : i32
        %broadcast_in_dim3A_248 = vector.broadcast %jit3A_247 : i32 to vector<16xi32>
        %select_n3A_249 = arith.select %and3A_235, %sub3A_246, %broadcast_in_dim3A_248 : vector<16xi1>, vector<16xi32>
        %and3A_250 = arith.constant 16383 : i32
        %and3A_251 = vector.broadcast %and3A_250 : i32 to vector<16xi32>
        %and3A_252 = arith.andi %get3A_220, %and3A_251 : vector<16xi32>
        %jit3A_253 = arith.constant 0 : i32
        %broadcast_in_dim3A_254 = vector.broadcast %jit3A_253 : i32 to vector<16xi32>
        %select_n3A_255 = arith.select %and3A_235, %and3A_252, %broadcast_in_dim3A_254 : vector<16xi1>, vector<16xi32>
        %while3A_256 = arith.constant 0 : i32
        %while3A_257 = arith.subi %squeeze3A, %while3A_256 : i32
        %while3A_258 = arith.addi %while3A_256, %while3A_257 : i32
        %while3A_259 = arith.constant 1 : i32
        %while3A_260 = arith.divsi %while3A_257, %while3A_259 : i32
        %while3A_261 = arith.muli %while3A_260, %while3A_259 : i32
        %while3A_262 = arith.addi %while3A_256, %while3A_261 : i32
        %while3A_263 = arith.constant 1 : i32
        %while3A_264 = scf.for %while3A_267 = %while3A_256 to %while3A_262 step %while3A_263 iter_args(%while3A_268 = %while3A_217) -> (i32)  : i32 {
          %eq3A_269 = arith.constant 128 : i32
          %eq3A_270 = arith.cmpi eq, %while3A_268, %eq3A_269 : i32
          %convert_element_type3A_271 = arith.extui %eq3A_270 : i1 to i32
          %cond3A_272 = arith.constant 0 : i32
          %cond3A_273 = arith.cmpi ne, %convert_element_type3A_271, %cond3A_272 : i32
          scf.if %cond3A_273 {
            %dma_start3A_336 = arith.constant 2 : i32
            %dma_start3A_337 = arith.constant 0 : i32
            %dma_start3A_338 = arith.constant 0 : i32
            %dma_start3A_339 = tpu.memref_slice %arg4[%dma_start3A_337, %dma_start3A_338] : memref<16385x128xf32, #tpu.memory_space<hbm>> -> memref<16385x128xf32, #tpu.memory_space<hbm>>
            %dma_start3A_340 = tpu.memref_slice %arg11[%dma_start3A_336] : memref<4x!tpu.dma_semaphore, #tpu.memory_space<semaphore_mem>> -> memref<1x!tpu.dma_semaphore, #tpu.memory_space<semaphore_mem>>
            %dma_start3A_341 = tpu.memref_squeeze %dma_start3A_340 : memref<1x!tpu.dma_semaphore, #tpu.memory_space<semaphore_mem>> -> memref<!tpu.dma_semaphore, #tpu.memory_space<semaphore_mem>>
            tpu.enqueue_indirect_dma source(%arg9 : memref<128x128xf32, #tpu.memory_space<vmem>>) target(%dma_start3A_339 : memref<16385x128xf32, #tpu.memory_space<hbm>>) offsets(%arg10 : memref<128xi32, #tpu.memory_space<vmem>>) semaphore(%dma_start3A_341 : memref<!tpu.dma_semaphore, #tpu.memory_space<semaphore_mem>>)
            %dma_wait3A_342 = arith.constant 2 : i32
            %dma_wait3A_343 = arith.constant 0 : i32
            %dma_wait3A_344 = arith.constant 0 : i32
            %dma_wait3A_345 = tpu.memref_slice %arg4[%dma_wait3A_343, %dma_wait3A_344] : memref<16385x128xf32, #tpu.memory_space<hbm>> -> memref<16385x128xf32, #tpu.memory_space<hbm>>
            %dma_wait3A_346 = tpu.memref_slice %arg11[%dma_wait3A_342] : memref<4x!tpu.dma_semaphore, #tpu.memory_space<semaphore_mem>> -> memref<1x!tpu.dma_semaphore, #tpu.memory_space<semaphore_mem>>
            %dma_wait3A_347 = tpu.memref_squeeze %dma_wait3A_346 : memref<1x!tpu.dma_semaphore, #tpu.memory_space<semaphore_mem>> -> memref<!tpu.dma_semaphore, #tpu.memory_space<semaphore_mem>>
            tpu.wait_indirect_dma semaphore(%dma_wait3A_347 : memref<!tpu.dma_semaphore, #tpu.memory_space<semaphore_mem>>) src(%arg9 : memref<128x128xf32, #tpu.memory_space<vmem>>) dst(%dma_wait3A_345 : memref<16385x128xf32, #tpu.memory_space<hbm>>)
            %add3A_348 = arith.constant 0 : i32
            %add3A_349 = vector.broadcast %add3A_348 : i32 to vector<16xi32>
            %add3A_350 = arith.addi %iota3A, %add3A_349 : vector<16xi32>
            tpu.vector_store_idx %arg10[%add3A_350], %broadcast_in_dim3A_3 : memref<128xi32, #tpu.memory_space<vmem>>[vector<16xi32>], vector<16xi32>,
            %add3A_351 = arith.constant 16 : i32
            %add3A_352 = vector.broadcast %add3A_351 : i32 to vector<16xi32>
            %add3A_353 = arith.addi %iota3A, %add3A_352 : vector<16xi32>
            tpu.vector_store_idx %arg10[%add3A_353], %broadcast_in_dim3A_3 : memref<128xi32, #tpu.memory_space<vmem>>[vector<16xi32>], vector<16xi32>,
            %add3A_354 = arith.constant 32 : i32
            %add3A_355 = vector.broadcast %add3A_354 : i32 to vector<16xi32>
            %add3A_356 = arith.addi %iota3A, %add3A_355 : vector<16xi32>
            tpu.vector_store_idx %arg10[%add3A_356], %broadcast_in_dim3A_3 : memref<128xi32, #tpu.memory_space<vmem>>[vector<16xi32>], vector<16xi32>,
            %add3A_357 = arith.constant 48 : i32
            %add3A_358 = vector.broadcast %add3A_357 : i32 to vector<16xi32>
            %add3A_359 = arith.addi %iota3A, %add3A_358 : vector<16xi32>
            tpu.vector_store_idx %arg10[%add3A_359], %broadcast_in_dim3A_3 : memref<128xi32, #tpu.memory_space<vmem>>[vector<16xi32>], vector<16xi32>,
            %add3A_360 = arith.constant 64 : i32
            %add3A_361 = vector.broadcast %add3A_360 : i32 to vector<16xi32>
            %add3A_362 = arith.addi %iota3A, %add3A_361 : vector<16xi32>
            tpu.vector_store_idx %arg10[%add3A_362], %broadcast_in_dim3A_3 : memref<128xi32, #tpu.memory_space<vmem>>[vector<16xi32>], vector<16xi32>,
            %add3A_363 = arith.constant 80 : i32
            %add3A_364 = vector.broadcast %add3A_363 : i32 to vector<16xi32>
            %add3A_365 = arith.addi %iota3A, %add3A_364 : vector<16xi32>
            tpu.vector_store_idx %arg10[%add3A_365], %broadcast_in_dim3A_3 : memref<128xi32, #tpu.memory_space<vmem>>[vector<16xi32>], vector<16xi32>,
            %add3A_366 = arith.constant 96 : i32
            %add3A_367 = vector.broadcast %add3A_366 : i32 to vector<16xi32>
            %add3A_368 = arith.addi %iota3A, %add3A_367 : vector<16xi32>
            tpu.vector_store_idx %arg10[%add3A_368], %broadcast_in_dim3A_3 : memref<128xi32, #tpu.memory_space<vmem>>[vector<16xi32>], vector<16xi32>,
            %add3A_369 = arith.constant 112 : i32
            %add3A_370 = vector.broadcast %add3A_369 : i32 to vector<16xi32>
            %add3A_371 = arith.addi %iota3A, %add3A_370 : vector<16xi32>
            tpu.vector_store_idx %arg10[%add3A_371], %broadcast_in_dim3A_3 : memref<128xi32, #tpu.memory_space<vmem>>[vector<16xi32>], vector<16xi32>,
          } else {
          }
          %eq3A_274 = arith.constant 128 : i32
          %eq3A_275 = arith.cmpi eq, %while3A_268, %eq3A_274 : i32
          %jit3A_276 = arith.constant 0 : i32
          %select_n3A_277 = arith.select %eq3A_275, %jit3A_276, %while3A_268 : i32
          %broadcast_in_dim3A_278 = vector.broadcast %while3A_267 : i32 to vector<16xi32>
          %eq3A_279 = arith.cmpi eq, %sub3A_244, %broadcast_in_dim3A_278 : vector<16xi32>
          %and3A_280 = arith.andi %and3A_235, %eq3A_279 : vector<16xi1>
          %jit3A_281 = arith.constant 0 : i32
          %broadcast_in_dim3A_282 = vector.broadcast %jit3A_281 : i32 to vector<16xi32>
          %select_n3A_283 = arith.select %and3A_280, %select_n3A_249, %broadcast_in_dim3A_282 : vector<16xi1>, vector<16xi32>
          %reduce_max3A = arith.constant true
          %reduce_max3A_284 = vector.broadcast %reduce_max3A : i1 to vector<16xi1>
          %reduce_max3A_285 = arith.constant -2147483648 : i32
          %reduce_max3A_286 = vector.broadcast %reduce_max3A_285 : i32 to vector<16xi32>
          %reduce_max3A_287 = arith.xori %select_n3A_283, %reduce_max3A_286 : vector<16xi32>
          %reduce_max3A_288 = tpu.scan <max>, %reduce_max3A_287 masked %reduce_max3A_284 : vector<16xi32>, vector<16xi1> -> vector<16xi32>
          %reduce_max3A_289 = arith.xori %reduce_max3A_288, %reduce_max3A_286 : vector<16xi32>
          %reduce_max3A_290 = vector.extract %reduce_max3A_289[15] : i32 from vector<16xi32>
          %jit3A_291 = arith.constant 0 : i32
          %broadcast_in_dim3A_292 = vector.broadcast %jit3A_291 : i32 to vector<16xi32>
          %select_n3A_293 = arith.select %and3A_280, %select_n3A_255, %broadcast_in_dim3A_292 : vector<16xi1>, vector<16xi32>
          %reduce_max3A_294 = arith.constant true
          %reduce_max3A_295 = vector.broadcast %reduce_max3A_294 : i1 to vector<16xi1>
          %reduce_max3A_296 = arith.constant -2147483648 : i32
          %reduce_max3A_297 = vector.broadcast %reduce_max3A_296 : i32 to vector<16xi32>
          %reduce_max3A_298 = arith.xori %select_n3A_293, %reduce_max3A_297 : vector<16xi32>
          %reduce_max3A_299 = tpu.scan <max>, %reduce_max3A_298 masked %reduce_max3A_295 : vector<16xi32>, vector<16xi1> -> vector<16xi32>
          %reduce_max3A_300 = arith.xori %reduce_max3A_299, %reduce_max3A_297 : vector<16xi32>
          %reduce_max3A_301 = vector.extract %reduce_max3A_300[15] : i32 from vector<16xi32>
          %broadcast_in_dim3A_302 = vector.broadcast %reduce_max3A_290 : i32 to vector<16xi32>
          %add3A_303 = arith.constant 0 : i32
          %add3A_304 = vector.broadcast %add3A_303 : i32 to vector<16xi32>
          %add3A_305 = arith.addi %iota3A, %add3A_304 : vector<16xi32>
          %gather3A = tpu.vector_load_idx %arg7[%add3A_305, %broadcast_in_dim3A_302] : memref<64x512xf32, #tpu.memory_space<vmem>>[vector<16xi32>, vector<16xi32>], vector<16xf32>,
          %swap3A = arith.index_cast %select_n3A_277 : i32 to index
          %swap3A_306 = arith.constant 0 : index
          %swap3A_307 = tpu.vector_load %arg9[%swap3A, %swap3A_306] {strides = array<i32>} : memref<128x128xf32, #tpu.memory_space<vmem>>, vector<16xf32>,
          tpu.vector_store %arg9[%swap3A, %swap3A_306], %gather3A {strides = array<i32>} : memref<128x128xf32, #tpu.memory_space<vmem>>, vector<16xf32>,
          %add3A_308 = arith.constant 16 : i32
          %add3A_309 = vector.broadcast %add3A_308 : i32 to vector<16xi32>
          %add3A_310 = arith.addi %iota3A, %add3A_309 : vector<16xi32>
          %gather3A_311 = tpu.vector_load_idx %arg7[%add3A_310, %broadcast_in_dim3A_302] : memref<64x512xf32, #tpu.memory_space<vmem>>[vector<16xi32>, vector<16xi32>], vector<16xf32>,
          %swap3A_312 = arith.index_cast %select_n3A_277 : i32 to index
          %swap3A_313 = arith.constant 16 : index
          %swap3A_314 = tpu.vector_load %arg9[%swap3A_312, %swap3A_313] {strides = array<i32>} : memref<128x128xf32, #tpu.memory_space<vmem>>, vector<16xf32>,
          tpu.vector_store %arg9[%swap3A_312, %swap3A_313], %gather3A_311 {strides = array<i32>} : memref<128x128xf32, #tpu.memory_space<vmem>>, vector<16xf32>,
          %add3A_315 = arith.constant 32 : i32
          %add3A_316 = vector.broadcast %add3A_315 : i32 to vector<16xi32>
          %add3A_317 = arith.addi %iota3A, %add3A_316 : vector<16xi32>
          %gather3A_318 = tpu.vector_load_idx %arg7[%add3A_317, %broadcast_in_dim3A_302] : memref<64x512xf32, #tpu.memory_space<vmem>>[vector<16xi32>, vector<16xi32>], vector<16xf32>,
          %swap3A_319 = arith.index_cast %select_n3A_277 : i32 to index
          %swap3A_320 = arith.constant 32 : index
          %swap3A_321 = tpu.vector_load %arg9[%swap3A_319, %swap3A_320] {strides = array<i32>} : memref<128x128xf32, #tpu.memory_space<vmem>>, vector<16xf32>,
          tpu.vector_store %arg9[%swap3A_319, %swap3A_320], %gather3A_318 {strides = array<i32>} : memref<128x128xf32, #tpu.memory_space<vmem>>, vector<16xf32>,
          %add3A_322 = arith.constant 48 : i32
          %add3A_323 = vector.broadcast %add3A_322 : i32 to vector<16xi32>
          %add3A_324 = arith.addi %iota3A, %add3A_323 : vector<16xi32>
          %gather3A_325 = tpu.vector_load_idx %arg7[%add3A_324, %broadcast_in_dim3A_302] : memref<64x512xf32, #tpu.memory_space<vmem>>[vector<16xi32>, vector<16xi32>], vector<16xf32>,
          %swap3A_326 = arith.index_cast %select_n3A_277 : i32 to index
          %swap3A_327 = arith.constant 48 : index
          %swap3A_328 = tpu.vector_load %arg9[%swap3A_326, %swap3A_327] {strides = array<i32>} : memref<128x128xf32, #tpu.memory_space<vmem>>, vector<16xf32>,
          tpu.vector_store %arg9[%swap3A_326, %swap3A_327], %gather3A_325 {strides = array<i32>} : memref<128x128xf32, #tpu.memory_space<vmem>>, vector<16xf32>,
          %broadcast_in_dim3A_329 = vector.broadcast %select_n3A_277 : i32 to vector<16xi32>
          %broadcast_in_dim3A_330 = vector.broadcast %reduce_max3A_301 : i32 to vector<16xi32>
          %eq3A_331 = arith.constant 0 : i32
          %eq3A_332 = vector.broadcast %eq3A_331 : i32 to vector<16xi32>
          %eq3A_333 = arith.cmpi eq, %iota3A, %eq3A_332 : vector<16xi32>
          tpu.vector_store_idx %arg10[%broadcast_in_dim3A_329], %broadcast_in_dim3A_330 masked %eq3A_333 : memref<128xi32, #tpu.memory_space<vmem>>[vector<16xi32>], vector<16xi32>, vector<16xi1>
          %add3A_334 = arith.constant 1 : i32
          %add3A_335 = arith.addi %select_n3A_277, %add3A_334 : i32
          scf.yield %add3A_335 : i32
        }
        %while3A_265 = arith.constant 1 : i32
        %while3A_266 = scf.for %while3A_267 = %while3A_262 to %while3A_258 step %while3A_265 iter_args(%while3A_268 = %while3A_264) -> (i32)  : i32 {
          %eq3A_269 = arith.constant 128 : i32
          %eq3A_270 = arith.cmpi eq, %while3A_268, %eq3A_269 : i32
          %convert_element_type3A_271 = arith.extui %eq3A_270 : i1 to i32
          %cond3A_272 = arith.constant 0 : i32
          %cond3A_273 = arith.cmpi ne, %convert_element_type3A_271, %cond3A_272 : i32
          scf.if %cond3A_273 {
            %dma_start3A_336 = arith.constant 2 : i32
            %dma_start3A_337 = arith.constant 0 : i32
            %dma_start3A_338 = arith.constant 0 : i32
            %dma_start3A_339 = tpu.memref_slice %arg4[%dma_start3A_337, %dma_start3A_338] : memref<16385x128xf32, #tpu.memory_space<hbm>> -> memref<16385x128xf32, #tpu.memory_space<hbm>>
            %dma_start3A_340 = tpu.memref_slice %arg11[%dma_start3A_336] : memref<4x!tpu.dma_semaphore, #tpu.memory_space<semaphore_mem>> -> memref<1x!tpu.dma_semaphore, #tpu.memory_space<semaphore_mem>>
            %dma_start3A_341 = tpu.memref_squeeze %dma_start3A_340 : memref<1x!tpu.dma_semaphore, #tpu.memory_space<semaphore_mem>> -> memref<!tpu.dma_semaphore, #tpu.memory_space<semaphore_mem>>
            tpu.enqueue_indirect_dma source(%arg9 : memref<128x128xf32, #tpu.memory_space<vmem>>) target(%dma_start3A_339 : memref<16385x128xf32, #tpu.memory_space<hbm>>) offsets(%arg10 : memref<128xi32, #tpu.memory_space<vmem>>) semaphore(%dma_start3A_341 : memref<!tpu.dma_semaphore, #tpu.memory_space<semaphore_mem>>)
            %dma_wait3A_342 = arith.constant 2 : i32
            %dma_wait3A_343 = arith.constant 0 : i32
            %dma_wait3A_344 = arith.constant 0 : i32
            %dma_wait3A_345 = tpu.memref_slice %arg4[%dma_wait3A_343, %dma_wait3A_344] : memref<16385x128xf32, #tpu.memory_space<hbm>> -> memref<16385x128xf32, #tpu.memory_space<hbm>>
            %dma_wait3A_346 = tpu.memref_slice %arg11[%dma_wait3A_342] : memref<4x!tpu.dma_semaphore, #tpu.memory_space<semaphore_mem>> -> memref<1x!tpu.dma_semaphore, #tpu.memory_space<semaphore_mem>>
            %dma_wait3A_347 = tpu.memref_squeeze %dma_wait3A_346 : memref<1x!tpu.dma_semaphore, #tpu.memory_space<semaphore_mem>> -> memref<!tpu.dma_semaphore, #tpu.memory_space<semaphore_mem>>
            tpu.wait_indirect_dma semaphore(%dma_wait3A_347 : memref<!tpu.dma_semaphore, #tpu.memory_space<semaphore_mem>>) src(%arg9 : memref<128x128xf32, #tpu.memory_space<vmem>>) dst(%dma_wait3A_345 : memref<16385x128xf32, #tpu.memory_space<hbm>>)
            %add3A_348 = arith.constant 0 : i32
            %add3A_349 = vector.broadcast %add3A_348 : i32 to vector<16xi32>
            %add3A_350 = arith.addi %iota3A, %add3A_349 : vector<16xi32>
            tpu.vector_store_idx %arg10[%add3A_350], %broadcast_in_dim3A_3 : memref<128xi32, #tpu.memory_space<vmem>>[vector<16xi32>], vector<16xi32>,
            %add3A_351 = arith.constant 16 : i32
            %add3A_352 = vector.broadcast %add3A_351 : i32 to vector<16xi32>
            %add3A_353 = arith.addi %iota3A, %add3A_352 : vector<16xi32>
            tpu.vector_store_idx %arg10[%add3A_353], %broadcast_in_dim3A_3 : memref<128xi32, #tpu.memory_space<vmem>>[vector<16xi32>], vector<16xi32>,
            %add3A_354 = arith.constant 32 : i32
            %add3A_355 = vector.broadcast %add3A_354 : i32 to vector<16xi32>
            %add3A_356 = arith.addi %iota3A, %add3A_355 : vector<16xi32>
            tpu.vector_store_idx %arg10[%add3A_356], %broadcast_in_dim3A_3 : memref<128xi32, #tpu.memory_space<vmem>>[vector<16xi32>], vector<16xi32>,
            %add3A_357 = arith.constant 48 : i32
            %add3A_358 = vector.broadcast %add3A_357 : i32 to vector<16xi32>
            %add3A_359 = arith.addi %iota3A, %add3A_358 : vector<16xi32>
            tpu.vector_store_idx %arg10[%add3A_359], %broadcast_in_dim3A_3 : memref<128xi32, #tpu.memory_space<vmem>>[vector<16xi32>], vector<16xi32>,
            %add3A_360 = arith.constant 64 : i32
            %add3A_361 = vector.broadcast %add3A_360 : i32 to vector<16xi32>
            %add3A_362 = arith.addi %iota3A, %add3A_361 : vector<16xi32>
            tpu.vector_store_idx %arg10[%add3A_362], %broadcast_in_dim3A_3 : memref<128xi32, #tpu.memory_space<vmem>>[vector<16xi32>], vector<16xi32>,
            %add3A_363 = arith.constant 80 : i32
            %add3A_364 = vector.broadcast %add3A_363 : i32 to vector<16xi32>
            %add3A_365 = arith.addi %iota3A, %add3A_364 : vector<16xi32>
            tpu.vector_store_idx %arg10[%add3A_365], %broadcast_in_dim3A_3 : memref<128xi32, #tpu.memory_space<vmem>>[vector<16xi32>], vector<16xi32>,
            %add3A_366 = arith.constant 96 : i32
            %add3A_367 = vector.broadcast %add3A_366 : i32 to vector<16xi32>
            %add3A_368 = arith.addi %iota3A, %add3A_367 : vector<16xi32>
            tpu.vector_store_idx %arg10[%add3A_368], %broadcast_in_dim3A_3 : memref<128xi32, #tpu.memory_space<vmem>>[vector<16xi32>], vector<16xi32>,
            %add3A_369 = arith.constant 112 : i32
            %add3A_370 = vector.broadcast %add3A_369 : i32 to vector<16xi32>
            %add3A_371 = arith.addi %iota3A, %add3A_370 : vector<16xi32>
            tpu.vector_store_idx %arg10[%add3A_371], %broadcast_in_dim3A_3 : memref<128xi32, #tpu.memory_space<vmem>>[vector<16xi32>], vector<16xi32>,
          } else {
          }
          %eq3A_274 = arith.constant 128 : i32
          %eq3A_275 = arith.cmpi eq, %while3A_268, %eq3A_274 : i32
          %jit3A_276 = arith.constant 0 : i32
          %select_n3A_277 = arith.select %eq3A_275, %jit3A_276, %while3A_268 : i32
          %broadcast_in_dim3A_278 = vector.broadcast %while3A_267 : i32 to vector<16xi32>
          %eq3A_279 = arith.cmpi eq, %sub3A_244, %broadcast_in_dim3A_278 : vector<16xi32>
          %and3A_280 = arith.andi %and3A_235, %eq3A_279 : vector<16xi1>
          %jit3A_281 = arith.constant 0 : i32
          %broadcast_in_dim3A_282 = vector.broadcast %jit3A_281 : i32 to vector<16xi32>
          %select_n3A_283 = arith.select %and3A_280, %select_n3A_249, %broadcast_in_dim3A_282 : vector<16xi1>, vector<16xi32>
          %reduce_max3A = arith.constant true
          %reduce_max3A_284 = vector.broadcast %reduce_max3A : i1 to vector<16xi1>
          %reduce_max3A_285 = arith.constant -2147483648 : i32
          %reduce_max3A_286 = vector.broadcast %reduce_max3A_285 : i32 to vector<16xi32>
          %reduce_max3A_287 = arith.xori %select_n3A_283, %reduce_max3A_286 : vector<16xi32>
          %reduce_max3A_288 = tpu.scan <max>, %reduce_max3A_287 masked %reduce_max3A_284 : vector<16xi32>, vector<16xi1> -> vector<16xi32>
          %reduce_max3A_289 = arith.xori %reduce_max3A_288, %reduce_max3A_286 : vector<16xi32>
          %reduce_max3A_290 = vector.extract %reduce_max3A_289[15] : i32 from vector<16xi32>
          %jit3A_291 = arith.constant 0 : i32
          %broadcast_in_dim3A_292 = vector.broadcast %jit3A_291 : i32 to vector<16xi32>
          %select_n3A_293 = arith.select %and3A_280, %select_n3A_255, %broadcast_in_dim3A_292 : vector<16xi1>, vector<16xi32>
          %reduce_max3A_294 = arith.constant true
          %reduce_max3A_295 = vector.broadcast %reduce_max3A_294 : i1 to vector<16xi1>
          %reduce_max3A_296 = arith.constant -2147483648 : i32
          %reduce_max3A_297 = vector.broadcast %reduce_max3A_296 : i32 to vector<16xi32>
          %reduce_max3A_298 = arith.xori %select_n3A_293, %reduce_max3A_297 : vector<16xi32>
          %reduce_max3A_299 = tpu.scan <max>, %reduce_max3A_298 masked %reduce_max3A_295 : vector<16xi32>, vector<16xi1> -> vector<16xi32>
          %reduce_max3A_300 = arith.xori %reduce_max3A_299, %reduce_max3A_297 : vector<16xi32>
          %reduce_max3A_301 = vector.extract %reduce_max3A_300[15] : i32 from vector<16xi32>
          %broadcast_in_dim3A_302 = vector.broadcast %reduce_max3A_290 : i32 to vector<16xi32>
          %add3A_303 = arith.constant 0 : i32
          %add3A_304 = vector.broadcast %add3A_303 : i32 to vector<16xi32>
          %add3A_305 = arith.addi %iota3A, %add3A_304 : vector<16xi32>
          %gather3A = tpu.vector_load_idx %arg7[%add3A_305, %broadcast_in_dim3A_302] : memref<64x512xf32, #tpu.memory_space<vmem>>[vector<16xi32>, vector<16xi32>], vector<16xf32>,
          %swap3A = arith.index_cast %select_n3A_277 : i32 to index
          %swap3A_306 = arith.constant 0 : index
          %swap3A_307 = tpu.vector_load %arg9[%swap3A, %swap3A_306] {strides = array<i32>} : memref<128x128xf32, #tpu.memory_space<vmem>>, vector<16xf32>,
          tpu.vector_store %arg9[%swap3A, %swap3A_306], %gather3A {strides = array<i32>} : memref<128x128xf32, #tpu.memory_space<vmem>>, vector<16xf32>,
          %add3A_308 = arith.constant 16 : i32
          %add3A_309 = vector.broadcast %add3A_308 : i32 to vector<16xi32>
          %add3A_310 = arith.addi %iota3A, %add3A_309 : vector<16xi32>
          %gather3A_311 = tpu.vector_load_idx %arg7[%add3A_310, %broadcast_in_dim3A_302] : memref<64x512xf32, #tpu.memory_space<vmem>>[vector<16xi32>, vector<16xi32>], vector<16xf32>,
          %swap3A_312 = arith.index_cast %select_n3A_277 : i32 to index
          %swap3A_313 = arith.constant 16 : index
          %swap3A_314 = tpu.vector_load %arg9[%swap3A_312, %swap3A_313] {strides = array<i32>} : memref<128x128xf32, #tpu.memory_space<vmem>>, vector<16xf32>,
          tpu.vector_store %arg9[%swap3A_312, %swap3A_313], %gather3A_311 {strides = array<i32>} : memref<128x128xf32, #tpu.memory_space<vmem>>, vector<16xf32>,
          %add3A_315 = arith.constant 32 : i32
          %add3A_316 = vector.broadcast %add3A_315 : i32 to vector<16xi32>
          %add3A_317 = arith.addi %iota3A, %add3A_316 : vector<16xi32>
          %gather3A_318 = tpu.vector_load_idx %arg7[%add3A_317, %broadcast_in_dim3A_302] : memref<64x512xf32, #tpu.memory_space<vmem>>[vector<16xi32>, vector<16xi32>], vector<16xf32>,
          %swap3A_319 = arith.index_cast %select_n3A_277 : i32 to index
          %swap3A_320 = arith.constant 32 : index
          %swap3A_321 = tpu.vector_load %arg9[%swap3A_319, %swap3A_320] {strides = array<i32>} : memref<128x128xf32, #tpu.memory_space<vmem>>, vector<16xf32>,
          tpu.vector_store %arg9[%swap3A_319, %swap3A_320], %gather3A_318 {strides = array<i32>} : memref<128x128xf32, #tpu.memory_space<vmem>>, vector<16xf32>,
          %add3A_322 = arith.constant 48 : i32
          %add3A_323 = vector.broadcast %add3A_322 : i32 to vector<16xi32>
          %add3A_324 = arith.addi %iota3A, %add3A_323 : vector<16xi32>
          %gather3A_325 = tpu.vector_load_idx %arg7[%add3A_324, %broadcast_in_dim3A_302] : memref<64x512xf32, #tpu.memory_space<vmem>>[vector<16xi32>, vector<16xi32>], vector<16xf32>,
          %swap3A_326 = arith.index_cast %select_n3A_277 : i32 to index
          %swap3A_327 = arith.constant 48 : index
          %swap3A_328 = tpu.vector_load %arg9[%swap3A_326, %swap3A_327] {strides = array<i32>} : memref<128x128xf32, #tpu.memory_space<vmem>>, vector<16xf32>,
          tpu.vector_store %arg9[%swap3A_326, %swap3A_327], %gather3A_325 {strides = array<i32>} : memref<128x128xf32, #tpu.memory_space<vmem>>, vector<16xf32>,
          %broadcast_in_dim3A_329 = vector.broadcast %select_n3A_277 : i32 to vector<16xi32>
          %broadcast_in_dim3A_330 = vector.broadcast %reduce_max3A_301 : i32 to vector<16xi32>
          %eq3A_331 = arith.constant 0 : i32
          %eq3A_332 = vector.broadcast %eq3A_331 : i32 to vector<16xi32>
          %eq3A_333 = arith.cmpi eq, %iota3A, %eq3A_332 : vector<16xi32>
          tpu.vector_store_idx %arg10[%broadcast_in_dim3A_329], %broadcast_in_dim3A_330 masked %eq3A_333 : memref<128xi32, #tpu.memory_space<vmem>>[vector<16xi32>], vector<16xi32>, vector<16xi1>
          %add3A_334 = arith.constant 1 : i32
          %add3A_335 = arith.addi %select_n3A_277, %add3A_334 : i32
          scf.yield %add3A_335 : i32
        }
        scf.yield %while3A_266 : i32
      }
      %while3A_161 = arith.constant 1 : i32
      %while3A_162 = scf.for %while3A_216 = %while3A_158 to %while3A_154 step %while3A_161 iter_args(%while3A_217 = %while3A_160) -> (i32)  : i32 {
        %mul3A_218 = arith.constant 16 : i32
        %mul3A_219 = arith.muli %while3A_216, %mul3A_218 : i32
        %get3A = arith.index_cast %mul3A_219 : i32 to index
        %get3A_220 = tpu.vector_load %arg6[%get3A] {strides = array<i32>} : memref<16384xi32, #tpu.memory_space<vmem>>, vector<16xi32>,
        %mul3A_221 = arith.constant 16 : i32
        %mul3A_222 = arith.muli %while3A_216, %mul3A_221 : i32
        %add3A_223 = vector.broadcast %mul3A_222 : i32 to vector<16xi32>
        %add3A_224 = arith.addi %iota3A, %add3A_223 : vector<16xi32>
        %lt3A_225 = vector.broadcast %scan3A_37 : i32 to vector<16xi32>
        %lt3A_226 = arith.cmpi slt, %add3A_224, %lt3A_225 : vector<16xi32>
        %shift_right_logical3A = arith.constant 14 : i32
        %shift_right_logical3A_227 = vector.broadcast %shift_right_logical3A : i32 to vector<16xi32>
        %shift_right_logical3A_228 = arith.shrui %get3A_220, %shift_right_logical3A_227 : vector<16xi32>
        %ge3A = vector.broadcast %mul3A_151 : i32 to vector<16xi32>
        %ge3A_229 = arith.cmpi sge, %shift_right_logical3A_228, %ge3A : vector<16xi32>
        %and3A_230 = arith.andi %lt3A_226, %ge3A_229 : vector<16xi1>
        %add3A_231 = arith.constant 512 : i32
        %add3A_232 = arith.addi %mul3A_151, %add3A_231 : i32
        %lt3A_233 = vector.broadcast %add3A_232 : i32 to vector<16xi32>
        %lt3A_234 = arith.cmpi slt, %shift_right_logical3A_228, %lt3A_233 : vector<16xi32>
        %and3A_235 = arith.andi %and3A_230, %lt3A_234 : vector<16xi1>
        %jit3A_236 = arith.constant 1 : i32
        %jit3A_237 = arith.constant 0 : i32
        %broadcast_in_dim3A_238 = vector.broadcast %jit3A_236 : i32 to vector<16xi32>
        %broadcast_in_dim3A_239 = vector.broadcast %jit3A_237 : i32 to vector<16xi32>
        %select_n3A_240 = arith.select %and3A_235, %broadcast_in_dim3A_238, %broadcast_in_dim3A_239 : vector<16xi1>, vector<16xi32>
        %broadcast_in_dim3A_241 = arith.constant true
        %broadcast_in_dim3A_242 = vector.broadcast %broadcast_in_dim3A_241 : i1 to vector<16xi1>
        %masked_cumsum3A = tpu.scan <sum>, %select_n3A_240 masked %broadcast_in_dim3A_242 : vector<16xi32>, vector<16xi1> -> vector<16xi32>
        %sub3A = arith.constant 1 : i32
        %sub3A_243 = vector.broadcast %sub3A : i32 to vector<16xi32>
        %sub3A_244 = arith.subi %masked_cumsum3A, %sub3A_243 : vector<16xi32>
        %all_reduce_population_count3A = tpu.all_reduce %and3A_235 {dim = 0 : i64, kind = #tpu.reduction_kind<sum>} : vector<16xi1> -> vector<16xi32>
        %slice3A = vector.extract_strided_slice %all_reduce_population_count3A {offsets = [0], sizes = [1], strides = [1]} : vector<16xi32> to vector<1xi32>
        %squeeze3A = vector.extract %slice3A[0] : i32 from vector<1xi32>
        %sub3A_245 = vector.broadcast %mul3A_151 : i32 to vector<16xi32>
        %sub3A_246 = arith.subi %shift_right_logical3A_228, %sub3A_245 : vector<16xi32>
        %jit3A_247 = arith.constant 0 : i32
        %broadcast_in_dim3A_248 = vector.broadcast %jit3A_247 : i32 to vector<16xi32>
        %select_n3A_249 = arith.select %and3A_235, %sub3A_246, %broadcast_in_dim3A_248 : vector<16xi1>, vector<16xi32>
        %and3A_250 = arith.constant 16383 : i32
        %and3A_251 = vector.broadcast %and3A_250 : i32 to vector<16xi32>
        %and3A_252 = arith.andi %get3A_220, %and3A_251 : vector<16xi32>
        %jit3A_253 = arith.constant 0 : i32
        %broadcast_in_dim3A_254 = vector.broadcast %jit3A_253 : i32 to vector<16xi32>
        %select_n3A_255 = arith.select %and3A_235, %and3A_252, %broadcast_in_dim3A_254 : vector<16xi1>, vector<16xi32>
        %while3A_256 = arith.constant 0 : i32
        %while3A_257 = arith.subi %squeeze3A, %while3A_256 : i32
        %while3A_258 = arith.addi %while3A_256, %while3A_257 : i32
        %while3A_259 = arith.constant 1 : i32
        %while3A_260 = arith.divsi %while3A_257, %while3A_259 : i32
        %while3A_261 = arith.muli %while3A_260, %while3A_259 : i32
        %while3A_262 = arith.addi %while3A_256, %while3A_261 : i32
        %while3A_263 = arith.constant 1 : i32
        %while3A_264 = scf.for %while3A_267 = %while3A_256 to %while3A_262 step %while3A_263 iter_args(%while3A_268 = %while3A_217) -> (i32)  : i32 {
          %eq3A_269 = arith.constant 128 : i32
          %eq3A_270 = arith.cmpi eq, %while3A_268, %eq3A_269 : i32
          %convert_element_type3A_271 = arith.extui %eq3A_270 : i1 to i32
          %cond3A_272 = arith.constant 0 : i32
          %cond3A_273 = arith.cmpi ne, %convert_element_type3A_271, %cond3A_272 : i32
          scf.if %cond3A_273 {
            %dma_start3A_336 = arith.constant 2 : i32
            %dma_start3A_337 = arith.constant 0 : i32
            %dma_start3A_338 = arith.constant 0 : i32
            %dma_start3A_339 = tpu.memref_slice %arg4[%dma_start3A_337, %dma_start3A_338] : memref<16385x128xf32, #tpu.memory_space<hbm>> -> memref<16385x128xf32, #tpu.memory_space<hbm>>
            %dma_start3A_340 = tpu.memref_slice %arg11[%dma_start3A_336] : memref<4x!tpu.dma_semaphore, #tpu.memory_space<semaphore_mem>> -> memref<1x!tpu.dma_semaphore, #tpu.memory_space<semaphore_mem>>
            %dma_start3A_341 = tpu.memref_squeeze %dma_start3A_340 : memref<1x!tpu.dma_semaphore, #tpu.memory_space<semaphore_mem>> -> memref<!tpu.dma_semaphore, #tpu.memory_space<semaphore_mem>>
            tpu.enqueue_indirect_dma source(%arg9 : memref<128x128xf32, #tpu.memory_space<vmem>>) target(%dma_start3A_339 : memref<16385x128xf32, #tpu.memory_space<hbm>>) offsets(%arg10 : memref<128xi32, #tpu.memory_space<vmem>>) semaphore(%dma_start3A_341 : memref<!tpu.dma_semaphore, #tpu.memory_space<semaphore_mem>>)
            %dma_wait3A_342 = arith.constant 2 : i32
            %dma_wait3A_343 = arith.constant 0 : i32
            %dma_wait3A_344 = arith.constant 0 : i32
            %dma_wait3A_345 = tpu.memref_slice %arg4[%dma_wait3A_343, %dma_wait3A_344] : memref<16385x128xf32, #tpu.memory_space<hbm>> -> memref<16385x128xf32, #tpu.memory_space<hbm>>
            %dma_wait3A_346 = tpu.memref_slice %arg11[%dma_wait3A_342] : memref<4x!tpu.dma_semaphore, #tpu.memory_space<semaphore_mem>> -> memref<1x!tpu.dma_semaphore, #tpu.memory_space<semaphore_mem>>
            %dma_wait3A_347 = tpu.memref_squeeze %dma_wait3A_346 : memref<1x!tpu.dma_semaphore, #tpu.memory_space<semaphore_mem>> -> memref<!tpu.dma_semaphore, #tpu.memory_space<semaphore_mem>>
            tpu.wait_indirect_dma semaphore(%dma_wait3A_347 : memref<!tpu.dma_semaphore, #tpu.memory_space<semaphore_mem>>) src(%arg9 : memref<128x128xf32, #tpu.memory_space<vmem>>) dst(%dma_wait3A_345 : memref<16385x128xf32, #tpu.memory_space<hbm>>)
            %add3A_348 = arith.constant 0 : i32
            %add3A_349 = vector.broadcast %add3A_348 : i32 to vector<16xi32>
            %add3A_350 = arith.addi %iota3A, %add3A_349 : vector<16xi32>
            tpu.vector_store_idx %arg10[%add3A_350], %broadcast_in_dim3A_3 : memref<128xi32, #tpu.memory_space<vmem>>[vector<16xi32>], vector<16xi32>,
            %add3A_351 = arith.constant 16 : i32
            %add3A_352 = vector.broadcast %add3A_351 : i32 to vector<16xi32>
            %add3A_353 = arith.addi %iota3A, %add3A_352 : vector<16xi32>
            tpu.vector_store_idx %arg10[%add3A_353], %broadcast_in_dim3A_3 : memref<128xi32, #tpu.memory_space<vmem>>[vector<16xi32>], vector<16xi32>,
            %add3A_354 = arith.constant 32 : i32
            %add3A_355 = vector.broadcast %add3A_354 : i32 to vector<16xi32>
            %add3A_356 = arith.addi %iota3A, %add3A_355 : vector<16xi32>
            tpu.vector_store_idx %arg10[%add3A_356], %broadcast_in_dim3A_3 : memref<128xi32, #tpu.memory_space<vmem>>[vector<16xi32>], vector<16xi32>,
            %add3A_357 = arith.constant 48 : i32
            %add3A_358 = vector.broadcast %add3A_357 : i32 to vector<16xi32>
            %add3A_359 = arith.addi %iota3A, %add3A_358 : vector<16xi32>
            tpu.vector_store_idx %arg10[%add3A_359], %broadcast_in_dim3A_3 : memref<128xi32, #tpu.memory_space<vmem>>[vector<16xi32>], vector<16xi32>,
            %add3A_360 = arith.constant 64 : i32
            %add3A_361 = vector.broadcast %add3A_360 : i32 to vector<16xi32>
            %add3A_362 = arith.addi %iota3A, %add3A_361 : vector<16xi32>
            tpu.vector_store_idx %arg10[%add3A_362], %broadcast_in_dim3A_3 : memref<128xi32, #tpu.memory_space<vmem>>[vector<16xi32>], vector<16xi32>,
            %add3A_363 = arith.constant 80 : i32
            %add3A_364 = vector.broadcast %add3A_363 : i32 to vector<16xi32>
            %add3A_365 = arith.addi %iota3A, %add3A_364 : vector<16xi32>
            tpu.vector_store_idx %arg10[%add3A_365], %broadcast_in_dim3A_3 : memref<128xi32, #tpu.memory_space<vmem>>[vector<16xi32>], vector<16xi32>,
            %add3A_366 = arith.constant 96 : i32
            %add3A_367 = vector.broadcast %add3A_366 : i32 to vector<16xi32>
            %add3A_368 = arith.addi %iota3A, %add3A_367 : vector<16xi32>
            tpu.vector_store_idx %arg10[%add3A_368], %broadcast_in_dim3A_3 : memref<128xi32, #tpu.memory_space<vmem>>[vector<16xi32>], vector<16xi32>,
            %add3A_369 = arith.constant 112 : i32
            %add3A_370 = vector.broadcast %add3A_369 : i32 to vector<16xi32>
            %add3A_371 = arith.addi %iota3A, %add3A_370 : vector<16xi32>
            tpu.vector_store_idx %arg10[%add3A_371], %broadcast_in_dim3A_3 : memref<128xi32, #tpu.memory_space<vmem>>[vector<16xi32>], vector<16xi32>,
          } else {
          }
          %eq3A_274 = arith.constant 128 : i32
          %eq3A_275 = arith.cmpi eq, %while3A_268, %eq3A_274 : i32
          %jit3A_276 = arith.constant 0 : i32
          %select_n3A_277 = arith.select %eq3A_275, %jit3A_276, %while3A_268 : i32
          %broadcast_in_dim3A_278 = vector.broadcast %while3A_267 : i32 to vector<16xi32>
          %eq3A_279 = arith.cmpi eq, %sub3A_244, %broadcast_in_dim3A_278 : vector<16xi32>
          %and3A_280 = arith.andi %and3A_235, %eq3A_279 : vector<16xi1>
          %jit3A_281 = arith.constant 0 : i32
          %broadcast_in_dim3A_282 = vector.broadcast %jit3A_281 : i32 to vector<16xi32>
          %select_n3A_283 = arith.select %and3A_280, %select_n3A_249, %broadcast_in_dim3A_282 : vector<16xi1>, vector<16xi32>
          %reduce_max3A = arith.constant true
          %reduce_max3A_284 = vector.broadcast %reduce_max3A : i1 to vector<16xi1>
          %reduce_max3A_285 = arith.constant -2147483648 : i32
          %reduce_max3A_286 = vector.broadcast %reduce_max3A_285 : i32 to vector<16xi32>
          %reduce_max3A_287 = arith.xori %select_n3A_283, %reduce_max3A_286 : vector<16xi32>
          %reduce_max3A_288 = tpu.scan <max>, %reduce_max3A_287 masked %reduce_max3A_284 : vector<16xi32>, vector<16xi1> -> vector<16xi32>
          %reduce_max3A_289 = arith.xori %reduce_max3A_288, %reduce_max3A_286 : vector<16xi32>
          %reduce_max3A_290 = vector.extract %reduce_max3A_289[15] : i32 from vector<16xi32>
          %jit3A_291 = arith.constant 0 : i32
          %broadcast_in_dim3A_292 = vector.broadcast %jit3A_291 : i32 to vector<16xi32>
          %select_n3A_293 = arith.select %and3A_280, %select_n3A_255, %broadcast_in_dim3A_292 : vector<16xi1>, vector<16xi32>
          %reduce_max3A_294 = arith.constant true
          %reduce_max3A_295 = vector.broadcast %reduce_max3A_294 : i1 to vector<16xi1>
          %reduce_max3A_296 = arith.constant -2147483648 : i32
          %reduce_max3A_297 = vector.broadcast %reduce_max3A_296 : i32 to vector<16xi32>
          %reduce_max3A_298 = arith.xori %select_n3A_293, %reduce_max3A_297 : vector<16xi32>
          %reduce_max3A_299 = tpu.scan <max>, %reduce_max3A_298 masked %reduce_max3A_295 : vector<16xi32>, vector<16xi1> -> vector<16xi32>
          %reduce_max3A_300 = arith.xori %reduce_max3A_299, %reduce_max3A_297 : vector<16xi32>
          %reduce_max3A_301 = vector.extract %reduce_max3A_300[15] : i32 from vector<16xi32>
          %broadcast_in_dim3A_302 = vector.broadcast %reduce_max3A_290 : i32 to vector<16xi32>
          %add3A_303 = arith.constant 0 : i32
          %add3A_304 = vector.broadcast %add3A_303 : i32 to vector<16xi32>
          %add3A_305 = arith.addi %iota3A, %add3A_304 : vector<16xi32>
          %gather3A = tpu.vector_load_idx %arg7[%add3A_305, %broadcast_in_dim3A_302] : memref<64x512xf32, #tpu.memory_space<vmem>>[vector<16xi32>, vector<16xi32>], vector<16xf32>,
          %swap3A = arith.index_cast %select_n3A_277 : i32 to index
          %swap3A_306 = arith.constant 0 : index
          %swap3A_307 = tpu.vector_load %arg9[%swap3A, %swap3A_306] {strides = array<i32>} : memref<128x128xf32, #tpu.memory_space<vmem>>, vector<16xf32>,
          tpu.vector_store %arg9[%swap3A, %swap3A_306], %gather3A {strides = array<i32>} : memref<128x128xf32, #tpu.memory_space<vmem>>, vector<16xf32>,
          %add3A_308 = arith.constant 16 : i32
          %add3A_309 = vector.broadcast %add3A_308 : i32 to vector<16xi32>
          %add3A_310 = arith.addi %iota3A, %add3A_309 : vector<16xi32>
          %gather3A_311 = tpu.vector_load_idx %arg7[%add3A_310, %broadcast_in_dim3A_302] : memref<64x512xf32, #tpu.memory_space<vmem>>[vector<16xi32>, vector<16xi32>], vector<16xf32>,
          %swap3A_312 = arith.index_cast %select_n3A_277 : i32 to index
          %swap3A_313 = arith.constant 16 : index
          %swap3A_314 = tpu.vector_load %arg9[%swap3A_312, %swap3A_313] {strides = array<i32>} : memref<128x128xf32, #tpu.memory_space<vmem>>, vector<16xf32>,
          tpu.vector_store %arg9[%swap3A_312, %swap3A_313], %gather3A_311 {strides = array<i32>} : memref<128x128xf32, #tpu.memory_space<vmem>>, vector<16xf32>,
          %add3A_315 = arith.constant 32 : i32
          %add3A_316 = vector.broadcast %add3A_315 : i32 to vector<16xi32>
          %add3A_317 = arith.addi %iota3A, %add3A_316 : vector<16xi32>
          %gather3A_318 = tpu.vector_load_idx %arg7[%add3A_317, %broadcast_in_dim3A_302] : memref<64x512xf32, #tpu.memory_space<vmem>>[vector<16xi32>, vector<16xi32>], vector<16xf32>,
          %swap3A_319 = arith.index_cast %select_n3A_277 : i32 to index
          %swap3A_320 = arith.constant 32 : index
          %swap3A_321 = tpu.vector_load %arg9[%swap3A_319, %swap3A_320] {strides = array<i32>} : memref<128x128xf32, #tpu.memory_space<vmem>>, vector<16xf32>,
          tpu.vector_store %arg9[%swap3A_319, %swap3A_320], %gather3A_318 {strides = array<i32>} : memref<128x128xf32, #tpu.memory_space<vmem>>, vector<16xf32>,
          %add3A_322 = arith.constant 48 : i32
          %add3A_323 = vector.broadcast %add3A_322 : i32 to vector<16xi32>
          %add3A_324 = arith.addi %iota3A, %add3A_323 : vector<16xi32>
          %gather3A_325 = tpu.vector_load_idx %arg7[%add3A_324, %broadcast_in_dim3A_302] : memref<64x512xf32, #tpu.memory_space<vmem>>[vector<16xi32>, vector<16xi32>], vector<16xf32>,
          %swap3A_326 = arith.index_cast %select_n3A_277 : i32 to index
          %swap3A_327 = arith.constant 48 : index
          %swap3A_328 = tpu.vector_load %arg9[%swap3A_326, %swap3A_327] {strides = array<i32>} : memref<128x128xf32, #tpu.memory_space<vmem>>, vector<16xf32>,
          tpu.vector_store %arg9[%swap3A_326, %swap3A_327], %gather3A_325 {strides = array<i32>} : memref<128x128xf32, #tpu.memory_space<vmem>>, vector<16xf32>,
          %broadcast_in_dim3A_329 = vector.broadcast %select_n3A_277 : i32 to vector<16xi32>
          %broadcast_in_dim3A_330 = vector.broadcast %reduce_max3A_301 : i32 to vector<16xi32>
          %eq3A_331 = arith.constant 0 : i32
          %eq3A_332 = vector.broadcast %eq3A_331 : i32 to vector<16xi32>
          %eq3A_333 = arith.cmpi eq, %iota3A, %eq3A_332 : vector<16xi32>
          tpu.vector_store_idx %arg10[%broadcast_in_dim3A_329], %broadcast_in_dim3A_330 masked %eq3A_333 : memref<128xi32, #tpu.memory_space<vmem>>[vector<16xi32>], vector<16xi32>, vector<16xi1>
          %add3A_334 = arith.constant 1 : i32
          %add3A_335 = arith.addi %select_n3A_277, %add3A_334 : i32
          scf.yield %add3A_335 : i32
        }
        %while3A_265 = arith.constant 1 : i32
        %while3A_266 = scf.for %while3A_267 = %while3A_262 to %while3A_258 step %while3A_265 iter_args(%while3A_268 = %while3A_264) -> (i32)  : i32 {
          %eq3A_269 = arith.constant 128 : i32
          %eq3A_270 = arith.cmpi eq, %while3A_268, %eq3A_269 : i32
          %convert_element_type3A_271 = arith.extui %eq3A_270 : i1 to i32
          %cond3A_272 = arith.constant 0 : i32
          %cond3A_273 = arith.cmpi ne, %convert_element_type3A_271, %cond3A_272 : i32
          scf.if %cond3A_273 {
            %dma_start3A_336 = arith.constant 2 : i32
            %dma_start3A_337 = arith.constant 0 : i32
            %dma_start3A_338 = arith.constant 0 : i32
            %dma_start3A_339 = tpu.memref_slice %arg4[%dma_start3A_337, %dma_start3A_338] : memref<16385x128xf32, #tpu.memory_space<hbm>> -> memref<16385x128xf32, #tpu.memory_space<hbm>>
            %dma_start3A_340 = tpu.memref_slice %arg11[%dma_start3A_336] : memref<4x!tpu.dma_semaphore, #tpu.memory_space<semaphore_mem>> -> memref<1x!tpu.dma_semaphore, #tpu.memory_space<semaphore_mem>>
            %dma_start3A_341 = tpu.memref_squeeze %dma_start3A_340 : memref<1x!tpu.dma_semaphore, #tpu.memory_space<semaphore_mem>> -> memref<!tpu.dma_semaphore, #tpu.memory_space<semaphore_mem>>
            tpu.enqueue_indirect_dma source(%arg9 : memref<128x128xf32, #tpu.memory_space<vmem>>) target(%dma_start3A_339 : memref<16385x128xf32, #tpu.memory_space<hbm>>) offsets(%arg10 : memref<128xi32, #tpu.memory_space<vmem>>) semaphore(%dma_start3A_341 : memref<!tpu.dma_semaphore, #tpu.memory_space<semaphore_mem>>)
            %dma_wait3A_342 = arith.constant 2 : i32
            %dma_wait3A_343 = arith.constant 0 : i32
            %dma_wait3A_344 = arith.constant 0 : i32
            %dma_wait3A_345 = tpu.memref_slice %arg4[%dma_wait3A_343, %dma_wait3A_344] : memref<16385x128xf32, #tpu.memory_space<hbm>> -> memref<16385x128xf32, #tpu.memory_space<hbm>>
            %dma_wait3A_346 = tpu.memref_slice %arg11[%dma_wait3A_342] : memref<4x!tpu.dma_semaphore, #tpu.memory_space<semaphore_mem>> -> memref<1x!tpu.dma_semaphore, #tpu.memory_space<semaphore_mem>>
            %dma_wait3A_347 = tpu.memref_squeeze %dma_wait3A_346 : memref<1x!tpu.dma_semaphore, #tpu.memory_space<semaphore_mem>> -> memref<!tpu.dma_semaphore, #tpu.memory_space<semaphore_mem>>
            tpu.wait_indirect_dma semaphore(%dma_wait3A_347 : memref<!tpu.dma_semaphore, #tpu.memory_space<semaphore_mem>>) src(%arg9 : memref<128x128xf32, #tpu.memory_space<vmem>>) dst(%dma_wait3A_345 : memref<16385x128xf32, #tpu.memory_space<hbm>>)
            %add3A_348 = arith.constant 0 : i32
            %add3A_349 = vector.broadcast %add3A_348 : i32 to vector<16xi32>
            %add3A_350 = arith.addi %iota3A, %add3A_349 : vector<16xi32>
            tpu.vector_store_idx %arg10[%add3A_350], %broadcast_in_dim3A_3 : memref<128xi32, #tpu.memory_space<vmem>>[vector<16xi32>], vector<16xi32>,
            %add3A_351 = arith.constant 16 : i32
            %add3A_352 = vector.broadcast %add3A_351 : i32 to vector<16xi32>
            %add3A_353 = arith.addi %iota3A, %add3A_352 : vector<16xi32>
            tpu.vector_store_idx %arg10[%add3A_353], %broadcast_in_dim3A_3 : memref<128xi32, #tpu.memory_space<vmem>>[vector<16xi32>], vector<16xi32>,
            %add3A_354 = arith.constant 32 : i32
            %add3A_355 = vector.broadcast %add3A_354 : i32 to vector<16xi32>
            %add3A_356 = arith.addi %iota3A, %add3A_355 : vector<16xi32>
            tpu.vector_store_idx %arg10[%add3A_356], %broadcast_in_dim3A_3 : memref<128xi32, #tpu.memory_space<vmem>>[vector<16xi32>], vector<16xi32>,
            %add3A_357 = arith.constant 48 : i32
            %add3A_358 = vector.broadcast %add3A_357 : i32 to vector<16xi32>
            %add3A_359 = arith.addi %iota3A, %add3A_358 : vector<16xi32>
            tpu.vector_store_idx %arg10[%add3A_359], %broadcast_in_dim3A_3 : memref<128xi32, #tpu.memory_space<vmem>>[vector<16xi32>], vector<16xi32>,
            %add3A_360 = arith.constant 64 : i32
            %add3A_361 = vector.broadcast %add3A_360 : i32 to vector<16xi32>
            %add3A_362 = arith.addi %iota3A, %add3A_361 : vector<16xi32>
            tpu.vector_store_idx %arg10[%add3A_362], %broadcast_in_dim3A_3 : memref<128xi32, #tpu.memory_space<vmem>>[vector<16xi32>], vector<16xi32>,
            %add3A_363 = arith.constant 80 : i32
            %add3A_364 = vector.broadcast %add3A_363 : i32 to vector<16xi32>
            %add3A_365 = arith.addi %iota3A, %add3A_364 : vector<16xi32>
            tpu.vector_store_idx %arg10[%add3A_365], %broadcast_in_dim3A_3 : memref<128xi32, #tpu.memory_space<vmem>>[vector<16xi32>], vector<16xi32>,
            %add3A_366 = arith.constant 96 : i32
            %add3A_367 = vector.broadcast %add3A_366 : i32 to vector<16xi32>
            %add3A_368 = arith.addi %iota3A, %add3A_367 : vector<16xi32>
            tpu.vector_store_idx %arg10[%add3A_368], %broadcast_in_dim3A_3 : memref<128xi32, #tpu.memory_space<vmem>>[vector<16xi32>], vector<16xi32>,
            %add3A_369 = arith.constant 112 : i32
            %add3A_370 = vector.broadcast %add3A_369 : i32 to vector<16xi32>
            %add3A_371 = arith.addi %iota3A, %add3A_370 : vector<16xi32>
            tpu.vector_store_idx %arg10[%add3A_371], %broadcast_in_dim3A_3 : memref<128xi32, #tpu.memory_space<vmem>>[vector<16xi32>], vector<16xi32>,
          } else {
          }
          %eq3A_274 = arith.constant 128 : i32
          %eq3A_275 = arith.cmpi eq, %while3A_268, %eq3A_274 : i32
          %jit3A_276 = arith.constant 0 : i32
          %select_n3A_277 = arith.select %eq3A_275, %jit3A_276, %while3A_268 : i32
          %broadcast_in_dim3A_278 = vector.broadcast %while3A_267 : i32 to vector<16xi32>
          %eq3A_279 = arith.cmpi eq, %sub3A_244, %broadcast_in_dim3A_278 : vector<16xi32>
          %and3A_280 = arith.andi %and3A_235, %eq3A_279 : vector<16xi1>
          %jit3A_281 = arith.constant 0 : i32
          %broadcast_in_dim3A_282 = vector.broadcast %jit3A_281 : i32 to vector<16xi32>
          %select_n3A_283 = arith.select %and3A_280, %select_n3A_249, %broadcast_in_dim3A_282 : vector<16xi1>, vector<16xi32>
          %reduce_max3A = arith.constant true
          %reduce_max3A_284 = vector.broadcast %reduce_max3A : i1 to vector<16xi1>
          %reduce_max3A_285 = arith.constant -2147483648 : i32
          %reduce_max3A_286 = vector.broadcast %reduce_max3A_285 : i32 to vector<16xi32>
          %reduce_max3A_287 = arith.xori %select_n3A_283, %reduce_max3A_286 : vector<16xi32>
          %reduce_max3A_288 = tpu.scan <max>, %reduce_max3A_287 masked %reduce_max3A_284 : vector<16xi32>, vector<16xi1> -> vector<16xi32>
          %reduce_max3A_289 = arith.xori %reduce_max3A_288, %reduce_max3A_286 : vector<16xi32>
          %reduce_max3A_290 = vector.extract %reduce_max3A_289[15] : i32 from vector<16xi32>
          %jit3A_291 = arith.constant 0 : i32
          %broadcast_in_dim3A_292 = vector.broadcast %jit3A_291 : i32 to vector<16xi32>
          %select_n3A_293 = arith.select %and3A_280, %select_n3A_255, %broadcast_in_dim3A_292 : vector<16xi1>, vector<16xi32>
          %reduce_max3A_294 = arith.constant true
          %reduce_max3A_295 = vector.broadcast %reduce_max3A_294 : i1 to vector<16xi1>
          %reduce_max3A_296 = arith.constant -2147483648 : i32
          %reduce_max3A_297 = vector.broadcast %reduce_max3A_296 : i32 to vector<16xi32>
          %reduce_max3A_298 = arith.xori %select_n3A_293, %reduce_max3A_297 : vector<16xi32>
          %reduce_max3A_299 = tpu.scan <max>, %reduce_max3A_298 masked %reduce_max3A_295 : vector<16xi32>, vector<16xi1> -> vector<16xi32>
          %reduce_max3A_300 = arith.xori %reduce_max3A_299, %reduce_max3A_297 : vector<16xi32>
          %reduce_max3A_301 = vector.extract %reduce_max3A_300[15] : i32 from vector<16xi32>
          %broadcast_in_dim3A_302 = vector.broadcast %reduce_max3A_290 : i32 to vector<16xi32>
          %add3A_303 = arith.constant 0 : i32
          %add3A_304 = vector.broadcast %add3A_303 : i32 to vector<16xi32>
          %add3A_305 = arith.addi %iota3A, %add3A_304 : vector<16xi32>
          %gather3A = tpu.vector_load_idx %arg7[%add3A_305, %broadcast_in_dim3A_302] : memref<64x512xf32, #tpu.memory_space<vmem>>[vector<16xi32>, vector<16xi32>], vector<16xf32>,
          %swap3A = arith.index_cast %select_n3A_277 : i32 to index
          %swap3A_306 = arith.constant 0 : index
          %swap3A_307 = tpu.vector_load %arg9[%swap3A, %swap3A_306] {strides = array<i32>} : memref<128x128xf32, #tpu.memory_space<vmem>>, vector<16xf32>,
          tpu.vector_store %arg9[%swap3A, %swap3A_306], %gather3A {strides = array<i32>} : memref<128x128xf32, #tpu.memory_space<vmem>>, vector<16xf32>,
          %add3A_308 = arith.constant 16 : i32
          %add3A_309 = vector.broadcast %add3A_308 : i32 to vector<16xi32>
          %add3A_310 = arith.addi %iota3A, %add3A_309 : vector<16xi32>
          %gather3A_311 = tpu.vector_load_idx %arg7[%add3A_310, %broadcast_in_dim3A_302] : memref<64x512xf32, #tpu.memory_space<vmem>>[vector<16xi32>, vector<16xi32>], vector<16xf32>,
          %swap3A_312 = arith.index_cast %select_n3A_277 : i32 to index
          %swap3A_313 = arith.constant 16 : index
          %swap3A_314 = tpu.vector_load %arg9[%swap3A_312, %swap3A_313] {strides = array<i32>} : memref<128x128xf32, #tpu.memory_space<vmem>>, vector<16xf32>,
          tpu.vector_store %arg9[%swap3A_312, %swap3A_313], %gather3A_311 {strides = array<i32>} : memref<128x128xf32, #tpu.memory_space<vmem>>, vector<16xf32>,
          %add3A_315 = arith.constant 32 : i32
          %add3A_316 = vector.broadcast %add3A_315 : i32 to vector<16xi32>
          %add3A_317 = arith.addi %iota3A, %add3A_316 : vector<16xi32>
          %gather3A_318 = tpu.vector_load_idx %arg7[%add3A_317, %broadcast_in_dim3A_302] : memref<64x512xf32, #tpu.memory_space<vmem>>[vector<16xi32>, vector<16xi32>], vector<16xf32>,
          %swap3A_319 = arith.index_cast %select_n3A_277 : i32 to index
          %swap3A_320 = arith.constant 32 : index
          %swap3A_321 = tpu.vector_load %arg9[%swap3A_319, %swap3A_320] {strides = array<i32>} : memref<128x128xf32, #tpu.memory_space<vmem>>, vector<16xf32>,
          tpu.vector_store %arg9[%swap3A_319, %swap3A_320], %gather3A_318 {strides = array<i32>} : memref<128x128xf32, #tpu.memory_space<vmem>>, vector<16xf32>,
          %add3A_322 = arith.constant 48 : i32
          %add3A_323 = vector.broadcast %add3A_322 : i32 to vector<16xi32>
          %add3A_324 = arith.addi %iota3A, %add3A_323 : vector<16xi32>
          %gather3A_325 = tpu.vector_load_idx %arg7[%add3A_324, %broadcast_in_dim3A_302] : memref<64x512xf32, #tpu.memory_space<vmem>>[vector<16xi32>, vector<16xi32>], vector<16xf32>,
          %swap3A_326 = arith.index_cast %select_n3A_277 : i32 to index
          %swap3A_327 = arith.constant 48 : index
          %swap3A_328 = tpu.vector_load %arg9[%swap3A_326, %swap3A_327] {strides = array<i32>} : memref<128x128xf32, #tpu.memory_space<vmem>>, vector<16xf32>,
          tpu.vector_store %arg9[%swap3A_326, %swap3A_327], %gather3A_325 {strides = array<i32>} : memref<128x128xf32, #tpu.memory_space<vmem>>, vector<16xf32>,
          %broadcast_in_dim3A_329 = vector.broadcast %select_n3A_277 : i32 to vector<16xi32>
          %broadcast_in_dim3A_330 = vector.broadcast %reduce_max3A_301 : i32 to vector<16xi32>
          %eq3A_331 = arith.constant 0 : i32
          %eq3A_332 = vector.broadcast %eq3A_331 : i32 to vector<16xi32>
          %eq3A_333 = arith.cmpi eq, %iota3A, %eq3A_332 : vector<16xi32>
          tpu.vector_store_idx %arg10[%broadcast_in_dim3A_329], %broadcast_in_dim3A_330 masked %eq3A_333 : memref<128xi32, #tpu.memory_space<vmem>>[vector<16xi32>], vector<16xi32>, vector<16xi1>
          %add3A_334 = arith.constant 1 : i32
          %add3A_335 = arith.addi %select_n3A_277, %add3A_334 : i32
          scf.yield %add3A_335 : i32
        }
        scf.yield %while3A_266 : i32
      }
      %add3A_163 = arith.constant 2 : i32
      %add3A_164 = arith.addi %mul3A_129, %add3A_163 : i32
      %lt3A_165 = arith.constant 61 : i32
      %lt3A_166 = arith.cmpi slt, %add3A_164, %lt3A_165 : i32
      %convert_element_type3A = arith.extui %lt3A_166 : i1 to i32
      %cond3A = arith.constant 0 : i32
      %cond3A_167 = arith.cmpi ne, %convert_element_type3A, %cond3A : i32
      scf.if %cond3A_167 {
        %add3A_216 = arith.constant 2 : i32
        %add3A_217 = arith.addi %mul3A_129, %add3A_216 : i32
        %mul3A_218 = arith.constant 512 : i32
        %mul3A_219 = arith.muli %add3A_217, %mul3A_218 : i32
        %add3A_220 = arith.addi %mul3A_2, %mul3A_219 : i32
        %multiple_of3A_221 = tpu.assume_multiple %add3A_220, 128 : i32
        %jit3A_222 = arith.constant 2 : i32
        %eq3A_223 = arith.constant 0 : i32
        %eq3A_224 = arith.cmpi eq, %jit3A_222, %eq3A_223 : i32
        %jit3A_225 = arith.constant 1 : i32
        %select_n3A_226 = arith.select %eq3A_224, %jit3A_225, %jit3A_222 : i32
        %rem3A_227 = arith.remsi %add3A_217, %select_n3A_226 : i32
        %ne3A_228 = arith.constant 0 : i32
        %ne3A_229 = arith.cmpi ne, %rem3A_227, %ne3A_228 : i32
        %lt3A_230 = arith.constant 0 : i32
        %lt3A_231 = arith.cmpi slt, %rem3A_227, %lt3A_230 : i32
        %lt3A_232 = arith.constant 0 : i32
        %lt3A_233 = arith.cmpi slt, %select_n3A_226, %lt3A_232 : i32
        %ne3A_234 = arith.xori %lt3A_231, %lt3A_233 : i1
        %and3A_235 = arith.andi %ne3A_234, %ne3A_229 : i1
        %add3A_236 = arith.addi %rem3A_227, %select_n3A_226 : i32
        %select_n3A_237 = arith.select %and3A_235, %add3A_236, %rem3A_227 : i32
        %dma_start3A_238 = arith.constant 0 : i32
        %dma_start3A_239 = tpu.memref_slice %arg3[%dma_start3A_238, %multiple_of3A_221] : memref<64x1000000xf32, #tpu.memory_space<hbm>> -> memref<64x512xf32, #tpu.memory_space<hbm>>
        %dma_start3A_240 = tpu.memref_slice %arg11[%select_n3A_237] : memref<4x!tpu.dma_semaphore, #tpu.memory_space<semaphore_mem>> -> memref<1x!tpu.dma_semaphore, #tpu.memory_space<semaphore_mem>>
        %dma_start3A_241 = tpu.memref_squeeze %dma_start3A_240 : memref<1x!tpu.dma_semaphore, #tpu.memory_space<semaphore_mem>> -> memref<!tpu.dma_semaphore, #tpu.memory_space<semaphore_mem>>
        %dma_start3A_242 = arith.constant 0 : i32
        %dma_start3A_243 = tpu.memref_slice %arg3[%dma_start3A_242, %multiple_of3A_221] : memref<64x1000000xf32, #tpu.memory_space<hbm>> -> memref<64x512xf32, #tpu.memory_space<hbm>>
        tpu.enqueue_dma source(%dma_start3A_243 : memref<64x512xf32, #tpu.memory_space<hbm>>) target(%arg7 : memref<64x512xf32, #tpu.memory_space<vmem>>) target_semaphore(%dma_start3A_241 : memref<!tpu.dma_semaphore, #tpu.memory_space<semaphore_mem>>)
      } else {
      }
      %add3A_168 = arith.constant 1 : i32
      %add3A_169 = arith.addi %mul3A_129, %add3A_168 : i32
      %jit3A_170 = arith.constant 2 : i32
      %eq3A_171 = arith.constant 0 : i32
      %eq3A_172 = arith.cmpi eq, %jit3A_170, %eq3A_171 : i32
      %jit3A_173 = arith.constant 1 : i32
      %select_n3A_174 = arith.select %eq3A_172, %jit3A_173, %jit3A_170 : i32
      %rem3A_175 = arith.remsi %add3A_169, %select_n3A_174 : i32
      %ne3A_176 = arith.constant 0 : i32
      %ne3A_177 = arith.cmpi ne, %rem3A_175, %ne3A_176 : i32
      %lt3A_178 = arith.constant 0 : i32
      %lt3A_179 = arith.cmpi slt, %rem3A_175, %lt3A_178 : i32
      %lt3A_180 = arith.constant 0 : i32
      %lt3A_181 = arith.cmpi slt, %select_n3A_174, %lt3A_180 : i32
      %ne3A_182 = arith.xori %lt3A_179, %lt3A_181 : i1
      %and3A_183 = arith.andi %ne3A_182, %ne3A_177 : i1
      %add3A_184 = arith.addi %rem3A_175, %select_n3A_174 : i32
      %select_n3A_185 = arith.select %and3A_183, %add3A_184, %rem3A_175 : i32
      %dma_wait3A_186 = arith.constant 0 : i32
      %dma_wait3A_187 = arith.constant 0 : i32
      %dma_wait3A_188 = tpu.memref_slice %arg3[%dma_wait3A_186, %dma_wait3A_187] : memref<64x1000000xf32, #tpu.memory_space<hbm>> -> memref<64x512xf32, #tpu.memory_space<hbm>>
      %dma_wait3A_189 = tpu.memref_slice %arg11[%select_n3A_185] : memref<4x!tpu.dma_semaphore, #tpu.memory_space<semaphore_mem>> -> memref<1x!tpu.dma_semaphore, #tpu.memory_space<semaphore_mem>>
      %dma_wait3A_190 = tpu.memref_squeeze %dma_wait3A_189 : memref<1x!tpu.dma_semaphore, #tpu.memory_space<semaphore_mem>> -> memref<!tpu.dma_semaphore, #tpu.memory_space<semaphore_mem>>
      %dma_wait3A_191 = arith.constant 0 : i32
      %dma_wait3A_192 = arith.constant 0 : i32
      %dma_wait3A_193 = tpu.memref_slice %arg3[%dma_wait3A_191, %dma_wait3A_192] : memref<64x1000000xf32, #tpu.memory_space<hbm>> -> memref<64x512xf32, #tpu.memory_space<hbm>>
      tpu.wait_dma2 semaphore(%dma_wait3A_190 : memref<!tpu.dma_semaphore, #tpu.memory_space<semaphore_mem>>) src(%dma_wait3A_193 : memref<64x512xf32, #tpu.memory_space<hbm>>) dst(%arg8 : memref<64x512xf32, #tpu.memory_space<vmem>>)
      %add3A_194 = arith.constant 1 : i32
      %add3A_195 = arith.addi %mul3A_129, %add3A_194 : i32
      %mul3A_196 = arith.constant 512 : i32
      %mul3A_197 = arith.muli %add3A_195, %mul3A_196 : i32
      %while3A_198 = arith.constant 0 : i32
      %while3A_199 = arith.subi %div3A_41, %while3A_198 : i32
      %while3A_200 = arith.addi %while3A_198, %while3A_199 : i32
      %while3A_201 = arith.constant 1 : i32
      %while3A_202 = arith.divsi %while3A_199, %while3A_201 : i32
      %while3A_203 = arith.muli %while3A_202, %while3A_201 : i32
      %while3A_204 = arith.addi %while3A_198, %while3A_203 : i32
      %while3A_205 = arith.constant 1 : i32
      %while3A_206 = scf.for %while3A_216 = %while3A_198 to %while3A_204 step %while3A_205 iter_args(%while3A_217 = %while3A_162) -> (i32)  : i32 {
        %mul3A_218 = arith.constant 16 : i32
        %mul3A_219 = arith.muli %while3A_216, %mul3A_218 : i32
        %get3A = arith.index_cast %mul3A_219 : i32 to index
        %get3A_220 = tpu.vector_load %arg6[%get3A] {strides = array<i32>} : memref<16384xi32, #tpu.memory_space<vmem>>, vector<16xi32>,
        %mul3A_221 = arith.constant 16 : i32
        %mul3A_222 = arith.muli %while3A_216, %mul3A_221 : i32
        %add3A_223 = vector.broadcast %mul3A_222 : i32 to vector<16xi32>
        %add3A_224 = arith.addi %iota3A, %add3A_223 : vector<16xi32>
        %lt3A_225 = vector.broadcast %scan3A_37 : i32 to vector<16xi32>
        %lt3A_226 = arith.cmpi slt, %add3A_224, %lt3A_225 : vector<16xi32>
        %shift_right_logical3A = arith.constant 14 : i32
        %shift_right_logical3A_227 = vector.broadcast %shift_right_logical3A : i32 to vector<16xi32>
        %shift_right_logical3A_228 = arith.shrui %get3A_220, %shift_right_logical3A_227 : vector<16xi32>
        %ge3A = vector.broadcast %mul3A_197 : i32 to vector<16xi32>
        %ge3A_229 = arith.cmpi sge, %shift_right_logical3A_228, %ge3A : vector<16xi32>
        %and3A_230 = arith.andi %lt3A_226, %ge3A_229 : vector<16xi1>
        %add3A_231 = arith.constant 512 : i32
        %add3A_232 = arith.addi %mul3A_197, %add3A_231 : i32
        %lt3A_233 = vector.broadcast %add3A_232 : i32 to vector<16xi32>
        %lt3A_234 = arith.cmpi slt, %shift_right_logical3A_228, %lt3A_233 : vector<16xi32>
        %and3A_235 = arith.andi %and3A_230, %lt3A_234 : vector<16xi1>
        %jit3A_236 = arith.constant 1 : i32
        %jit3A_237 = arith.constant 0 : i32
        %broadcast_in_dim3A_238 = vector.broadcast %jit3A_236 : i32 to vector<16xi32>
        %broadcast_in_dim3A_239 = vector.broadcast %jit3A_237 : i32 to vector<16xi32>
        %select_n3A_240 = arith.select %and3A_235, %broadcast_in_dim3A_238, %broadcast_in_dim3A_239 : vector<16xi1>, vector<16xi32>
        %broadcast_in_dim3A_241 = arith.constant true
        %broadcast_in_dim3A_242 = vector.broadcast %broadcast_in_dim3A_241 : i1 to vector<16xi1>
        %masked_cumsum3A = tpu.scan <sum>, %select_n3A_240 masked %broadcast_in_dim3A_242 : vector<16xi32>, vector<16xi1> -> vector<16xi32>
        %sub3A = arith.constant 1 : i32
        %sub3A_243 = vector.broadcast %sub3A : i32 to vector<16xi32>
        %sub3A_244 = arith.subi %masked_cumsum3A, %sub3A_243 : vector<16xi32>
        %all_reduce_population_count3A = tpu.all_reduce %and3A_235 {dim = 0 : i64, kind = #tpu.reduction_kind<sum>} : vector<16xi1> -> vector<16xi32>
        %slice3A = vector.extract_strided_slice %all_reduce_population_count3A {offsets = [0], sizes = [1], strides = [1]} : vector<16xi32> to vector<1xi32>
        %squeeze3A = vector.extract %slice3A[0] : i32 from vector<1xi32>
        %sub3A_245 = vector.broadcast %mul3A_197 : i32 to vector<16xi32>
        %sub3A_246 = arith.subi %shift_right_logical3A_228, %sub3A_245 : vector<16xi32>
        %jit3A_247 = arith.constant 0 : i32
        %broadcast_in_dim3A_248 = vector.broadcast %jit3A_247 : i32 to vector<16xi32>
        %select_n3A_249 = arith.select %and3A_235, %sub3A_246, %broadcast_in_dim3A_248 : vector<16xi1>, vector<16xi32>
        %and3A_250 = arith.constant 16383 : i32
        %and3A_251 = vector.broadcast %and3A_250 : i32 to vector<16xi32>
        %and3A_252 = arith.andi %get3A_220, %and3A_251 : vector<16xi32>
        %jit3A_253 = arith.constant 0 : i32
        %broadcast_in_dim3A_254 = vector.broadcast %jit3A_253 : i32 to vector<16xi32>
        %select_n3A_255 = arith.select %and3A_235, %and3A_252, %broadcast_in_dim3A_254 : vector<16xi1>, vector<16xi32>
        %while3A_256 = arith.constant 0 : i32
        %while3A_257 = arith.subi %squeeze3A, %while3A_256 : i32
        %while3A_258 = arith.addi %while3A_256, %while3A_257 : i32
        %while3A_259 = arith.constant 1 : i32
        %while3A_260 = arith.divsi %while3A_257, %while3A_259 : i32
        %while3A_261 = arith.muli %while3A_260, %while3A_259 : i32
        %while3A_262 = arith.addi %while3A_256, %while3A_261 : i32
        %while3A_263 = arith.constant 1 : i32
        %while3A_264 = scf.for %while3A_267 = %while3A_256 to %while3A_262 step %while3A_263 iter_args(%while3A_268 = %while3A_217) -> (i32)  : i32 {
          %eq3A_269 = arith.constant 128 : i32
          %eq3A_270 = arith.cmpi eq, %while3A_268, %eq3A_269 : i32
          %convert_element_type3A_271 = arith.extui %eq3A_270 : i1 to i32
          %cond3A_272 = arith.constant 0 : i32
          %cond3A_273 = arith.cmpi ne, %convert_element_type3A_271, %cond3A_272 : i32
          scf.if %cond3A_273 {
            %dma_start3A_336 = arith.constant 2 : i32
            %dma_start3A_337 = arith.constant 0 : i32
            %dma_start3A_338 = arith.constant 0 : i32
            %dma_start3A_339 = tpu.memref_slice %arg4[%dma_start3A_337, %dma_start3A_338] : memref<16385x128xf32, #tpu.memory_space<hbm>> -> memref<16385x128xf32, #tpu.memory_space<hbm>>
            %dma_start3A_340 = tpu.memref_slice %arg11[%dma_start3A_336] : memref<4x!tpu.dma_semaphore, #tpu.memory_space<semaphore_mem>> -> memref<1x!tpu.dma_semaphore, #tpu.memory_space<semaphore_mem>>
            %dma_start3A_341 = tpu.memref_squeeze %dma_start3A_340 : memref<1x!tpu.dma_semaphore, #tpu.memory_space<semaphore_mem>> -> memref<!tpu.dma_semaphore, #tpu.memory_space<semaphore_mem>>
            tpu.enqueue_indirect_dma source(%arg9 : memref<128x128xf32, #tpu.memory_space<vmem>>) target(%dma_start3A_339 : memref<16385x128xf32, #tpu.memory_space<hbm>>) offsets(%arg10 : memref<128xi32, #tpu.memory_space<vmem>>) semaphore(%dma_start3A_341 : memref<!tpu.dma_semaphore, #tpu.memory_space<semaphore_mem>>)
            %dma_wait3A_342 = arith.constant 2 : i32
            %dma_wait3A_343 = arith.constant 0 : i32
            %dma_wait3A_344 = arith.constant 0 : i32
            %dma_wait3A_345 = tpu.memref_slice %arg4[%dma_wait3A_343, %dma_wait3A_344] : memref<16385x128xf32, #tpu.memory_space<hbm>> -> memref<16385x128xf32, #tpu.memory_space<hbm>>
            %dma_wait3A_346 = tpu.memref_slice %arg11[%dma_wait3A_342] : memref<4x!tpu.dma_semaphore, #tpu.memory_space<semaphore_mem>> -> memref<1x!tpu.dma_semaphore, #tpu.memory_space<semaphore_mem>>
            %dma_wait3A_347 = tpu.memref_squeeze %dma_wait3A_346 : memref<1x!tpu.dma_semaphore, #tpu.memory_space<semaphore_mem>> -> memref<!tpu.dma_semaphore, #tpu.memory_space<semaphore_mem>>
            tpu.wait_indirect_dma semaphore(%dma_wait3A_347 : memref<!tpu.dma_semaphore, #tpu.memory_space<semaphore_mem>>) src(%arg9 : memref<128x128xf32, #tpu.memory_space<vmem>>) dst(%dma_wait3A_345 : memref<16385x128xf32, #tpu.memory_space<hbm>>)
            %add3A_348 = arith.constant 0 : i32
            %add3A_349 = vector.broadcast %add3A_348 : i32 to vector<16xi32>
            %add3A_350 = arith.addi %iota3A, %add3A_349 : vector<16xi32>
            tpu.vector_store_idx %arg10[%add3A_350], %broadcast_in_dim3A_3 : memref<128xi32, #tpu.memory_space<vmem>>[vector<16xi32>], vector<16xi32>,
            %add3A_351 = arith.constant 16 : i32
            %add3A_352 = vector.broadcast %add3A_351 : i32 to vector<16xi32>
            %add3A_353 = arith.addi %iota3A, %add3A_352 : vector<16xi32>
            tpu.vector_store_idx %arg10[%add3A_353], %broadcast_in_dim3A_3 : memref<128xi32, #tpu.memory_space<vmem>>[vector<16xi32>], vector<16xi32>,
            %add3A_354 = arith.constant 32 : i32
            %add3A_355 = vector.broadcast %add3A_354 : i32 to vector<16xi32>
            %add3A_356 = arith.addi %iota3A, %add3A_355 : vector<16xi32>
            tpu.vector_store_idx %arg10[%add3A_356], %broadcast_in_dim3A_3 : memref<128xi32, #tpu.memory_space<vmem>>[vector<16xi32>], vector<16xi32>,
            %add3A_357 = arith.constant 48 : i32
            %add3A_358 = vector.broadcast %add3A_357 : i32 to vector<16xi32>
            %add3A_359 = arith.addi %iota3A, %add3A_358 : vector<16xi32>
            tpu.vector_store_idx %arg10[%add3A_359], %broadcast_in_dim3A_3 : memref<128xi32, #tpu.memory_space<vmem>>[vector<16xi32>], vector<16xi32>,
            %add3A_360 = arith.constant 64 : i32
            %add3A_361 = vector.broadcast %add3A_360 : i32 to vector<16xi32>
            %add3A_362 = arith.addi %iota3A, %add3A_361 : vector<16xi32>
            tpu.vector_store_idx %arg10[%add3A_362], %broadcast_in_dim3A_3 : memref<128xi32, #tpu.memory_space<vmem>>[vector<16xi32>], vector<16xi32>,
            %add3A_363 = arith.constant 80 : i32
            %add3A_364 = vector.broadcast %add3A_363 : i32 to vector<16xi32>
            %add3A_365 = arith.addi %iota3A, %add3A_364 : vector<16xi32>
            tpu.vector_store_idx %arg10[%add3A_365], %broadcast_in_dim3A_3 : memref<128xi32, #tpu.memory_space<vmem>>[vector<16xi32>], vector<16xi32>,
            %add3A_366 = arith.constant 96 : i32
            %add3A_367 = vector.broadcast %add3A_366 : i32 to vector<16xi32>
            %add3A_368 = arith.addi %iota3A, %add3A_367 : vector<16xi32>
            tpu.vector_store_idx %arg10[%add3A_368], %broadcast_in_dim3A_3 : memref<128xi32, #tpu.memory_space<vmem>>[vector<16xi32>], vector<16xi32>,
            %add3A_369 = arith.constant 112 : i32
            %add3A_370 = vector.broadcast %add3A_369 : i32 to vector<16xi32>
            %add3A_371 = arith.addi %iota3A, %add3A_370 : vector<16xi32>
            tpu.vector_store_idx %arg10[%add3A_371], %broadcast_in_dim3A_3 : memref<128xi32, #tpu.memory_space<vmem>>[vector<16xi32>], vector<16xi32>,
          } else {
          }
          %eq3A_274 = arith.constant 128 : i32
          %eq3A_275 = arith.cmpi eq, %while3A_268, %eq3A_274 : i32
          %jit3A_276 = arith.constant 0 : i32
          %select_n3A_277 = arith.select %eq3A_275, %jit3A_276, %while3A_268 : i32
          %broadcast_in_dim3A_278 = vector.broadcast %while3A_267 : i32 to vector<16xi32>
          %eq3A_279 = arith.cmpi eq, %sub3A_244, %broadcast_in_dim3A_278 : vector<16xi32>
          %and3A_280 = arith.andi %and3A_235, %eq3A_279 : vector<16xi1>
          %jit3A_281 = arith.constant 0 : i32
          %broadcast_in_dim3A_282 = vector.broadcast %jit3A_281 : i32 to vector<16xi32>
          %select_n3A_283 = arith.select %and3A_280, %select_n3A_249, %broadcast_in_dim3A_282 : vector<16xi1>, vector<16xi32>
          %reduce_max3A = arith.constant true
          %reduce_max3A_284 = vector.broadcast %reduce_max3A : i1 to vector<16xi1>
          %reduce_max3A_285 = arith.constant -2147483648 : i32
          %reduce_max3A_286 = vector.broadcast %reduce_max3A_285 : i32 to vector<16xi32>
          %reduce_max3A_287 = arith.xori %select_n3A_283, %reduce_max3A_286 : vector<16xi32>
          %reduce_max3A_288 = tpu.scan <max>, %reduce_max3A_287 masked %reduce_max3A_284 : vector<16xi32>, vector<16xi1> -> vector<16xi32>
          %reduce_max3A_289 = arith.xori %reduce_max3A_288, %reduce_max3A_286 : vector<16xi32>
          %reduce_max3A_290 = vector.extract %reduce_max3A_289[15] : i32 from vector<16xi32>
          %jit3A_291 = arith.constant 0 : i32
          %broadcast_in_dim3A_292 = vector.broadcast %jit3A_291 : i32 to vector<16xi32>
          %select_n3A_293 = arith.select %and3A_280, %select_n3A_255, %broadcast_in_dim3A_292 : vector<16xi1>, vector<16xi32>
          %reduce_max3A_294 = arith.constant true
          %reduce_max3A_295 = vector.broadcast %reduce_max3A_294 : i1 to vector<16xi1>
          %reduce_max3A_296 = arith.constant -2147483648 : i32
          %reduce_max3A_297 = vector.broadcast %reduce_max3A_296 : i32 to vector<16xi32>
          %reduce_max3A_298 = arith.xori %select_n3A_293, %reduce_max3A_297 : vector<16xi32>
          %reduce_max3A_299 = tpu.scan <max>, %reduce_max3A_298 masked %reduce_max3A_295 : vector<16xi32>, vector<16xi1> -> vector<16xi32>
          %reduce_max3A_300 = arith.xori %reduce_max3A_299, %reduce_max3A_297 : vector<16xi32>
          %reduce_max3A_301 = vector.extract %reduce_max3A_300[15] : i32 from vector<16xi32>
          %broadcast_in_dim3A_302 = vector.broadcast %reduce_max3A_290 : i32 to vector<16xi32>
          %add3A_303 = arith.constant 0 : i32
          %add3A_304 = vector.broadcast %add3A_303 : i32 to vector<16xi32>
          %add3A_305 = arith.addi %iota3A, %add3A_304 : vector<16xi32>
          %gather3A = tpu.vector_load_idx %arg8[%add3A_305, %broadcast_in_dim3A_302] : memref<64x512xf32, #tpu.memory_space<vmem>>[vector<16xi32>, vector<16xi32>], vector<16xf32>,
          %swap3A = arith.index_cast %select_n3A_277 : i32 to index
          %swap3A_306 = arith.constant 0 : index
          %swap3A_307 = tpu.vector_load %arg9[%swap3A, %swap3A_306] {strides = array<i32>} : memref<128x128xf32, #tpu.memory_space<vmem>>, vector<16xf32>,
          tpu.vector_store %arg9[%swap3A, %swap3A_306], %gather3A {strides = array<i32>} : memref<128x128xf32, #tpu.memory_space<vmem>>, vector<16xf32>,
          %add3A_308 = arith.constant 16 : i32
          %add3A_309 = vector.broadcast %add3A_308 : i32 to vector<16xi32>
          %add3A_310 = arith.addi %iota3A, %add3A_309 : vector<16xi32>
          %gather3A_311 = tpu.vector_load_idx %arg8[%add3A_310, %broadcast_in_dim3A_302] : memref<64x512xf32, #tpu.memory_space<vmem>>[vector<16xi32>, vector<16xi32>], vector<16xf32>,
          %swap3A_312 = arith.index_cast %select_n3A_277 : i32 to index
          %swap3A_313 = arith.constant 16 : index
          %swap3A_314 = tpu.vector_load %arg9[%swap3A_312, %swap3A_313] {strides = array<i32>} : memref<128x128xf32, #tpu.memory_space<vmem>>, vector<16xf32>,
          tpu.vector_store %arg9[%swap3A_312, %swap3A_313], %gather3A_311 {strides = array<i32>} : memref<128x128xf32, #tpu.memory_space<vmem>>, vector<16xf32>,
          %add3A_315 = arith.constant 32 : i32
          %add3A_316 = vector.broadcast %add3A_315 : i32 to vector<16xi32>
          %add3A_317 = arith.addi %iota3A, %add3A_316 : vector<16xi32>
          %gather3A_318 = tpu.vector_load_idx %arg8[%add3A_317, %broadcast_in_dim3A_302] : memref<64x512xf32, #tpu.memory_space<vmem>>[vector<16xi32>, vector<16xi32>], vector<16xf32>,
          %swap3A_319 = arith.index_cast %select_n3A_277 : i32 to index
          %swap3A_320 = arith.constant 32 : index
          %swap3A_321 = tpu.vector_load %arg9[%swap3A_319, %swap3A_320] {strides = array<i32>} : memref<128x128xf32, #tpu.memory_space<vmem>>, vector<16xf32>,
          tpu.vector_store %arg9[%swap3A_319, %swap3A_320], %gather3A_318 {strides = array<i32>} : memref<128x128xf32, #tpu.memory_space<vmem>>, vector<16xf32>,
          %add3A_322 = arith.constant 48 : i32
          %add3A_323 = vector.broadcast %add3A_322 : i32 to vector<16xi32>
          %add3A_324 = arith.addi %iota3A, %add3A_323 : vector<16xi32>
          %gather3A_325 = tpu.vector_load_idx %arg8[%add3A_324, %broadcast_in_dim3A_302] : memref<64x512xf32, #tpu.memory_space<vmem>>[vector<16xi32>, vector<16xi32>], vector<16xf32>,
          %swap3A_326 = arith.index_cast %select_n3A_277 : i32 to index
          %swap3A_327 = arith.constant 48 : index
          %swap3A_328 = tpu.vector_load %arg9[%swap3A_326, %swap3A_327] {strides = array<i32>} : memref<128x128xf32, #tpu.memory_space<vmem>>, vector<16xf32>,
          tpu.vector_store %arg9[%swap3A_326, %swap3A_327], %gather3A_325 {strides = array<i32>} : memref<128x128xf32, #tpu.memory_space<vmem>>, vector<16xf32>,
          %broadcast_in_dim3A_329 = vector.broadcast %select_n3A_277 : i32 to vector<16xi32>
          %broadcast_in_dim3A_330 = vector.broadcast %reduce_max3A_301 : i32 to vector<16xi32>
          %eq3A_331 = arith.constant 0 : i32
          %eq3A_332 = vector.broadcast %eq3A_331 : i32 to vector<16xi32>
          %eq3A_333 = arith.cmpi eq, %iota3A, %eq3A_332 : vector<16xi32>
          tpu.vector_store_idx %arg10[%broadcast_in_dim3A_329], %broadcast_in_dim3A_330 masked %eq3A_333 : memref<128xi32, #tpu.memory_space<vmem>>[vector<16xi32>], vector<16xi32>, vector<16xi1>
          %add3A_334 = arith.constant 1 : i32
          %add3A_335 = arith.addi %select_n3A_277, %add3A_334 : i32
          scf.yield %add3A_335 : i32
        }
        %while3A_265 = arith.constant 1 : i32
        %while3A_266 = scf.for %while3A_267 = %while3A_262 to %while3A_258 step %while3A_265 iter_args(%while3A_268 = %while3A_264) -> (i32)  : i32 {
          %eq3A_269 = arith.constant 128 : i32
          %eq3A_270 = arith.cmpi eq, %while3A_268, %eq3A_269 : i32
          %convert_element_type3A_271 = arith.extui %eq3A_270 : i1 to i32
          %cond3A_272 = arith.constant 0 : i32
          %cond3A_273 = arith.cmpi ne, %convert_element_type3A_271, %cond3A_272 : i32
          scf.if %cond3A_273 {
            %dma_start3A_336 = arith.constant 2 : i32
            %dma_start3A_337 = arith.constant 0 : i32
            %dma_start3A_338 = arith.constant 0 : i32
            %dma_start3A_339 = tpu.memref_slice %arg4[%dma_start3A_337, %dma_start3A_338] : memref<16385x128xf32, #tpu.memory_space<hbm>> -> memref<16385x128xf32, #tpu.memory_space<hbm>>
            %dma_start3A_340 = tpu.memref_slice %arg11[%dma_start3A_336] : memref<4x!tpu.dma_semaphore, #tpu.memory_space<semaphore_mem>> -> memref<1x!tpu.dma_semaphore, #tpu.memory_space<semaphore_mem>>
            %dma_start3A_341 = tpu.memref_squeeze %dma_start3A_340 : memref<1x!tpu.dma_semaphore, #tpu.memory_space<semaphore_mem>> -> memref<!tpu.dma_semaphore, #tpu.memory_space<semaphore_mem>>
            tpu.enqueue_indirect_dma source(%arg9 : memref<128x128xf32, #tpu.memory_space<vmem>>) target(%dma_start3A_339 : memref<16385x128xf32, #tpu.memory_space<hbm>>) offsets(%arg10 : memref<128xi32, #tpu.memory_space<vmem>>) semaphore(%dma_start3A_341 : memref<!tpu.dma_semaphore, #tpu.memory_space<semaphore_mem>>)
            %dma_wait3A_342 = arith.constant 2 : i32
            %dma_wait3A_343 = arith.constant 0 : i32
            %dma_wait3A_344 = arith.constant 0 : i32
            %dma_wait3A_345 = tpu.memref_slice %arg4[%dma_wait3A_343, %dma_wait3A_344] : memref<16385x128xf32, #tpu.memory_space<hbm>> -> memref<16385x128xf32, #tpu.memory_space<hbm>>
            %dma_wait3A_346 = tpu.memref_slice %arg11[%dma_wait3A_342] : memref<4x!tpu.dma_semaphore, #tpu.memory_space<semaphore_mem>> -> memref<1x!tpu.dma_semaphore, #tpu.memory_space<semaphore_mem>>
            %dma_wait3A_347 = tpu.memref_squeeze %dma_wait3A_346 : memref<1x!tpu.dma_semaphore, #tpu.memory_space<semaphore_mem>> -> memref<!tpu.dma_semaphore, #tpu.memory_space<semaphore_mem>>
            tpu.wait_indirect_dma semaphore(%dma_wait3A_347 : memref<!tpu.dma_semaphore, #tpu.memory_space<semaphore_mem>>) src(%arg9 : memref<128x128xf32, #tpu.memory_space<vmem>>) dst(%dma_wait3A_345 : memref<16385x128xf32, #tpu.memory_space<hbm>>)
            %add3A_348 = arith.constant 0 : i32
            %add3A_349 = vector.broadcast %add3A_348 : i32 to vector<16xi32>
            %add3A_350 = arith.addi %iota3A, %add3A_349 : vector<16xi32>
            tpu.vector_store_idx %arg10[%add3A_350], %broadcast_in_dim3A_3 : memref<128xi32, #tpu.memory_space<vmem>>[vector<16xi32>], vector<16xi32>,
            %add3A_351 = arith.constant 16 : i32
            %add3A_352 = vector.broadcast %add3A_351 : i32 to vector<16xi32>
            %add3A_353 = arith.addi %iota3A, %add3A_352 : vector<16xi32>
            tpu.vector_store_idx %arg10[%add3A_353], %broadcast_in_dim3A_3 : memref<128xi32, #tpu.memory_space<vmem>>[vector<16xi32>], vector<16xi32>,
            %add3A_354 = arith.constant 32 : i32
            %add3A_355 = vector.broadcast %add3A_354 : i32 to vector<16xi32>
            %add3A_356 = arith.addi %iota3A, %add3A_355 : vector<16xi32>
            tpu.vector_store_idx %arg10[%add3A_356], %broadcast_in_dim3A_3 : memref<128xi32, #tpu.memory_space<vmem>>[vector<16xi32>], vector<16xi32>,
            %add3A_357 = arith.constant 48 : i32
            %add3A_358 = vector.broadcast %add3A_357 : i32 to vector<16xi32>
            %add3A_359 = arith.addi %iota3A, %add3A_358 : vector<16xi32>
            tpu.vector_store_idx %arg10[%add3A_359], %broadcast_in_dim3A_3 : memref<128xi32, #tpu.memory_space<vmem>>[vector<16xi32>], vector<16xi32>,
            %add3A_360 = arith.constant 64 : i32
            %add3A_361 = vector.broadcast %add3A_360 : i32 to vector<16xi32>
            %add3A_362 = arith.addi %iota3A, %add3A_361 : vector<16xi32>
            tpu.vector_store_idx %arg10[%add3A_362], %broadcast_in_dim3A_3 : memref<128xi32, #tpu.memory_space<vmem>>[vector<16xi32>], vector<16xi32>,
            %add3A_363 = arith.constant 80 : i32
            %add3A_364 = vector.broadcast %add3A_363 : i32 to vector<16xi32>
            %add3A_365 = arith.addi %iota3A, %add3A_364 : vector<16xi32>
            tpu.vector_store_idx %arg10[%add3A_365], %broadcast_in_dim3A_3 : memref<128xi32, #tpu.memory_space<vmem>>[vector<16xi32>], vector<16xi32>,
            %add3A_366 = arith.constant 96 : i32
            %add3A_367 = vector.broadcast %add3A_366 : i32 to vector<16xi32>
            %add3A_368 = arith.addi %iota3A, %add3A_367 : vector<16xi32>
            tpu.vector_store_idx %arg10[%add3A_368], %broadcast_in_dim3A_3 : memref<128xi32, #tpu.memory_space<vmem>>[vector<16xi32>], vector<16xi32>,
            %add3A_369 = arith.constant 112 : i32
            %add3A_370 = vector.broadcast %add3A_369 : i32 to vector<16xi32>
            %add3A_371 = arith.addi %iota3A, %add3A_370 : vector<16xi32>
            tpu.vector_store_idx %arg10[%add3A_371], %broadcast_in_dim3A_3 : memref<128xi32, #tpu.memory_space<vmem>>[vector<16xi32>], vector<16xi32>,
          } else {
          }
          %eq3A_274 = arith.constant 128 : i32
          %eq3A_275 = arith.cmpi eq, %while3A_268, %eq3A_274 : i32
          %jit3A_276 = arith.constant 0 : i32
          %select_n3A_277 = arith.select %eq3A_275, %jit3A_276, %while3A_268 : i32
          %broadcast_in_dim3A_278 = vector.broadcast %while3A_267 : i32 to vector<16xi32>
          %eq3A_279 = arith.cmpi eq, %sub3A_244, %broadcast_in_dim3A_278 : vector<16xi32>
          %and3A_280 = arith.andi %and3A_235, %eq3A_279 : vector<16xi1>
          %jit3A_281 = arith.constant 0 : i32
          %broadcast_in_dim3A_282 = vector.broadcast %jit3A_281 : i32 to vector<16xi32>
          %select_n3A_283 = arith.select %and3A_280, %select_n3A_249, %broadcast_in_dim3A_282 : vector<16xi1>, vector<16xi32>
          %reduce_max3A = arith.constant true
          %reduce_max3A_284 = vector.broadcast %reduce_max3A : i1 to vector<16xi1>
          %reduce_max3A_285 = arith.constant -2147483648 : i32
          %reduce_max3A_286 = vector.broadcast %reduce_max3A_285 : i32 to vector<16xi32>
          %reduce_max3A_287 = arith.xori %select_n3A_283, %reduce_max3A_286 : vector<16xi32>
          %reduce_max3A_288 = tpu.scan <max>, %reduce_max3A_287 masked %reduce_max3A_284 : vector<16xi32>, vector<16xi1> -> vector<16xi32>
          %reduce_max3A_289 = arith.xori %reduce_max3A_288, %reduce_max3A_286 : vector<16xi32>
          %reduce_max3A_290 = vector.extract %reduce_max3A_289[15] : i32 from vector<16xi32>
          %jit3A_291 = arith.constant 0 : i32
          %broadcast_in_dim3A_292 = vector.broadcast %jit3A_291 : i32 to vector<16xi32>
          %select_n3A_293 = arith.select %and3A_280, %select_n3A_255, %broadcast_in_dim3A_292 : vector<16xi1>, vector<16xi32>
          %reduce_max3A_294 = arith.constant true
          %reduce_max3A_295 = vector.broadcast %reduce_max3A_294 : i1 to vector<16xi1>
          %reduce_max3A_296 = arith.constant -2147483648 : i32
          %reduce_max3A_297 = vector.broadcast %reduce_max3A_296 : i32 to vector<16xi32>
          %reduce_max3A_298 = arith.xori %select_n3A_293, %reduce_max3A_297 : vector<16xi32>
          %reduce_max3A_299 = tpu.scan <max>, %reduce_max3A_298 masked %reduce_max3A_295 : vector<16xi32>, vector<16xi1> -> vector<16xi32>
          %reduce_max3A_300 = arith.xori %reduce_max3A_299, %reduce_max3A_297 : vector<16xi32>
          %reduce_max3A_301 = vector.extract %reduce_max3A_300[15] : i32 from vector<16xi32>
          %broadcast_in_dim3A_302 = vector.broadcast %reduce_max3A_290 : i32 to vector<16xi32>
          %add3A_303 = arith.constant 0 : i32
          %add3A_304 = vector.broadcast %add3A_303 : i32 to vector<16xi32>
          %add3A_305 = arith.addi %iota3A, %add3A_304 : vector<16xi32>
          %gather3A = tpu.vector_load_idx %arg8[%add3A_305, %broadcast_in_dim3A_302] : memref<64x512xf32, #tpu.memory_space<vmem>>[vector<16xi32>, vector<16xi32>], vector<16xf32>,
          %swap3A = arith.index_cast %select_n3A_277 : i32 to index
          %swap3A_306 = arith.constant 0 : index
          %swap3A_307 = tpu.vector_load %arg9[%swap3A, %swap3A_306] {strides = array<i32>} : memref<128x128xf32, #tpu.memory_space<vmem>>, vector<16xf32>,
          tpu.vector_store %arg9[%swap3A, %swap3A_306], %gather3A {strides = array<i32>} : memref<128x128xf32, #tpu.memory_space<vmem>>, vector<16xf32>,
          %add3A_308 = arith.constant 16 : i32
          %add3A_309 = vector.broadcast %add3A_308 : i32 to vector<16xi32>
          %add3A_310 = arith.addi %iota3A, %add3A_309 : vector<16xi32>
          %gather3A_311 = tpu.vector_load_idx %arg8[%add3A_310, %broadcast_in_dim3A_302] : memref<64x512xf32, #tpu.memory_space<vmem>>[vector<16xi32>, vector<16xi32>], vector<16xf32>,
          %swap3A_312 = arith.index_cast %select_n3A_277 : i32 to index
          %swap3A_313 = arith.constant 16 : index
          %swap3A_314 = tpu.vector_load %arg9[%swap3A_312, %swap3A_313] {strides = array<i32>} : memref<128x128xf32, #tpu.memory_space<vmem>>, vector<16xf32>,
          tpu.vector_store %arg9[%swap3A_312, %swap3A_313], %gather3A_311 {strides = array<i32>} : memref<128x128xf32, #tpu.memory_space<vmem>>, vector<16xf32>,
          %add3A_315 = arith.constant 32 : i32
          %add3A_316 = vector.broadcast %add3A_315 : i32 to vector<16xi32>
          %add3A_317 = arith.addi %iota3A, %add3A_316 : vector<16xi32>
          %gather3A_318 = tpu.vector_load_idx %arg8[%add3A_317, %broadcast_in_dim3A_302] : memref<64x512xf32, #tpu.memory_space<vmem>>[vector<16xi32>, vector<16xi32>], vector<16xf32>,
          %swap3A_319 = arith.index_cast %select_n3A_277 : i32 to index
          %swap3A_320 = arith.constant 32 : index
          %swap3A_321 = tpu.vector_load %arg9[%swap3A_319, %swap3A_320] {strides = array<i32>} : memref<128x128xf32, #tpu.memory_space<vmem>>, vector<16xf32>,
          tpu.vector_store %arg9[%swap3A_319, %swap3A_320], %gather3A_318 {strides = array<i32>} : memref<128x128xf32, #tpu.memory_space<vmem>>, vector<16xf32>,
          %add3A_322 = arith.constant 48 : i32
          %add3A_323 = vector.broadcast %add3A_322 : i32 to vector<16xi32>
          %add3A_324 = arith.addi %iota3A, %add3A_323 : vector<16xi32>
          %gather3A_325 = tpu.vector_load_idx %arg8[%add3A_324, %broadcast_in_dim3A_302] : memref<64x512xf32, #tpu.memory_space<vmem>>[vector<16xi32>, vector<16xi32>], vector<16xf32>,
          %swap3A_326 = arith.index_cast %select_n3A_277 : i32 to index
          %swap3A_327 = arith.constant 48 : index
          %swap3A_328 = tpu.vector_load %arg9[%swap3A_326, %swap3A_327] {strides = array<i32>} : memref<128x128xf32, #tpu.memory_space<vmem>>, vector<16xf32>,
          tpu.vector_store %arg9[%swap3A_326, %swap3A_327], %gather3A_325 {strides = array<i32>} : memref<128x128xf32, #tpu.memory_space<vmem>>, vector<16xf32>,
          %broadcast_in_dim3A_329 = vector.broadcast %select_n3A_277 : i32 to vector<16xi32>
          %broadcast_in_dim3A_330 = vector.broadcast %reduce_max3A_301 : i32 to vector<16xi32>
          %eq3A_331 = arith.constant 0 : i32
          %eq3A_332 = vector.broadcast %eq3A_331 : i32 to vector<16xi32>
          %eq3A_333 = arith.cmpi eq, %iota3A, %eq3A_332 : vector<16xi32>
          tpu.vector_store_idx %arg10[%broadcast_in_dim3A_329], %broadcast_in_dim3A_330 masked %eq3A_333 : memref<128xi32, #tpu.memory_space<vmem>>[vector<16xi32>], vector<16xi32>, vector<16xi1>
          %add3A_334 = arith.constant 1 : i32
          %add3A_335 = arith.addi %select_n3A_277, %add3A_334 : i32
          scf.yield %add3A_335 : i32
        }
        scf.yield %while3A_266 : i32
      }
      %while3A_207 = arith.constant 1 : i32
      %while3A_208 = scf.for %while3A_216 = %while3A_204 to %while3A_200 step %while3A_207 iter_args(%while3A_217 = %while3A_206) -> (i32)  : i32 {
        %mul3A_218 = arith.constant 16 : i32
        %mul3A_219 = arith.muli %while3A_216, %mul3A_218 : i32
        %get3A = arith.index_cast %mul3A_219 : i32 to index
        %get3A_220 = tpu.vector_load %arg6[%get3A] {strides = array<i32>} : memref<16384xi32, #tpu.memory_space<vmem>>, vector<16xi32>,
        %mul3A_221 = arith.constant 16 : i32
        %mul3A_222 = arith.muli %while3A_216, %mul3A_221 : i32
        %add3A_223 = vector.broadcast %mul3A_222 : i32 to vector<16xi32>
        %add3A_224 = arith.addi %iota3A, %add3A_223 : vector<16xi32>
        %lt3A_225 = vector.broadcast %scan3A_37 : i32 to vector<16xi32>
        %lt3A_226 = arith.cmpi slt, %add3A_224, %lt3A_225 : vector<16xi32>
        %shift_right_logical3A = arith.constant 14 : i32
        %shift_right_logical3A_227 = vector.broadcast %shift_right_logical3A : i32 to vector<16xi32>
        %shift_right_logical3A_228 = arith.shrui %get3A_220, %shift_right_logical3A_227 : vector<16xi32>
        %ge3A = vector.broadcast %mul3A_197 : i32 to vector<16xi32>
        %ge3A_229 = arith.cmpi sge, %shift_right_logical3A_228, %ge3A : vector<16xi32>
        %and3A_230 = arith.andi %lt3A_226, %ge3A_229 : vector<16xi1>
        %add3A_231 = arith.constant 512 : i32
        %add3A_232 = arith.addi %mul3A_197, %add3A_231 : i32
        %lt3A_233 = vector.broadcast %add3A_232 : i32 to vector<16xi32>
        %lt3A_234 = arith.cmpi slt, %shift_right_logical3A_228, %lt3A_233 : vector<16xi32>
        %and3A_235 = arith.andi %and3A_230, %lt3A_234 : vector<16xi1>
        %jit3A_236 = arith.constant 1 : i32
        %jit3A_237 = arith.constant 0 : i32
        %broadcast_in_dim3A_238 = vector.broadcast %jit3A_236 : i32 to vector<16xi32>
        %broadcast_in_dim3A_239 = vector.broadcast %jit3A_237 : i32 to vector<16xi32>
        %select_n3A_240 = arith.select %and3A_235, %broadcast_in_dim3A_238, %broadcast_in_dim3A_239 : vector<16xi1>, vector<16xi32>
        %broadcast_in_dim3A_241 = arith.constant true
        %broadcast_in_dim3A_242 = vector.broadcast %broadcast_in_dim3A_241 : i1 to vector<16xi1>
        %masked_cumsum3A = tpu.scan <sum>, %select_n3A_240 masked %broadcast_in_dim3A_242 : vector<16xi32>, vector<16xi1> -> vector<16xi32>
        %sub3A = arith.constant 1 : i32
        %sub3A_243 = vector.broadcast %sub3A : i32 to vector<16xi32>
        %sub3A_244 = arith.subi %masked_cumsum3A, %sub3A_243 : vector<16xi32>
        %all_reduce_population_count3A = tpu.all_reduce %and3A_235 {dim = 0 : i64, kind = #tpu.reduction_kind<sum>} : vector<16xi1> -> vector<16xi32>
        %slice3A = vector.extract_strided_slice %all_reduce_population_count3A {offsets = [0], sizes = [1], strides = [1]} : vector<16xi32> to vector<1xi32>
        %squeeze3A = vector.extract %slice3A[0] : i32 from vector<1xi32>
        %sub3A_245 = vector.broadcast %mul3A_197 : i32 to vector<16xi32>
        %sub3A_246 = arith.subi %shift_right_logical3A_228, %sub3A_245 : vector<16xi32>
        %jit3A_247 = arith.constant 0 : i32
        %broadcast_in_dim3A_248 = vector.broadcast %jit3A_247 : i32 to vector<16xi32>
        %select_n3A_249 = arith.select %and3A_235, %sub3A_246, %broadcast_in_dim3A_248 : vector<16xi1>, vector<16xi32>
        %and3A_250 = arith.constant 16383 : i32
        %and3A_251 = vector.broadcast %and3A_250 : i32 to vector<16xi32>
        %and3A_252 = arith.andi %get3A_220, %and3A_251 : vector<16xi32>
        %jit3A_253 = arith.constant 0 : i32
        %broadcast_in_dim3A_254 = vector.broadcast %jit3A_253 : i32 to vector<16xi32>
        %select_n3A_255 = arith.select %and3A_235, %and3A_252, %broadcast_in_dim3A_254 : vector<16xi1>, vector<16xi32>
        %while3A_256 = arith.constant 0 : i32
        %while3A_257 = arith.subi %squeeze3A, %while3A_256 : i32
        %while3A_258 = arith.addi %while3A_256, %while3A_257 : i32
        %while3A_259 = arith.constant 1 : i32
        %while3A_260 = arith.divsi %while3A_257, %while3A_259 : i32
        %while3A_261 = arith.muli %while3A_260, %while3A_259 : i32
        %while3A_262 = arith.addi %while3A_256, %while3A_261 : i32
        %while3A_263 = arith.constant 1 : i32
        %while3A_264 = scf.for %while3A_267 = %while3A_256 to %while3A_262 step %while3A_263 iter_args(%while3A_268 = %while3A_217) -> (i32)  : i32 {
          %eq3A_269 = arith.constant 128 : i32
          %eq3A_270 = arith.cmpi eq, %while3A_268, %eq3A_269 : i32
          %convert_element_type3A_271 = arith.extui %eq3A_270 : i1 to i32
          %cond3A_272 = arith.constant 0 : i32
          %cond3A_273 = arith.cmpi ne, %convert_element_type3A_271, %cond3A_272 : i32
          scf.if %cond3A_273 {
            %dma_start3A_336 = arith.constant 2 : i32
            %dma_start3A_337 = arith.constant 0 : i32
            %dma_start3A_338 = arith.constant 0 : i32
            %dma_start3A_339 = tpu.memref_slice %arg4[%dma_start3A_337, %dma_start3A_338] : memref<16385x128xf32, #tpu.memory_space<hbm>> -> memref<16385x128xf32, #tpu.memory_space<hbm>>
            %dma_start3A_340 = tpu.memref_slice %arg11[%dma_start3A_336] : memref<4x!tpu.dma_semaphore, #tpu.memory_space<semaphore_mem>> -> memref<1x!tpu.dma_semaphore, #tpu.memory_space<semaphore_mem>>
            %dma_start3A_341 = tpu.memref_squeeze %dma_start3A_340 : memref<1x!tpu.dma_semaphore, #tpu.memory_space<semaphore_mem>> -> memref<!tpu.dma_semaphore, #tpu.memory_space<semaphore_mem>>
            tpu.enqueue_indirect_dma source(%arg9 : memref<128x128xf32, #tpu.memory_space<vmem>>) target(%dma_start3A_339 : memref<16385x128xf32, #tpu.memory_space<hbm>>) offsets(%arg10 : memref<128xi32, #tpu.memory_space<vmem>>) semaphore(%dma_start3A_341 : memref<!tpu.dma_semaphore, #tpu.memory_space<semaphore_mem>>)
            %dma_wait3A_342 = arith.constant 2 : i32
            %dma_wait3A_343 = arith.constant 0 : i32
            %dma_wait3A_344 = arith.constant 0 : i32
            %dma_wait3A_345 = tpu.memref_slice %arg4[%dma_wait3A_343, %dma_wait3A_344] : memref<16385x128xf32, #tpu.memory_space<hbm>> -> memref<16385x128xf32, #tpu.memory_space<hbm>>
            %dma_wait3A_346 = tpu.memref_slice %arg11[%dma_wait3A_342] : memref<4x!tpu.dma_semaphore, #tpu.memory_space<semaphore_mem>> -> memref<1x!tpu.dma_semaphore, #tpu.memory_space<semaphore_mem>>
            %dma_wait3A_347 = tpu.memref_squeeze %dma_wait3A_346 : memref<1x!tpu.dma_semaphore, #tpu.memory_space<semaphore_mem>> -> memref<!tpu.dma_semaphore, #tpu.memory_space<semaphore_mem>>
            tpu.wait_indirect_dma semaphore(%dma_wait3A_347 : memref<!tpu.dma_semaphore, #tpu.memory_space<semaphore_mem>>) src(%arg9 : memref<128x128xf32, #tpu.memory_space<vmem>>) dst(%dma_wait3A_345 : memref<16385x128xf32, #tpu.memory_space<hbm>>)
            %add3A_348 = arith.constant 0 : i32
            %add3A_349 = vector.broadcast %add3A_348 : i32 to vector<16xi32>
            %add3A_350 = arith.addi %iota3A, %add3A_349 : vector<16xi32>
            tpu.vector_store_idx %arg10[%add3A_350], %broadcast_in_dim3A_3 : memref<128xi32, #tpu.memory_space<vmem>>[vector<16xi32>], vector<16xi32>,
            %add3A_351 = arith.constant 16 : i32
            %add3A_352 = vector.broadcast %add3A_351 : i32 to vector<16xi32>
            %add3A_353 = arith.addi %iota3A, %add3A_352 : vector<16xi32>
            tpu.vector_store_idx %arg10[%add3A_353], %broadcast_in_dim3A_3 : memref<128xi32, #tpu.memory_space<vmem>>[vector<16xi32>], vector<16xi32>,
            %add3A_354 = arith.constant 32 : i32
            %add3A_355 = vector.broadcast %add3A_354 : i32 to vector<16xi32>
            %add3A_356 = arith.addi %iota3A, %add3A_355 : vector<16xi32>
            tpu.vector_store_idx %arg10[%add3A_356], %broadcast_in_dim3A_3 : memref<128xi32, #tpu.memory_space<vmem>>[vector<16xi32>], vector<16xi32>,
            %add3A_357 = arith.constant 48 : i32
            %add3A_358 = vector.broadcast %add3A_357 : i32 to vector<16xi32>
            %add3A_359 = arith.addi %iota3A, %add3A_358 : vector<16xi32>
            tpu.vector_store_idx %arg10[%add3A_359], %broadcast_in_dim3A_3 : memref<128xi32, #tpu.memory_space<vmem>>[vector<16xi32>], vector<16xi32>,
            %add3A_360 = arith.constant 64 : i32
            %add3A_361 = vector.broadcast %add3A_360 : i32 to vector<16xi32>
            %add3A_362 = arith.addi %iota3A, %add3A_361 : vector<16xi32>
            tpu.vector_store_idx %arg10[%add3A_362], %broadcast_in_dim3A_3 : memref<128xi32, #tpu.memory_space<vmem>>[vector<16xi32>], vector<16xi32>,
            %add3A_363 = arith.constant 80 : i32
            %add3A_364 = vector.broadcast %add3A_363 : i32 to vector<16xi32>
            %add3A_365 = arith.addi %iota3A, %add3A_364 : vector<16xi32>
            tpu.vector_store_idx %arg10[%add3A_365], %broadcast_in_dim3A_3 : memref<128xi32, #tpu.memory_space<vmem>>[vector<16xi32>], vector<16xi32>,
            %add3A_366 = arith.constant 96 : i32
            %add3A_367 = vector.broadcast %add3A_366 : i32 to vector<16xi32>
            %add3A_368 = arith.addi %iota3A, %add3A_367 : vector<16xi32>
            tpu.vector_store_idx %arg10[%add3A_368], %broadcast_in_dim3A_3 : memref<128xi32, #tpu.memory_space<vmem>>[vector<16xi32>], vector<16xi32>,
            %add3A_369 = arith.constant 112 : i32
            %add3A_370 = vector.broadcast %add3A_369 : i32 to vector<16xi32>
            %add3A_371 = arith.addi %iota3A, %add3A_370 : vector<16xi32>
            tpu.vector_store_idx %arg10[%add3A_371], %broadcast_in_dim3A_3 : memref<128xi32, #tpu.memory_space<vmem>>[vector<16xi32>], vector<16xi32>,
          } else {
          }
          %eq3A_274 = arith.constant 128 : i32
          %eq3A_275 = arith.cmpi eq, %while3A_268, %eq3A_274 : i32
          %jit3A_276 = arith.constant 0 : i32
          %select_n3A_277 = arith.select %eq3A_275, %jit3A_276, %while3A_268 : i32
          %broadcast_in_dim3A_278 = vector.broadcast %while3A_267 : i32 to vector<16xi32>
          %eq3A_279 = arith.cmpi eq, %sub3A_244, %broadcast_in_dim3A_278 : vector<16xi32>
          %and3A_280 = arith.andi %and3A_235, %eq3A_279 : vector<16xi1>
          %jit3A_281 = arith.constant 0 : i32
          %broadcast_in_dim3A_282 = vector.broadcast %jit3A_281 : i32 to vector<16xi32>
          %select_n3A_283 = arith.select %and3A_280, %select_n3A_249, %broadcast_in_dim3A_282 : vector<16xi1>, vector<16xi32>
          %reduce_max3A = arith.constant true
          %reduce_max3A_284 = vector.broadcast %reduce_max3A : i1 to vector<16xi1>
          %reduce_max3A_285 = arith.constant -2147483648 : i32
          %reduce_max3A_286 = vector.broadcast %reduce_max3A_285 : i32 to vector<16xi32>
          %reduce_max3A_287 = arith.xori %select_n3A_283, %reduce_max3A_286 : vector<16xi32>
          %reduce_max3A_288 = tpu.scan <max>, %reduce_max3A_287 masked %reduce_max3A_284 : vector<16xi32>, vector<16xi1> -> vector<16xi32>
          %reduce_max3A_289 = arith.xori %reduce_max3A_288, %reduce_max3A_286 : vector<16xi32>
          %reduce_max3A_290 = vector.extract %reduce_max3A_289[15] : i32 from vector<16xi32>
          %jit3A_291 = arith.constant 0 : i32
          %broadcast_in_dim3A_292 = vector.broadcast %jit3A_291 : i32 to vector<16xi32>
          %select_n3A_293 = arith.select %and3A_280, %select_n3A_255, %broadcast_in_dim3A_292 : vector<16xi1>, vector<16xi32>
          %reduce_max3A_294 = arith.constant true
          %reduce_max3A_295 = vector.broadcast %reduce_max3A_294 : i1 to vector<16xi1>
          %reduce_max3A_296 = arith.constant -2147483648 : i32
          %reduce_max3A_297 = vector.broadcast %reduce_max3A_296 : i32 to vector<16xi32>
          %reduce_max3A_298 = arith.xori %select_n3A_293, %reduce_max3A_297 : vector<16xi32>
          %reduce_max3A_299 = tpu.scan <max>, %reduce_max3A_298 masked %reduce_max3A_295 : vector<16xi32>, vector<16xi1> -> vector<16xi32>
          %reduce_max3A_300 = arith.xori %reduce_max3A_299, %reduce_max3A_297 : vector<16xi32>
          %reduce_max3A_301 = vector.extract %reduce_max3A_300[15] : i32 from vector<16xi32>
          %broadcast_in_dim3A_302 = vector.broadcast %reduce_max3A_290 : i32 to vector<16xi32>
          %add3A_303 = arith.constant 0 : i32
          %add3A_304 = vector.broadcast %add3A_303 : i32 to vector<16xi32>
          %add3A_305 = arith.addi %iota3A, %add3A_304 : vector<16xi32>
          %gather3A = tpu.vector_load_idx %arg8[%add3A_305, %broadcast_in_dim3A_302] : memref<64x512xf32, #tpu.memory_space<vmem>>[vector<16xi32>, vector<16xi32>], vector<16xf32>,
          %swap3A = arith.index_cast %select_n3A_277 : i32 to index
          %swap3A_306 = arith.constant 0 : index
          %swap3A_307 = tpu.vector_load %arg9[%swap3A, %swap3A_306] {strides = array<i32>} : memref<128x128xf32, #tpu.memory_space<vmem>>, vector<16xf32>,
          tpu.vector_store %arg9[%swap3A, %swap3A_306], %gather3A {strides = array<i32>} : memref<128x128xf32, #tpu.memory_space<vmem>>, vector<16xf32>,
          %add3A_308 = arith.constant 16 : i32
          %add3A_309 = vector.broadcast %add3A_308 : i32 to vector<16xi32>
          %add3A_310 = arith.addi %iota3A, %add3A_309 : vector<16xi32>
          %gather3A_311 = tpu.vector_load_idx %arg8[%add3A_310, %broadcast_in_dim3A_302] : memref<64x512xf32, #tpu.memory_space<vmem>>[vector<16xi32>, vector<16xi32>], vector<16xf32>,
          %swap3A_312 = arith.index_cast %select_n3A_277 : i32 to index
          %swap3A_313 = arith.constant 16 : index
          %swap3A_314 = tpu.vector_load %arg9[%swap3A_312, %swap3A_313] {strides = array<i32>} : memref<128x128xf32, #tpu.memory_space<vmem>>, vector<16xf32>,
          tpu.vector_store %arg9[%swap3A_312, %swap3A_313], %gather3A_311 {strides = array<i32>} : memref<128x128xf32, #tpu.memory_space<vmem>>, vector<16xf32>,
          %add3A_315 = arith.constant 32 : i32
          %add3A_316 = vector.broadcast %add3A_315 : i32 to vector<16xi32>
          %add3A_317 = arith.addi %iota3A, %add3A_316 : vector<16xi32>
          %gather3A_318 = tpu.vector_load_idx %arg8[%add3A_317, %broadcast_in_dim3A_302] : memref<64x512xf32, #tpu.memory_space<vmem>>[vector<16xi32>, vector<16xi32>], vector<16xf32>,
          %swap3A_319 = arith.index_cast %select_n3A_277 : i32 to index
          %swap3A_320 = arith.constant 32 : index
          %swap3A_321 = tpu.vector_load %arg9[%swap3A_319, %swap3A_320] {strides = array<i32>} : memref<128x128xf32, #tpu.memory_space<vmem>>, vector<16xf32>,
          tpu.vector_store %arg9[%swap3A_319, %swap3A_320], %gather3A_318 {strides = array<i32>} : memref<128x128xf32, #tpu.memory_space<vmem>>, vector<16xf32>,
          %add3A_322 = arith.constant 48 : i32
          %add3A_323 = vector.broadcast %add3A_322 : i32 to vector<16xi32>
          %add3A_324 = arith.addi %iota3A, %add3A_323 : vector<16xi32>
          %gather3A_325 = tpu.vector_load_idx %arg8[%add3A_324, %broadcast_in_dim3A_302] : memref<64x512xf32, #tpu.memory_space<vmem>>[vector<16xi32>, vector<16xi32>], vector<16xf32>,
          %swap3A_326 = arith.index_cast %select_n3A_277 : i32 to index
          %swap3A_327 = arith.constant 48 : index
          %swap3A_328 = tpu.vector_load %arg9[%swap3A_326, %swap3A_327] {strides = array<i32>} : memref<128x128xf32, #tpu.memory_space<vmem>>, vector<16xf32>,
          tpu.vector_store %arg9[%swap3A_326, %swap3A_327], %gather3A_325 {strides = array<i32>} : memref<128x128xf32, #tpu.memory_space<vmem>>, vector<16xf32>,
          %broadcast_in_dim3A_329 = vector.broadcast %select_n3A_277 : i32 to vector<16xi32>
          %broadcast_in_dim3A_330 = vector.broadcast %reduce_max3A_301 : i32 to vector<16xi32>
          %eq3A_331 = arith.constant 0 : i32
          %eq3A_332 = vector.broadcast %eq3A_331 : i32 to vector<16xi32>
          %eq3A_333 = arith.cmpi eq, %iota3A, %eq3A_332 : vector<16xi32>
          tpu.vector_store_idx %arg10[%broadcast_in_dim3A_329], %broadcast_in_dim3A_330 masked %eq3A_333 : memref<128xi32, #tpu.memory_space<vmem>>[vector<16xi32>], vector<16xi32>, vector<16xi1>
          %add3A_334 = arith.constant 1 : i32
          %add3A_335 = arith.addi %select_n3A_277, %add3A_334 : i32
          scf.yield %add3A_335 : i32
        }
        %while3A_265 = arith.constant 1 : i32
        %while3A_266 = scf.for %while3A_267 = %while3A_262 to %while3A_258 step %while3A_265 iter_args(%while3A_268 = %while3A_264) -> (i32)  : i32 {
          %eq3A_269 = arith.constant 128 : i32
          %eq3A_270 = arith.cmpi eq, %while3A_268, %eq3A_269 : i32
          %convert_element_type3A_271 = arith.extui %eq3A_270 : i1 to i32
          %cond3A_272 = arith.constant 0 : i32
          %cond3A_273 = arith.cmpi ne, %convert_element_type3A_271, %cond3A_272 : i32
          scf.if %cond3A_273 {
            %dma_start3A_336 = arith.constant 2 : i32
            %dma_start3A_337 = arith.constant 0 : i32
            %dma_start3A_338 = arith.constant 0 : i32
            %dma_start3A_339 = tpu.memref_slice %arg4[%dma_start3A_337, %dma_start3A_338] : memref<16385x128xf32, #tpu.memory_space<hbm>> -> memref<16385x128xf32, #tpu.memory_space<hbm>>
            %dma_start3A_340 = tpu.memref_slice %arg11[%dma_start3A_336] : memref<4x!tpu.dma_semaphore, #tpu.memory_space<semaphore_mem>> -> memref<1x!tpu.dma_semaphore, #tpu.memory_space<semaphore_mem>>
            %dma_start3A_341 = tpu.memref_squeeze %dma_start3A_340 : memref<1x!tpu.dma_semaphore, #tpu.memory_space<semaphore_mem>> -> memref<!tpu.dma_semaphore, #tpu.memory_space<semaphore_mem>>
            tpu.enqueue_indirect_dma source(%arg9 : memref<128x128xf32, #tpu.memory_space<vmem>>) target(%dma_start3A_339 : memref<16385x128xf32, #tpu.memory_space<hbm>>) offsets(%arg10 : memref<128xi32, #tpu.memory_space<vmem>>) semaphore(%dma_start3A_341 : memref<!tpu.dma_semaphore, #tpu.memory_space<semaphore_mem>>)
            %dma_wait3A_342 = arith.constant 2 : i32
            %dma_wait3A_343 = arith.constant 0 : i32
            %dma_wait3A_344 = arith.constant 0 : i32
            %dma_wait3A_345 = tpu.memref_slice %arg4[%dma_wait3A_343, %dma_wait3A_344] : memref<16385x128xf32, #tpu.memory_space<hbm>> -> memref<16385x128xf32, #tpu.memory_space<hbm>>
            %dma_wait3A_346 = tpu.memref_slice %arg11[%dma_wait3A_342] : memref<4x!tpu.dma_semaphore, #tpu.memory_space<semaphore_mem>> -> memref<1x!tpu.dma_semaphore, #tpu.memory_space<semaphore_mem>>
            %dma_wait3A_347 = tpu.memref_squeeze %dma_wait3A_346 : memref<1x!tpu.dma_semaphore, #tpu.memory_space<semaphore_mem>> -> memref<!tpu.dma_semaphore, #tpu.memory_space<semaphore_mem>>
            tpu.wait_indirect_dma semaphore(%dma_wait3A_347 : memref<!tpu.dma_semaphore, #tpu.memory_space<semaphore_mem>>) src(%arg9 : memref<128x128xf32, #tpu.memory_space<vmem>>) dst(%dma_wait3A_345 : memref<16385x128xf32, #tpu.memory_space<hbm>>)
            %add3A_348 = arith.constant 0 : i32
            %add3A_349 = vector.broadcast %add3A_348 : i32 to vector<16xi32>
            %add3A_350 = arith.addi %iota3A, %add3A_349 : vector<16xi32>
            tpu.vector_store_idx %arg10[%add3A_350], %broadcast_in_dim3A_3 : memref<128xi32, #tpu.memory_space<vmem>>[vector<16xi32>], vector<16xi32>,
            %add3A_351 = arith.constant 16 : i32
            %add3A_352 = vector.broadcast %add3A_351 : i32 to vector<16xi32>
            %add3A_353 = arith.addi %iota3A, %add3A_352 : vector<16xi32>
            tpu.vector_store_idx %arg10[%add3A_353], %broadcast_in_dim3A_3 : memref<128xi32, #tpu.memory_space<vmem>>[vector<16xi32>], vector<16xi32>,
            %add3A_354 = arith.constant 32 : i32
            %add3A_355 = vector.broadcast %add3A_354 : i32 to vector<16xi32>
            %add3A_356 = arith.addi %iota3A, %add3A_355 : vector<16xi32>
            tpu.vector_store_idx %arg10[%add3A_356], %broadcast_in_dim3A_3 : memref<128xi32, #tpu.memory_space<vmem>>[vector<16xi32>], vector<16xi32>,
            %add3A_357 = arith.constant 48 : i32
            %add3A_358 = vector.broadcast %add3A_357 : i32 to vector<16xi32>
            %add3A_359 = arith.addi %iota3A, %add3A_358 : vector<16xi32>
            tpu.vector_store_idx %arg10[%add3A_359], %broadcast_in_dim3A_3 : memref<128xi32, #tpu.memory_space<vmem>>[vector<16xi32>], vector<16xi32>,
            %add3A_360 = arith.constant 64 : i32
            %add3A_361 = vector.broadcast %add3A_360 : i32 to vector<16xi32>
            %add3A_362 = arith.addi %iota3A, %add3A_361 : vector<16xi32>
            tpu.vector_store_idx %arg10[%add3A_362], %broadcast_in_dim3A_3 : memref<128xi32, #tpu.memory_space<vmem>>[vector<16xi32>], vector<16xi32>,
            %add3A_363 = arith.constant 80 : i32
            %add3A_364 = vector.broadcast %add3A_363 : i32 to vector<16xi32>
            %add3A_365 = arith.addi %iota3A, %add3A_364 : vector<16xi32>
            tpu.vector_store_idx %arg10[%add3A_365], %broadcast_in_dim3A_3 : memref<128xi32, #tpu.memory_space<vmem>>[vector<16xi32>], vector<16xi32>,
            %add3A_366 = arith.constant 96 : i32
            %add3A_367 = vector.broadcast %add3A_366 : i32 to vector<16xi32>
            %add3A_368 = arith.addi %iota3A, %add3A_367 : vector<16xi32>
            tpu.vector_store_idx %arg10[%add3A_368], %broadcast_in_dim3A_3 : memref<128xi32, #tpu.memory_space<vmem>>[vector<16xi32>], vector<16xi32>,
            %add3A_369 = arith.constant 112 : i32
            %add3A_370 = vector.broadcast %add3A_369 : i32 to vector<16xi32>
            %add3A_371 = arith.addi %iota3A, %add3A_370 : vector<16xi32>
            tpu.vector_store_idx %arg10[%add3A_371], %broadcast_in_dim3A_3 : memref<128xi32, #tpu.memory_space<vmem>>[vector<16xi32>], vector<16xi32>,
          } else {
          }
          %eq3A_274 = arith.constant 128 : i32
          %eq3A_275 = arith.cmpi eq, %while3A_268, %eq3A_274 : i32
          %jit3A_276 = arith.constant 0 : i32
          %select_n3A_277 = arith.select %eq3A_275, %jit3A_276, %while3A_268 : i32
          %broadcast_in_dim3A_278 = vector.broadcast %while3A_267 : i32 to vector<16xi32>
          %eq3A_279 = arith.cmpi eq, %sub3A_244, %broadcast_in_dim3A_278 : vector<16xi32>
          %and3A_280 = arith.andi %and3A_235, %eq3A_279 : vector<16xi1>
          %jit3A_281 = arith.constant 0 : i32
          %broadcast_in_dim3A_282 = vector.broadcast %jit3A_281 : i32 to vector<16xi32>
          %select_n3A_283 = arith.select %and3A_280, %select_n3A_249, %broadcast_in_dim3A_282 : vector<16xi1>, vector<16xi32>
          %reduce_max3A = arith.constant true
          %reduce_max3A_284 = vector.broadcast %reduce_max3A : i1 to vector<16xi1>
          %reduce_max3A_285 = arith.constant -2147483648 : i32
          %reduce_max3A_286 = vector.broadcast %reduce_max3A_285 : i32 to vector<16xi32>
          %reduce_max3A_287 = arith.xori %select_n3A_283, %reduce_max3A_286 : vector<16xi32>
          %reduce_max3A_288 = tpu.scan <max>, %reduce_max3A_287 masked %reduce_max3A_284 : vector<16xi32>, vector<16xi1> -> vector<16xi32>
          %reduce_max3A_289 = arith.xori %reduce_max3A_288, %reduce_max3A_286 : vector<16xi32>
          %reduce_max3A_290 = vector.extract %reduce_max3A_289[15] : i32 from vector<16xi32>
          %jit3A_291 = arith.constant 0 : i32
          %broadcast_in_dim3A_292 = vector.broadcast %jit3A_291 : i32 to vector<16xi32>
          %select_n3A_293 = arith.select %and3A_280, %select_n3A_255, %broadcast_in_dim3A_292 : vector<16xi1>, vector<16xi32>
          %reduce_max3A_294 = arith.constant true
          %reduce_max3A_295 = vector.broadcast %reduce_max3A_294 : i1 to vector<16xi1>
          %reduce_max3A_296 = arith.constant -2147483648 : i32
          %reduce_max3A_297 = vector.broadcast %reduce_max3A_296 : i32 to vector<16xi32>
          %reduce_max3A_298 = arith.xori %select_n3A_293, %reduce_max3A_297 : vector<16xi32>
          %reduce_max3A_299 = tpu.scan <max>, %reduce_max3A_298 masked %reduce_max3A_295 : vector<16xi32>, vector<16xi1> -> vector<16xi32>
          %reduce_max3A_300 = arith.xori %reduce_max3A_299, %reduce_max3A_297 : vector<16xi32>
          %reduce_max3A_301 = vector.extract %reduce_max3A_300[15] : i32 from vector<16xi32>
          %broadcast_in_dim3A_302 = vector.broadcast %reduce_max3A_290 : i32 to vector<16xi32>
          %add3A_303 = arith.constant 0 : i32
          %add3A_304 = vector.broadcast %add3A_303 : i32 to vector<16xi32>
          %add3A_305 = arith.addi %iota3A, %add3A_304 : vector<16xi32>
          %gather3A = tpu.vector_load_idx %arg8[%add3A_305, %broadcast_in_dim3A_302] : memref<64x512xf32, #tpu.memory_space<vmem>>[vector<16xi32>, vector<16xi32>], vector<16xf32>,
          %swap3A = arith.index_cast %select_n3A_277 : i32 to index
          %swap3A_306 = arith.constant 0 : index
          %swap3A_307 = tpu.vector_load %arg9[%swap3A, %swap3A_306] {strides = array<i32>} : memref<128x128xf32, #tpu.memory_space<vmem>>, vector<16xf32>,
          tpu.vector_store %arg9[%swap3A, %swap3A_306], %gather3A {strides = array<i32>} : memref<128x128xf32, #tpu.memory_space<vmem>>, vector<16xf32>,
          %add3A_308 = arith.constant 16 : i32
          %add3A_309 = vector.broadcast %add3A_308 : i32 to vector<16xi32>
          %add3A_310 = arith.addi %iota3A, %add3A_309 : vector<16xi32>
          %gather3A_311 = tpu.vector_load_idx %arg8[%add3A_310, %broadcast_in_dim3A_302] : memref<64x512xf32, #tpu.memory_space<vmem>>[vector<16xi32>, vector<16xi32>], vector<16xf32>,
          %swap3A_312 = arith.index_cast %select_n3A_277 : i32 to index
          %swap3A_313 = arith.constant 16 : index
          %swap3A_314 = tpu.vector_load %arg9[%swap3A_312, %swap3A_313] {strides = array<i32>} : memref<128x128xf32, #tpu.memory_space<vmem>>, vector<16xf32>,
          tpu.vector_store %arg9[%swap3A_312, %swap3A_313], %gather3A_311 {strides = array<i32>} : memref<128x128xf32, #tpu.memory_space<vmem>>, vector<16xf32>,
          %add3A_315 = arith.constant 32 : i32
          %add3A_316 = vector.broadcast %add3A_315 : i32 to vector<16xi32>
          %add3A_317 = arith.addi %iota3A, %add3A_316 : vector<16xi32>
          %gather3A_318 = tpu.vector_load_idx %arg8[%add3A_317, %broadcast_in_dim3A_302] : memref<64x512xf32, #tpu.memory_space<vmem>>[vector<16xi32>, vector<16xi32>], vector<16xf32>,
          %swap3A_319 = arith.index_cast %select_n3A_277 : i32 to index
          %swap3A_320 = arith.constant 32 : index
          %swap3A_321 = tpu.vector_load %arg9[%swap3A_319, %swap3A_320] {strides = array<i32>} : memref<128x128xf32, #tpu.memory_space<vmem>>, vector<16xf32>,
          tpu.vector_store %arg9[%swap3A_319, %swap3A_320], %gather3A_318 {strides = array<i32>} : memref<128x128xf32, #tpu.memory_space<vmem>>, vector<16xf32>,
          %add3A_322 = arith.constant 48 : i32
          %add3A_323 = vector.broadcast %add3A_322 : i32 to vector<16xi32>
          %add3A_324 = arith.addi %iota3A, %add3A_323 : vector<16xi32>
          %gather3A_325 = tpu.vector_load_idx %arg8[%add3A_324, %broadcast_in_dim3A_302] : memref<64x512xf32, #tpu.memory_space<vmem>>[vector<16xi32>, vector<16xi32>], vector<16xf32>,
          %swap3A_326 = arith.index_cast %select_n3A_277 : i32 to index
          %swap3A_327 = arith.constant 48 : index
          %swap3A_328 = tpu.vector_load %arg9[%swap3A_326, %swap3A_327] {strides = array<i32>} : memref<128x128xf32, #tpu.memory_space<vmem>>, vector<16xf32>,
          tpu.vector_store %arg9[%swap3A_326, %swap3A_327], %gather3A_325 {strides = array<i32>} : memref<128x128xf32, #tpu.memory_space<vmem>>, vector<16xf32>,
          %broadcast_in_dim3A_329 = vector.broadcast %select_n3A_277 : i32 to vector<16xi32>
          %broadcast_in_dim3A_330 = vector.broadcast %reduce_max3A_301 : i32 to vector<16xi32>
          %eq3A_331 = arith.constant 0 : i32
          %eq3A_332 = vector.broadcast %eq3A_331 : i32 to vector<16xi32>
          %eq3A_333 = arith.cmpi eq, %iota3A, %eq3A_332 : vector<16xi32>
          tpu.vector_store_idx %arg10[%broadcast_in_dim3A_329], %broadcast_in_dim3A_330 masked %eq3A_333 : memref<128xi32, #tpu.memory_space<vmem>>[vector<16xi32>], vector<16xi32>, vector<16xi1>
          %add3A_334 = arith.constant 1 : i32
          %add3A_335 = arith.addi %select_n3A_277, %add3A_334 : i32
          scf.yield %add3A_335 : i32
        }
        scf.yield %while3A_266 : i32
      }
      %add3A_209 = arith.constant 3 : i32
      %add3A_210 = arith.addi %mul3A_129, %add3A_209 : i32
      %lt3A_211 = arith.constant 61 : i32
      %lt3A_212 = arith.cmpi slt, %add3A_210, %lt3A_211 : i32
      %convert_element_type3A_213 = arith.extui %lt3A_212 : i1 to i32
      %cond3A_214 = arith.constant 0 : i32
      %cond3A_215 = arith.cmpi ne, %convert_element_type3A_213, %cond3A_214 : i32
      scf.if %cond3A_215 {
        %add3A_216 = arith.constant 3 : i32
        %add3A_217 = arith.addi %mul3A_129, %add3A_216 : i32
        %mul3A_218 = arith.constant 512 : i32
        %mul3A_219 = arith.muli %add3A_217, %mul3A_218 : i32
        %add3A_220 = arith.addi %mul3A_2, %mul3A_219 : i32
        %multiple_of3A_221 = tpu.assume_multiple %add3A_220, 128 : i32
        %jit3A_222 = arith.constant 2 : i32
        %eq3A_223 = arith.constant 0 : i32
        %eq3A_224 = arith.cmpi eq, %jit3A_222, %eq3A_223 : i32
        %jit3A_225 = arith.constant 1 : i32
        %select_n3A_226 = arith.select %eq3A_224, %jit3A_225, %jit3A_222 : i32
        %rem3A_227 = arith.remsi %add3A_217, %select_n3A_226 : i32
        %ne3A_228 = arith.constant 0 : i32
        %ne3A_229 = arith.cmpi ne, %rem3A_227, %ne3A_228 : i32
        %lt3A_230 = arith.constant 0 : i32
        %lt3A_231 = arith.cmpi slt, %rem3A_227, %lt3A_230 : i32
        %lt3A_232 = arith.constant 0 : i32
        %lt3A_233 = arith.cmpi slt, %select_n3A_226, %lt3A_232 : i32
        %ne3A_234 = arith.xori %lt3A_231, %lt3A_233 : i1
        %and3A_235 = arith.andi %ne3A_234, %ne3A_229 : i1
        %add3A_236 = arith.addi %rem3A_227, %select_n3A_226 : i32
        %select_n3A_237 = arith.select %and3A_235, %add3A_236, %rem3A_227 : i32
        %dma_start3A_238 = arith.constant 0 : i32
        %dma_start3A_239 = tpu.memref_slice %arg3[%dma_start3A_238, %multiple_of3A_221] : memref<64x1000000xf32, #tpu.memory_space<hbm>> -> memref<64x512xf32, #tpu.memory_space<hbm>>
        %dma_start3A_240 = tpu.memref_slice %arg11[%select_n3A_237] : memref<4x!tpu.dma_semaphore, #tpu.memory_space<semaphore_mem>> -> memref<1x!tpu.dma_semaphore, #tpu.memory_space<semaphore_mem>>
        %dma_start3A_241 = tpu.memref_squeeze %dma_start3A_240 : memref<1x!tpu.dma_semaphore, #tpu.memory_space<semaphore_mem>> -> memref<!tpu.dma_semaphore, #tpu.memory_space<semaphore_mem>>
        %dma_start3A_242 = arith.constant 0 : i32
        %dma_start3A_243 = tpu.memref_slice %arg3[%dma_start3A_242, %multiple_of3A_221] : memref<64x1000000xf32, #tpu.memory_space<hbm>> -> memref<64x512xf32, #tpu.memory_space<hbm>>
        tpu.enqueue_dma source(%dma_start3A_243 : memref<64x512xf32, #tpu.memory_space<hbm>>) target(%arg8 : memref<64x512xf32, #tpu.memory_space<vmem>>) target_semaphore(%dma_start3A_241 : memref<!tpu.dma_semaphore, #tpu.memory_space<semaphore_mem>>)
      } else {
      }
      scf.yield %while3A_208 : i32
    }
    %scan3A_66 = arith.constant 30 : i32
    %dma_wait3A = arith.constant 0 : i32
    %dma_wait3A_67 = arith.constant 0 : i32
    %dma_wait3A_68 = arith.constant 0 : i32
    %dma_wait3A_69 = tpu.memref_slice %arg3[%dma_wait3A_67, %dma_wait3A_68] : memref<64x1000000xf32, #tpu.memory_space<hbm>> -> memref<64x512xf32, #tpu.memory_space<hbm>>
    %dma_wait3A_70 = tpu.memref_slice %arg11[%dma_wait3A] : memref<4x!tpu.dma_semaphore, #tpu.memory_space<semaphore_mem>> -> memref<1x!tpu.dma_semaphore, #tpu.memory_space<semaphore_mem>>
    %dma_wait3A_71 = tpu.memref_squeeze %dma_wait3A_70 : memref<1x!tpu.dma_semaphore, #tpu.memory_space<semaphore_mem>> -> memref<!tpu.dma_semaphore, #tpu.memory_space<semaphore_mem>>
    %dma_wait3A_72 = arith.constant 0 : i32
    %dma_wait3A_73 = arith.constant 0 : i32
    %dma_wait3A_74 = tpu.memref_slice %arg3[%dma_wait3A_72, %dma_wait3A_73] : memref<64x1000000xf32, #tpu.memory_space<hbm>> -> memref<64x512xf32, #tpu.memory_space<hbm>>
    tpu.wait_dma2 semaphore(%dma_wait3A_71 : memref<!tpu.dma_semaphore, #tpu.memory_space<semaphore_mem>>) src(%dma_wait3A_74 : memref<64x512xf32, #tpu.memory_space<hbm>>) dst(%arg7 : memref<64x512xf32, #tpu.memory_space<vmem>>)
    %while3A = arith.constant 0 : i32
    %while3A_75 = arith.subi %div3A_41, %while3A : i32
    %while3A_76 = arith.addi %while3A, %while3A_75 : i32
    %while3A_77 = arith.constant 1 : i32
    %while3A_78 = arith.divsi %while3A_75, %while3A_77 : i32
    %while3A_79 = arith.muli %while3A_78, %while3A_77 : i32
    %while3A_80 = arith.addi %while3A, %while3A_79 : i32
    %while3A_81 = arith.constant 1 : i32
    %while3A_82 = scf.for %while3A_126 = %while3A to %while3A_80 step %while3A_81 iter_args(%while3A_127 = %scan3A_65) -> (i32)  : i32 {
      %mul3A_128 = arith.constant 16 : i32
      %mul3A_129 = arith.muli %while3A_126, %mul3A_128 : i32
      %get3A = arith.index_cast %mul3A_129 : i32 to index
      %get3A_130 = tpu.vector_load %arg6[%get3A] {strides = array<i32>} : memref<16384xi32, #tpu.memory_space<vmem>>, vector<16xi32>,
      %mul3A_131 = arith.constant 16 : i32
      %mul3A_132 = arith.muli %while3A_126, %mul3A_131 : i32
      %add3A_133 = vector.broadcast %mul3A_132 : i32 to vector<16xi32>
      %add3A_134 = arith.addi %iota3A, %add3A_133 : vector<16xi32>
      %lt3A = vector.broadcast %scan3A_37 : i32 to vector<16xi32>
      %lt3A_135 = arith.cmpi slt, %add3A_134, %lt3A : vector<16xi32>
      %shift_right_logical3A = arith.constant 14 : i32
      %shift_right_logical3A_136 = vector.broadcast %shift_right_logical3A : i32 to vector<16xi32>
      %shift_right_logical3A_137 = arith.shrui %get3A_130, %shift_right_logical3A_136 : vector<16xi32>
      %ge3A = arith.constant 30720 : i32
      %ge3A_138 = vector.broadcast %ge3A : i32 to vector<16xi32>
      %ge3A_139 = arith.cmpi sge, %shift_right_logical3A_137, %ge3A_138 : vector<16xi32>
      %and3A = arith.andi %lt3A_135, %ge3A_139 : vector<16xi1>
      %lt3A_140 = arith.constant 31232 : i32
      %lt3A_141 = vector.broadcast %lt3A_140 : i32 to vector<16xi32>
      %lt3A_142 = arith.cmpi slt, %shift_right_logical3A_137, %lt3A_141 : vector<16xi32>
      %and3A_143 = arith.andi %and3A, %lt3A_142 : vector<16xi1>
      %jit3A_144 = arith.constant 1 : i32
      %jit3A_145 = arith.constant 0 : i32
      %broadcast_in_dim3A_146 = vector.broadcast %jit3A_144 : i32 to vector<16xi32>
      %broadcast_in_dim3A_147 = vector.broadcast %jit3A_145 : i32 to vector<16xi32>
      %select_n3A_148 = arith.select %and3A_143, %broadcast_in_dim3A_146, %broadcast_in_dim3A_147 : vector<16xi1>, vector<16xi32>
      %broadcast_in_dim3A_149 = arith.constant true
      %broadcast_in_dim3A_150 = vector.broadcast %broadcast_in_dim3A_149 : i1 to vector<16xi1>
      %masked_cumsum3A = tpu.scan <sum>, %select_n3A_148 masked %broadcast_in_dim3A_150 : vector<16xi32>, vector<16xi1> -> vector<16xi32>
      %sub3A = arith.constant 1 : i32
      %sub3A_151 = vector.broadcast %sub3A : i32 to vector<16xi32>
      %sub3A_152 = arith.subi %masked_cumsum3A, %sub3A_151 : vector<16xi32>
      %all_reduce_population_count3A = tpu.all_reduce %and3A_143 {dim = 0 : i64, kind = #tpu.reduction_kind<sum>} : vector<16xi1> -> vector<16xi32>
      %slice3A = vector.extract_strided_slice %all_reduce_population_count3A {offsets = [0], sizes = [1], strides = [1]} : vector<16xi32> to vector<1xi32>
      %squeeze3A = vector.extract %slice3A[0] : i32 from vector<1xi32>
      %sub3A_153 = arith.constant 30720 : i32
      %sub3A_154 = vector.broadcast %sub3A_153 : i32 to vector<16xi32>
      %sub3A_155 = arith.subi %shift_right_logical3A_137, %sub3A_154 : vector<16xi32>
      %jit3A_156 = arith.constant 0 : i32
      %broadcast_in_dim3A_157 = vector.broadcast %jit3A_156 : i32 to vector<16xi32>
      %select_n3A_158 = arith.select %and3A_143, %sub3A_155, %broadcast_in_dim3A_157 : vector<16xi1>, vector<16xi32>
      %and3A_159 = arith.constant 16383 : i32
      %and3A_160 = vector.broadcast %and3A_159 : i32 to vector<16xi32>
      %and3A_161 = arith.andi %get3A_130, %and3A_160 : vector<16xi32>
      %jit3A_162 = arith.constant 0 : i32
      %broadcast_in_dim3A_163 = vector.broadcast %jit3A_162 : i32 to vector<16xi32>
      %select_n3A_164 = arith.select %and3A_143, %and3A_161, %broadcast_in_dim3A_163 : vector<16xi1>, vector<16xi32>
      %while3A_165 = arith.constant 0 : i32
      %while3A_166 = arith.subi %squeeze3A, %while3A_165 : i32
      %while3A_167 = arith.addi %while3A_165, %while3A_166 : i32
      %while3A_168 = arith.constant 1 : i32
      %while3A_169 = arith.divsi %while3A_166, %while3A_168 : i32
      %while3A_170 = arith.muli %while3A_169, %while3A_168 : i32
      %while3A_171 = arith.addi %while3A_165, %while3A_170 : i32
      %while3A_172 = arith.constant 1 : i32
      %while3A_173 = scf.for %while3A_176 = %while3A_165 to %while3A_171 step %while3A_172 iter_args(%while3A_177 = %while3A_127) -> (i32)  : i32 {
        %eq3A_178 = arith.constant 128 : i32
        %eq3A_179 = arith.cmpi eq, %while3A_177, %eq3A_178 : i32
        %convert_element_type3A = arith.extui %eq3A_179 : i1 to i32
        %cond3A = arith.constant 0 : i32
        %cond3A_180 = arith.cmpi ne, %convert_element_type3A, %cond3A : i32
        scf.if %cond3A_180 {
          %dma_start3A_243 = arith.constant 2 : i32
          %dma_start3A_244 = arith.constant 0 : i32
          %dma_start3A_245 = arith.constant 0 : i32
          %dma_start3A_246 = tpu.memref_slice %arg4[%dma_start3A_244, %dma_start3A_245] : memref<16385x128xf32, #tpu.memory_space<hbm>> -> memref<16385x128xf32, #tpu.memory_space<hbm>>
          %dma_start3A_247 = tpu.memref_slice %arg11[%dma_start3A_243] : memref<4x!tpu.dma_semaphore, #tpu.memory_space<semaphore_mem>> -> memref<1x!tpu.dma_semaphore, #tpu.memory_space<semaphore_mem>>
          %dma_start3A_248 = tpu.memref_squeeze %dma_start3A_247 : memref<1x!tpu.dma_semaphore, #tpu.memory_space<semaphore_mem>> -> memref<!tpu.dma_semaphore, #tpu.memory_space<semaphore_mem>>
          tpu.enqueue_indirect_dma source(%arg9 : memref<128x128xf32, #tpu.memory_space<vmem>>) target(%dma_start3A_246 : memref<16385x128xf32, #tpu.memory_space<hbm>>) offsets(%arg10 : memref<128xi32, #tpu.memory_space<vmem>>) semaphore(%dma_start3A_248 : memref<!tpu.dma_semaphore, #tpu.memory_space<semaphore_mem>>)
          %dma_wait3A_249 = arith.constant 2 : i32
          %dma_wait3A_250 = arith.constant 0 : i32
          %dma_wait3A_251 = arith.constant 0 : i32
          %dma_wait3A_252 = tpu.memref_slice %arg4[%dma_wait3A_250, %dma_wait3A_251] : memref<16385x128xf32, #tpu.memory_space<hbm>> -> memref<16385x128xf32, #tpu.memory_space<hbm>>
          %dma_wait3A_253 = tpu.memref_slice %arg11[%dma_wait3A_249] : memref<4x!tpu.dma_semaphore, #tpu.memory_space<semaphore_mem>> -> memref<1x!tpu.dma_semaphore, #tpu.memory_space<semaphore_mem>>
          %dma_wait3A_254 = tpu.memref_squeeze %dma_wait3A_253 : memref<1x!tpu.dma_semaphore, #tpu.memory_space<semaphore_mem>> -> memref<!tpu.dma_semaphore, #tpu.memory_space<semaphore_mem>>
          tpu.wait_indirect_dma semaphore(%dma_wait3A_254 : memref<!tpu.dma_semaphore, #tpu.memory_space<semaphore_mem>>) src(%arg9 : memref<128x128xf32, #tpu.memory_space<vmem>>) dst(%dma_wait3A_252 : memref<16385x128xf32, #tpu.memory_space<hbm>>)
          %add3A_255 = arith.constant 0 : i32
          %add3A_256 = vector.broadcast %add3A_255 : i32 to vector<16xi32>
          %add3A_257 = arith.addi %iota3A, %add3A_256 : vector<16xi32>
          tpu.vector_store_idx %arg10[%add3A_257], %broadcast_in_dim3A_3 : memref<128xi32, #tpu.memory_space<vmem>>[vector<16xi32>], vector<16xi32>,
          %add3A_258 = arith.constant 16 : i32
          %add3A_259 = vector.broadcast %add3A_258 : i32 to vector<16xi32>
          %add3A_260 = arith.addi %iota3A, %add3A_259 : vector<16xi32>
          tpu.vector_store_idx %arg10[%add3A_260], %broadcast_in_dim3A_3 : memref<128xi32, #tpu.memory_space<vmem>>[vector<16xi32>], vector<16xi32>,
          %add3A_261 = arith.constant 32 : i32
          %add3A_262 = vector.broadcast %add3A_261 : i32 to vector<16xi32>
          %add3A_263 = arith.addi %iota3A, %add3A_262 : vector<16xi32>
          tpu.vector_store_idx %arg10[%add3A_263], %broadcast_in_dim3A_3 : memref<128xi32, #tpu.memory_space<vmem>>[vector<16xi32>], vector<16xi32>,
          %add3A_264 = arith.constant 48 : i32
          %add3A_265 = vector.broadcast %add3A_264 : i32 to vector<16xi32>
          %add3A_266 = arith.addi %iota3A, %add3A_265 : vector<16xi32>
          tpu.vector_store_idx %arg10[%add3A_266], %broadcast_in_dim3A_3 : memref<128xi32, #tpu.memory_space<vmem>>[vector<16xi32>], vector<16xi32>,
          %add3A_267 = arith.constant 64 : i32
          %add3A_268 = vector.broadcast %add3A_267 : i32 to vector<16xi32>
          %add3A_269 = arith.addi %iota3A, %add3A_268 : vector<16xi32>
          tpu.vector_store_idx %arg10[%add3A_269], %broadcast_in_dim3A_3 : memref<128xi32, #tpu.memory_space<vmem>>[vector<16xi32>], vector<16xi32>,
          %add3A_270 = arith.constant 80 : i32
          %add3A_271 = vector.broadcast %add3A_270 : i32 to vector<16xi32>
          %add3A_272 = arith.addi %iota3A, %add3A_271 : vector<16xi32>
          tpu.vector_store_idx %arg10[%add3A_272], %broadcast_in_dim3A_3 : memref<128xi32, #tpu.memory_space<vmem>>[vector<16xi32>], vector<16xi32>,
          %add3A_273 = arith.constant 96 : i32
          %add3A_274 = vector.broadcast %add3A_273 : i32 to vector<16xi32>
          %add3A_275 = arith.addi %iota3A, %add3A_274 : vector<16xi32>
          tpu.vector_store_idx %arg10[%add3A_275], %broadcast_in_dim3A_3 : memref<128xi32, #tpu.memory_space<vmem>>[vector<16xi32>], vector<16xi32>,
          %add3A_276 = arith.constant 112 : i32
          %add3A_277 = vector.broadcast %add3A_276 : i32 to vector<16xi32>
          %add3A_278 = arith.addi %iota3A, %add3A_277 : vector<16xi32>
          tpu.vector_store_idx %arg10[%add3A_278], %broadcast_in_dim3A_3 : memref<128xi32, #tpu.memory_space<vmem>>[vector<16xi32>], vector<16xi32>,
        } else {
        }
        %eq3A_181 = arith.constant 128 : i32
        %eq3A_182 = arith.cmpi eq, %while3A_177, %eq3A_181 : i32
        %jit3A_183 = arith.constant 0 : i32
        %select_n3A_184 = arith.select %eq3A_182, %jit3A_183, %while3A_177 : i32
        %broadcast_in_dim3A_185 = vector.broadcast %while3A_176 : i32 to vector<16xi32>
        %eq3A_186 = arith.cmpi eq, %sub3A_152, %broadcast_in_dim3A_185 : vector<16xi32>
        %and3A_187 = arith.andi %and3A_143, %eq3A_186 : vector<16xi1>
        %jit3A_188 = arith.constant 0 : i32
        %broadcast_in_dim3A_189 = vector.broadcast %jit3A_188 : i32 to vector<16xi32>
        %select_n3A_190 = arith.select %and3A_187, %select_n3A_158, %broadcast_in_dim3A_189 : vector<16xi1>, vector<16xi32>
        %reduce_max3A = arith.constant true
        %reduce_max3A_191 = vector.broadcast %reduce_max3A : i1 to vector<16xi1>
        %reduce_max3A_192 = arith.constant -2147483648 : i32
        %reduce_max3A_193 = vector.broadcast %reduce_max3A_192 : i32 to vector<16xi32>
        %reduce_max3A_194 = arith.xori %select_n3A_190, %reduce_max3A_193 : vector<16xi32>
        %reduce_max3A_195 = tpu.scan <max>, %reduce_max3A_194 masked %reduce_max3A_191 : vector<16xi32>, vector<16xi1> -> vector<16xi32>
        %reduce_max3A_196 = arith.xori %reduce_max3A_195, %reduce_max3A_193 : vector<16xi32>
        %reduce_max3A_197 = vector.extract %reduce_max3A_196[15] : i32 from vector<16xi32>
        %jit3A_198 = arith.constant 0 : i32
        %broadcast_in_dim3A_199 = vector.broadcast %jit3A_198 : i32 to vector<16xi32>
        %select_n3A_200 = arith.select %and3A_187, %select_n3A_164, %broadcast_in_dim3A_199 : vector<16xi1>, vector<16xi32>
        %reduce_max3A_201 = arith.constant true
        %reduce_max3A_202 = vector.broadcast %reduce_max3A_201 : i1 to vector<16xi1>
        %reduce_max3A_203 = arith.constant -2147483648 : i32
        %reduce_max3A_204 = vector.broadcast %reduce_max3A_203 : i32 to vector<16xi32>
        %reduce_max3A_205 = arith.xori %select_n3A_200, %reduce_max3A_204 : vector<16xi32>
        %reduce_max3A_206 = tpu.scan <max>, %reduce_max3A_205 masked %reduce_max3A_202 : vector<16xi32>, vector<16xi1> -> vector<16xi32>
        %reduce_max3A_207 = arith.xori %reduce_max3A_206, %reduce_max3A_204 : vector<16xi32>
        %reduce_max3A_208 = vector.extract %reduce_max3A_207[15] : i32 from vector<16xi32>
        %broadcast_in_dim3A_209 = vector.broadcast %reduce_max3A_197 : i32 to vector<16xi32>
        %add3A_210 = arith.constant 0 : i32
        %add3A_211 = vector.broadcast %add3A_210 : i32 to vector<16xi32>
        %add3A_212 = arith.addi %iota3A, %add3A_211 : vector<16xi32>
        %gather3A = tpu.vector_load_idx %arg7[%add3A_212, %broadcast_in_dim3A_209] : memref<64x512xf32, #tpu.memory_space<vmem>>[vector<16xi32>, vector<16xi32>], vector<16xf32>,
        %swap3A = arith.index_cast %select_n3A_184 : i32 to index
        %swap3A_213 = arith.constant 0 : index
        %swap3A_214 = tpu.vector_load %arg9[%swap3A, %swap3A_213] {strides = array<i32>} : memref<128x128xf32, #tpu.memory_space<vmem>>, vector<16xf32>,
        tpu.vector_store %arg9[%swap3A, %swap3A_213], %gather3A {strides = array<i32>} : memref<128x128xf32, #tpu.memory_space<vmem>>, vector<16xf32>,
        %add3A_215 = arith.constant 16 : i32
        %add3A_216 = vector.broadcast %add3A_215 : i32 to vector<16xi32>
        %add3A_217 = arith.addi %iota3A, %add3A_216 : vector<16xi32>
        %gather3A_218 = tpu.vector_load_idx %arg7[%add3A_217, %broadcast_in_dim3A_209] : memref<64x512xf32, #tpu.memory_space<vmem>>[vector<16xi32>, vector<16xi32>], vector<16xf32>,
        %swap3A_219 = arith.index_cast %select_n3A_184 : i32 to index
        %swap3A_220 = arith.constant 16 : index
        %swap3A_221 = tpu.vector_load %arg9[%swap3A_219, %swap3A_220] {strides = array<i32>} : memref<128x128xf32, #tpu.memory_space<vmem>>, vector<16xf32>,
        tpu.vector_store %arg9[%swap3A_219, %swap3A_220], %gather3A_218 {strides = array<i32>} : memref<128x128xf32, #tpu.memory_space<vmem>>, vector<16xf32>,
        %add3A_222 = arith.constant 32 : i32
        %add3A_223 = vector.broadcast %add3A_222 : i32 to vector<16xi32>
        %add3A_224 = arith.addi %iota3A, %add3A_223 : vector<16xi32>
        %gather3A_225 = tpu.vector_load_idx %arg7[%add3A_224, %broadcast_in_dim3A_209] : memref<64x512xf32, #tpu.memory_space<vmem>>[vector<16xi32>, vector<16xi32>], vector<16xf32>,
        %swap3A_226 = arith.index_cast %select_n3A_184 : i32 to index
        %swap3A_227 = arith.constant 32 : index
        %swap3A_228 = tpu.vector_load %arg9[%swap3A_226, %swap3A_227] {strides = array<i32>} : memref<128x128xf32, #tpu.memory_space<vmem>>, vector<16xf32>,
        tpu.vector_store %arg9[%swap3A_226, %swap3A_227], %gather3A_225 {strides = array<i32>} : memref<128x128xf32, #tpu.memory_space<vmem>>, vector<16xf32>,
        %add3A_229 = arith.constant 48 : i32
        %add3A_230 = vector.broadcast %add3A_229 : i32 to vector<16xi32>
        %add3A_231 = arith.addi %iota3A, %add3A_230 : vector<16xi32>
        %gather3A_232 = tpu.vector_load_idx %arg7[%add3A_231, %broadcast_in_dim3A_209] : memref<64x512xf32, #tpu.memory_space<vmem>>[vector<16xi32>, vector<16xi32>], vector<16xf32>,
        %swap3A_233 = arith.index_cast %select_n3A_184 : i32 to index
        %swap3A_234 = arith.constant 48 : index
        %swap3A_235 = tpu.vector_load %arg9[%swap3A_233, %swap3A_234] {strides = array<i32>} : memref<128x128xf32, #tpu.memory_space<vmem>>, vector<16xf32>,
        tpu.vector_store %arg9[%swap3A_233, %swap3A_234], %gather3A_232 {strides = array<i32>} : memref<128x128xf32, #tpu.memory_space<vmem>>, vector<16xf32>,
        %broadcast_in_dim3A_236 = vector.broadcast %select_n3A_184 : i32 to vector<16xi32>
        %broadcast_in_dim3A_237 = vector.broadcast %reduce_max3A_208 : i32 to vector<16xi32>
        %eq3A_238 = arith.constant 0 : i32
        %eq3A_239 = vector.broadcast %eq3A_238 : i32 to vector<16xi32>
        %eq3A_240 = arith.cmpi eq, %iota3A, %eq3A_239 : vector<16xi32>
        tpu.vector_store_idx %arg10[%broadcast_in_dim3A_236], %broadcast_in_dim3A_237 masked %eq3A_240 : memref<128xi32, #tpu.memory_space<vmem>>[vector<16xi32>], vector<16xi32>, vector<16xi1>
        %add3A_241 = arith.constant 1 : i32
        %add3A_242 = arith.addi %select_n3A_184, %add3A_241 : i32
        scf.yield %add3A_242 : i32
      }
      %while3A_174 = arith.constant 1 : i32
      %while3A_175 = scf.for %while3A_176 = %while3A_171 to %while3A_167 step %while3A_174 iter_args(%while3A_177 = %while3A_173) -> (i32)  : i32 {
        %eq3A_178 = arith.constant 128 : i32
        %eq3A_179 = arith.cmpi eq, %while3A_177, %eq3A_178 : i32
        %convert_element_type3A = arith.extui %eq3A_179 : i1 to i32
        %cond3A = arith.constant 0 : i32
        %cond3A_180 = arith.cmpi ne, %convert_element_type3A, %cond3A : i32
        scf.if %cond3A_180 {
          %dma_start3A_243 = arith.constant 2 : i32
          %dma_start3A_244 = arith.constant 0 : i32
          %dma_start3A_245 = arith.constant 0 : i32
          %dma_start3A_246 = tpu.memref_slice %arg4[%dma_start3A_244, %dma_start3A_245] : memref<16385x128xf32, #tpu.memory_space<hbm>> -> memref<16385x128xf32, #tpu.memory_space<hbm>>
          %dma_start3A_247 = tpu.memref_slice %arg11[%dma_start3A_243] : memref<4x!tpu.dma_semaphore, #tpu.memory_space<semaphore_mem>> -> memref<1x!tpu.dma_semaphore, #tpu.memory_space<semaphore_mem>>
          %dma_start3A_248 = tpu.memref_squeeze %dma_start3A_247 : memref<1x!tpu.dma_semaphore, #tpu.memory_space<semaphore_mem>> -> memref<!tpu.dma_semaphore, #tpu.memory_space<semaphore_mem>>
          tpu.enqueue_indirect_dma source(%arg9 : memref<128x128xf32, #tpu.memory_space<vmem>>) target(%dma_start3A_246 : memref<16385x128xf32, #tpu.memory_space<hbm>>) offsets(%arg10 : memref<128xi32, #tpu.memory_space<vmem>>) semaphore(%dma_start3A_248 : memref<!tpu.dma_semaphore, #tpu.memory_space<semaphore_mem>>)
          %dma_wait3A_249 = arith.constant 2 : i32
          %dma_wait3A_250 = arith.constant 0 : i32
          %dma_wait3A_251 = arith.constant 0 : i32
          %dma_wait3A_252 = tpu.memref_slice %arg4[%dma_wait3A_250, %dma_wait3A_251] : memref<16385x128xf32, #tpu.memory_space<hbm>> -> memref<16385x128xf32, #tpu.memory_space<hbm>>
          %dma_wait3A_253 = tpu.memref_slice %arg11[%dma_wait3A_249] : memref<4x!tpu.dma_semaphore, #tpu.memory_space<semaphore_mem>> -> memref<1x!tpu.dma_semaphore, #tpu.memory_space<semaphore_mem>>
          %dma_wait3A_254 = tpu.memref_squeeze %dma_wait3A_253 : memref<1x!tpu.dma_semaphore, #tpu.memory_space<semaphore_mem>> -> memref<!tpu.dma_semaphore, #tpu.memory_space<semaphore_mem>>
          tpu.wait_indirect_dma semaphore(%dma_wait3A_254 : memref<!tpu.dma_semaphore, #tpu.memory_space<semaphore_mem>>) src(%arg9 : memref<128x128xf32, #tpu.memory_space<vmem>>) dst(%dma_wait3A_252 : memref<16385x128xf32, #tpu.memory_space<hbm>>)
          %add3A_255 = arith.constant 0 : i32
          %add3A_256 = vector.broadcast %add3A_255 : i32 to vector<16xi32>
          %add3A_257 = arith.addi %iota3A, %add3A_256 : vector<16xi32>
          tpu.vector_store_idx %arg10[%add3A_257], %broadcast_in_dim3A_3 : memref<128xi32, #tpu.memory_space<vmem>>[vector<16xi32>], vector<16xi32>,
          %add3A_258 = arith.constant 16 : i32
          %add3A_259 = vector.broadcast %add3A_258 : i32 to vector<16xi32>
          %add3A_260 = arith.addi %iota3A, %add3A_259 : vector<16xi32>
          tpu.vector_store_idx %arg10[%add3A_260], %broadcast_in_dim3A_3 : memref<128xi32, #tpu.memory_space<vmem>>[vector<16xi32>], vector<16xi32>,
          %add3A_261 = arith.constant 32 : i32
          %add3A_262 = vector.broadcast %add3A_261 : i32 to vector<16xi32>
          %add3A_263 = arith.addi %iota3A, %add3A_262 : vector<16xi32>
          tpu.vector_store_idx %arg10[%add3A_263], %broadcast_in_dim3A_3 : memref<128xi32, #tpu.memory_space<vmem>>[vector<16xi32>], vector<16xi32>,
          %add3A_264 = arith.constant 48 : i32
          %add3A_265 = vector.broadcast %add3A_264 : i32 to vector<16xi32>
          %add3A_266 = arith.addi %iota3A, %add3A_265 : vector<16xi32>
          tpu.vector_store_idx %arg10[%add3A_266], %broadcast_in_dim3A_3 : memref<128xi32, #tpu.memory_space<vmem>>[vector<16xi32>], vector<16xi32>,
          %add3A_267 = arith.constant 64 : i32
          %add3A_268 = vector.broadcast %add3A_267 : i32 to vector<16xi32>
          %add3A_269 = arith.addi %iota3A, %add3A_268 : vector<16xi32>
          tpu.vector_store_idx %arg10[%add3A_269], %broadcast_in_dim3A_3 : memref<128xi32, #tpu.memory_space<vmem>>[vector<16xi32>], vector<16xi32>,
          %add3A_270 = arith.constant 80 : i32
          %add3A_271 = vector.broadcast %add3A_270 : i32 to vector<16xi32>
          %add3A_272 = arith.addi %iota3A, %add3A_271 : vector<16xi32>
          tpu.vector_store_idx %arg10[%add3A_272], %broadcast_in_dim3A_3 : memref<128xi32, #tpu.memory_space<vmem>>[vector<16xi32>], vector<16xi32>,
          %add3A_273 = arith.constant 96 : i32
          %add3A_274 = vector.broadcast %add3A_273 : i32 to vector<16xi32>
          %add3A_275 = arith.addi %iota3A, %add3A_274 : vector<16xi32>
          tpu.vector_store_idx %arg10[%add3A_275], %broadcast_in_dim3A_3 : memref<128xi32, #tpu.memory_space<vmem>>[vector<16xi32>], vector<16xi32>,
          %add3A_276 = arith.constant 112 : i32
          %add3A_277 = vector.broadcast %add3A_276 : i32 to vector<16xi32>
          %add3A_278 = arith.addi %iota3A, %add3A_277 : vector<16xi32>
          tpu.vector_store_idx %arg10[%add3A_278], %broadcast_in_dim3A_3 : memref<128xi32, #tpu.memory_space<vmem>>[vector<16xi32>], vector<16xi32>,
        } else {
        }
        %eq3A_181 = arith.constant 128 : i32
        %eq3A_182 = arith.cmpi eq, %while3A_177, %eq3A_181 : i32
        %jit3A_183 = arith.constant 0 : i32
        %select_n3A_184 = arith.select %eq3A_182, %jit3A_183, %while3A_177 : i32
        %broadcast_in_dim3A_185 = vector.broadcast %while3A_176 : i32 to vector<16xi32>
        %eq3A_186 = arith.cmpi eq, %sub3A_152, %broadcast_in_dim3A_185 : vector<16xi32>
        %and3A_187 = arith.andi %and3A_143, %eq3A_186 : vector<16xi1>
        %jit3A_188 = arith.constant 0 : i32
        %broadcast_in_dim3A_189 = vector.broadcast %jit3A_188 : i32 to vector<16xi32>
        %select_n3A_190 = arith.select %and3A_187, %select_n3A_158, %broadcast_in_dim3A_189 : vector<16xi1>, vector<16xi32>
        %reduce_max3A = arith.constant true
        %reduce_max3A_191 = vector.broadcast %reduce_max3A : i1 to vector<16xi1>
        %reduce_max3A_192 = arith.constant -2147483648 : i32
        %reduce_max3A_193 = vector.broadcast %reduce_max3A_192 : i32 to vector<16xi32>
        %reduce_max3A_194 = arith.xori %select_n3A_190, %reduce_max3A_193 : vector<16xi32>
        %reduce_max3A_195 = tpu.scan <max>, %reduce_max3A_194 masked %reduce_max3A_191 : vector<16xi32>, vector<16xi1> -> vector<16xi32>
        %reduce_max3A_196 = arith.xori %reduce_max3A_195, %reduce_max3A_193 : vector<16xi32>
        %reduce_max3A_197 = vector.extract %reduce_max3A_196[15] : i32 from vector<16xi32>
        %jit3A_198 = arith.constant 0 : i32
        %broadcast_in_dim3A_199 = vector.broadcast %jit3A_198 : i32 to vector<16xi32>
        %select_n3A_200 = arith.select %and3A_187, %select_n3A_164, %broadcast_in_dim3A_199 : vector<16xi1>, vector<16xi32>
        %reduce_max3A_201 = arith.constant true
        %reduce_max3A_202 = vector.broadcast %reduce_max3A_201 : i1 to vector<16xi1>
        %reduce_max3A_203 = arith.constant -2147483648 : i32
        %reduce_max3A_204 = vector.broadcast %reduce_max3A_203 : i32 to vector<16xi32>
        %reduce_max3A_205 = arith.xori %select_n3A_200, %reduce_max3A_204 : vector<16xi32>
        %reduce_max3A_206 = tpu.scan <max>, %reduce_max3A_205 masked %reduce_max3A_202 : vector<16xi32>, vector<16xi1> -> vector<16xi32>
        %reduce_max3A_207 = arith.xori %reduce_max3A_206, %reduce_max3A_204 : vector<16xi32>
        %reduce_max3A_208 = vector.extract %reduce_max3A_207[15] : i32 from vector<16xi32>
        %broadcast_in_dim3A_209 = vector.broadcast %reduce_max3A_197 : i32 to vector<16xi32>
        %add3A_210 = arith.constant 0 : i32
        %add3A_211 = vector.broadcast %add3A_210 : i32 to vector<16xi32>
        %add3A_212 = arith.addi %iota3A, %add3A_211 : vector<16xi32>
        %gather3A = tpu.vector_load_idx %arg7[%add3A_212, %broadcast_in_dim3A_209] : memref<64x512xf32, #tpu.memory_space<vmem>>[vector<16xi32>, vector<16xi32>], vector<16xf32>,
        %swap3A = arith.index_cast %select_n3A_184 : i32 to index
        %swap3A_213 = arith.constant 0 : index
        %swap3A_214 = tpu.vector_load %arg9[%swap3A, %swap3A_213] {strides = array<i32>} : memref<128x128xf32, #tpu.memory_space<vmem>>, vector<16xf32>,
        tpu.vector_store %arg9[%swap3A, %swap3A_213], %gather3A {strides = array<i32>} : memref<128x128xf32, #tpu.memory_space<vmem>>, vector<16xf32>,
        %add3A_215 = arith.constant 16 : i32
        %add3A_216 = vector.broadcast %add3A_215 : i32 to vector<16xi32>
        %add3A_217 = arith.addi %iota3A, %add3A_216 : vector<16xi32>
        %gather3A_218 = tpu.vector_load_idx %arg7[%add3A_217, %broadcast_in_dim3A_209] : memref<64x512xf32, #tpu.memory_space<vmem>>[vector<16xi32>, vector<16xi32>], vector<16xf32>,
        %swap3A_219 = arith.index_cast %select_n3A_184 : i32 to index
        %swap3A_220 = arith.constant 16 : index
        %swap3A_221 = tpu.vector_load %arg9[%swap3A_219, %swap3A_220] {strides = array<i32>} : memref<128x128xf32, #tpu.memory_space<vmem>>, vector<16xf32>,
        tpu.vector_store %arg9[%swap3A_219, %swap3A_220], %gather3A_218 {strides = array<i32>} : memref<128x128xf32, #tpu.memory_space<vmem>>, vector<16xf32>,
        %add3A_222 = arith.constant 32 : i32
        %add3A_223 = vector.broadcast %add3A_222 : i32 to vector<16xi32>
        %add3A_224 = arith.addi %iota3A, %add3A_223 : vector<16xi32>
        %gather3A_225 = tpu.vector_load_idx %arg7[%add3A_224, %broadcast_in_dim3A_209] : memref<64x512xf32, #tpu.memory_space<vmem>>[vector<16xi32>, vector<16xi32>], vector<16xf32>,
        %swap3A_226 = arith.index_cast %select_n3A_184 : i32 to index
        %swap3A_227 = arith.constant 32 : index
        %swap3A_228 = tpu.vector_load %arg9[%swap3A_226, %swap3A_227] {strides = array<i32>} : memref<128x128xf32, #tpu.memory_space<vmem>>, vector<16xf32>,
        tpu.vector_store %arg9[%swap3A_226, %swap3A_227], %gather3A_225 {strides = array<i32>} : memref<128x128xf32, #tpu.memory_space<vmem>>, vector<16xf32>,
        %add3A_229 = arith.constant 48 : i32
        %add3A_230 = vector.broadcast %add3A_229 : i32 to vector<16xi32>
        %add3A_231 = arith.addi %iota3A, %add3A_230 : vector<16xi32>
        %gather3A_232 = tpu.vector_load_idx %arg7[%add3A_231, %broadcast_in_dim3A_209] : memref<64x512xf32, #tpu.memory_space<vmem>>[vector<16xi32>, vector<16xi32>], vector<16xf32>,
        %swap3A_233 = arith.index_cast %select_n3A_184 : i32 to index
        %swap3A_234 = arith.constant 48 : index
        %swap3A_235 = tpu.vector_load %arg9[%swap3A_233, %swap3A_234] {strides = array<i32>} : memref<128x128xf32, #tpu.memory_space<vmem>>, vector<16xf32>,
        tpu.vector_store %arg9[%swap3A_233, %swap3A_234], %gather3A_232 {strides = array<i32>} : memref<128x128xf32, #tpu.memory_space<vmem>>, vector<16xf32>,
        %broadcast_in_dim3A_236 = vector.broadcast %select_n3A_184 : i32 to vector<16xi32>
        %broadcast_in_dim3A_237 = vector.broadcast %reduce_max3A_208 : i32 to vector<16xi32>
        %eq3A_238 = arith.constant 0 : i32
        %eq3A_239 = vector.broadcast %eq3A_238 : i32 to vector<16xi32>
        %eq3A_240 = arith.cmpi eq, %iota3A, %eq3A_239 : vector<16xi32>
        tpu.vector_store_idx %arg10[%broadcast_in_dim3A_236], %broadcast_in_dim3A_237 masked %eq3A_240 : memref<128xi32, #tpu.memory_space<vmem>>[vector<16xi32>], vector<16xi32>, vector<16xi1>
        %add3A_241 = arith.constant 1 : i32
        %add3A_242 = arith.addi %select_n3A_184, %add3A_241 : i32
        scf.yield %add3A_242 : i32
      }
      scf.yield %while3A_175 : i32
    }
    %while3A_83 = arith.constant 1 : i32
    %while3A_84 = scf.for %while3A_126 = %while3A_80 to %while3A_76 step %while3A_83 iter_args(%while3A_127 = %while3A_82) -> (i32)  : i32 {
      %mul3A_128 = arith.constant 16 : i32
      %mul3A_129 = arith.muli %while3A_126, %mul3A_128 : i32
      %get3A = arith.index_cast %mul3A_129 : i32 to index
      %get3A_130 = tpu.vector_load %arg6[%get3A] {strides = array<i32>} : memref<16384xi32, #tpu.memory_space<vmem>>, vector<16xi32>,
      %mul3A_131 = arith.constant 16 : i32
      %mul3A_132 = arith.muli %while3A_126, %mul3A_131 : i32
      %add3A_133 = vector.broadcast %mul3A_132 : i32 to vector<16xi32>
      %add3A_134 = arith.addi %iota3A, %add3A_133 : vector<16xi32>
      %lt3A = vector.broadcast %scan3A_37 : i32 to vector<16xi32>
      %lt3A_135 = arith.cmpi slt, %add3A_134, %lt3A : vector<16xi32>
      %shift_right_logical3A = arith.constant 14 : i32
      %shift_right_logical3A_136 = vector.broadcast %shift_right_logical3A : i32 to vector<16xi32>
      %shift_right_logical3A_137 = arith.shrui %get3A_130, %shift_right_logical3A_136 : vector<16xi32>
      %ge3A = arith.constant 30720 : i32
      %ge3A_138 = vector.broadcast %ge3A : i32 to vector<16xi32>
      %ge3A_139 = arith.cmpi sge, %shift_right_logical3A_137, %ge3A_138 : vector<16xi32>
      %and3A = arith.andi %lt3A_135, %ge3A_139 : vector<16xi1>
      %lt3A_140 = arith.constant 31232 : i32
      %lt3A_141 = vector.broadcast %lt3A_140 : i32 to vector<16xi32>
      %lt3A_142 = arith.cmpi slt, %shift_right_logical3A_137, %lt3A_141 : vector<16xi32>
      %and3A_143 = arith.andi %and3A, %lt3A_142 : vector<16xi1>
      %jit3A_144 = arith.constant 1 : i32
      %jit3A_145 = arith.constant 0 : i32
      %broadcast_in_dim3A_146 = vector.broadcast %jit3A_144 : i32 to vector<16xi32>
      %broadcast_in_dim3A_147 = vector.broadcast %jit3A_145 : i32 to vector<16xi32>
      %select_n3A_148 = arith.select %and3A_143, %broadcast_in_dim3A_146, %broadcast_in_dim3A_147 : vector<16xi1>, vector<16xi32>
      %broadcast_in_dim3A_149 = arith.constant true
      %broadcast_in_dim3A_150 = vector.broadcast %broadcast_in_dim3A_149 : i1 to vector<16xi1>
      %masked_cumsum3A = tpu.scan <sum>, %select_n3A_148 masked %broadcast_in_dim3A_150 : vector<16xi32>, vector<16xi1> -> vector<16xi32>
      %sub3A = arith.constant 1 : i32
      %sub3A_151 = vector.broadcast %sub3A : i32 to vector<16xi32>
      %sub3A_152 = arith.subi %masked_cumsum3A, %sub3A_151 : vector<16xi32>
      %all_reduce_population_count3A = tpu.all_reduce %and3A_143 {dim = 0 : i64, kind = #tpu.reduction_kind<sum>} : vector<16xi1> -> vector<16xi32>
      %slice3A = vector.extract_strided_slice %all_reduce_population_count3A {offsets = [0], sizes = [1], strides = [1]} : vector<16xi32> to vector<1xi32>
      %squeeze3A = vector.extract %slice3A[0] : i32 from vector<1xi32>
      %sub3A_153 = arith.constant 30720 : i32
      %sub3A_154 = vector.broadcast %sub3A_153 : i32 to vector<16xi32>
      %sub3A_155 = arith.subi %shift_right_logical3A_137, %sub3A_154 : vector<16xi32>
      %jit3A_156 = arith.constant 0 : i32
      %broadcast_in_dim3A_157 = vector.broadcast %jit3A_156 : i32 to vector<16xi32>
      %select_n3A_158 = arith.select %and3A_143, %sub3A_155, %broadcast_in_dim3A_157 : vector<16xi1>, vector<16xi32>
      %and3A_159 = arith.constant 16383 : i32
      %and3A_160 = vector.broadcast %and3A_159 : i32 to vector<16xi32>
      %and3A_161 = arith.andi %get3A_130, %and3A_160 : vector<16xi32>
      %jit3A_162 = arith.constant 0 : i32
      %broadcast_in_dim3A_163 = vector.broadcast %jit3A_162 : i32 to vector<16xi32>
      %select_n3A_164 = arith.select %and3A_143, %and3A_161, %broadcast_in_dim3A_163 : vector<16xi1>, vector<16xi32>
      %while3A_165 = arith.constant 0 : i32
      %while3A_166 = arith.subi %squeeze3A, %while3A_165 : i32
      %while3A_167 = arith.addi %while3A_165, %while3A_166 : i32
      %while3A_168 = arith.constant 1 : i32
      %while3A_169 = arith.divsi %while3A_166, %while3A_168 : i32
      %while3A_170 = arith.muli %while3A_169, %while3A_168 : i32
      %while3A_171 = arith.addi %while3A_165, %while3A_170 : i32
      %while3A_172 = arith.constant 1 : i32
      %while3A_173 = scf.for %while3A_176 = %while3A_165 to %while3A_171 step %while3A_172 iter_args(%while3A_177 = %while3A_127) -> (i32)  : i32 {
        %eq3A_178 = arith.constant 128 : i32
        %eq3A_179 = arith.cmpi eq, %while3A_177, %eq3A_178 : i32
        %convert_element_type3A = arith.extui %eq3A_179 : i1 to i32
        %cond3A = arith.constant 0 : i32
        %cond3A_180 = arith.cmpi ne, %convert_element_type3A, %cond3A : i32
        scf.if %cond3A_180 {
          %dma_start3A_243 = arith.constant 2 : i32
          %dma_start3A_244 = arith.constant 0 : i32
          %dma_start3A_245 = arith.constant 0 : i32
          %dma_start3A_246 = tpu.memref_slice %arg4[%dma_start3A_244, %dma_start3A_245] : memref<16385x128xf32, #tpu.memory_space<hbm>> -> memref<16385x128xf32, #tpu.memory_space<hbm>>
          %dma_start3A_247 = tpu.memref_slice %arg11[%dma_start3A_243] : memref<4x!tpu.dma_semaphore, #tpu.memory_space<semaphore_mem>> -> memref<1x!tpu.dma_semaphore, #tpu.memory_space<semaphore_mem>>
          %dma_start3A_248 = tpu.memref_squeeze %dma_start3A_247 : memref<1x!tpu.dma_semaphore, #tpu.memory_space<semaphore_mem>> -> memref<!tpu.dma_semaphore, #tpu.memory_space<semaphore_mem>>
          tpu.enqueue_indirect_dma source(%arg9 : memref<128x128xf32, #tpu.memory_space<vmem>>) target(%dma_start3A_246 : memref<16385x128xf32, #tpu.memory_space<hbm>>) offsets(%arg10 : memref<128xi32, #tpu.memory_space<vmem>>) semaphore(%dma_start3A_248 : memref<!tpu.dma_semaphore, #tpu.memory_space<semaphore_mem>>)
          %dma_wait3A_249 = arith.constant 2 : i32
          %dma_wait3A_250 = arith.constant 0 : i32
          %dma_wait3A_251 = arith.constant 0 : i32
          %dma_wait3A_252 = tpu.memref_slice %arg4[%dma_wait3A_250, %dma_wait3A_251] : memref<16385x128xf32, #tpu.memory_space<hbm>> -> memref<16385x128xf32, #tpu.memory_space<hbm>>
          %dma_wait3A_253 = tpu.memref_slice %arg11[%dma_wait3A_249] : memref<4x!tpu.dma_semaphore, #tpu.memory_space<semaphore_mem>> -> memref<1x!tpu.dma_semaphore, #tpu.memory_space<semaphore_mem>>
          %dma_wait3A_254 = tpu.memref_squeeze %dma_wait3A_253 : memref<1x!tpu.dma_semaphore, #tpu.memory_space<semaphore_mem>> -> memref<!tpu.dma_semaphore, #tpu.memory_space<semaphore_mem>>
          tpu.wait_indirect_dma semaphore(%dma_wait3A_254 : memref<!tpu.dma_semaphore, #tpu.memory_space<semaphore_mem>>) src(%arg9 : memref<128x128xf32, #tpu.memory_space<vmem>>) dst(%dma_wait3A_252 : memref<16385x128xf32, #tpu.memory_space<hbm>>)
          %add3A_255 = arith.constant 0 : i32
          %add3A_256 = vector.broadcast %add3A_255 : i32 to vector<16xi32>
          %add3A_257 = arith.addi %iota3A, %add3A_256 : vector<16xi32>
          tpu.vector_store_idx %arg10[%add3A_257], %broadcast_in_dim3A_3 : memref<128xi32, #tpu.memory_space<vmem>>[vector<16xi32>], vector<16xi32>,
          %add3A_258 = arith.constant 16 : i32
          %add3A_259 = vector.broadcast %add3A_258 : i32 to vector<16xi32>
          %add3A_260 = arith.addi %iota3A, %add3A_259 : vector<16xi32>
          tpu.vector_store_idx %arg10[%add3A_260], %broadcast_in_dim3A_3 : memref<128xi32, #tpu.memory_space<vmem>>[vector<16xi32>], vector<16xi32>,
          %add3A_261 = arith.constant 32 : i32
          %add3A_262 = vector.broadcast %add3A_261 : i32 to vector<16xi32>
          %add3A_263 = arith.addi %iota3A, %add3A_262 : vector<16xi32>
          tpu.vector_store_idx %arg10[%add3A_263], %broadcast_in_dim3A_3 : memref<128xi32, #tpu.memory_space<vmem>>[vector<16xi32>], vector<16xi32>,
          %add3A_264 = arith.constant 48 : i32
          %add3A_265 = vector.broadcast %add3A_264 : i32 to vector<16xi32>
          %add3A_266 = arith.addi %iota3A, %add3A_265 : vector<16xi32>
          tpu.vector_store_idx %arg10[%add3A_266], %broadcast_in_dim3A_3 : memref<128xi32, #tpu.memory_space<vmem>>[vector<16xi32>], vector<16xi32>,
          %add3A_267 = arith.constant 64 : i32
          %add3A_268 = vector.broadcast %add3A_267 : i32 to vector<16xi32>
          %add3A_269 = arith.addi %iota3A, %add3A_268 : vector<16xi32>
          tpu.vector_store_idx %arg10[%add3A_269], %broadcast_in_dim3A_3 : memref<128xi32, #tpu.memory_space<vmem>>[vector<16xi32>], vector<16xi32>,
          %add3A_270 = arith.constant 80 : i32
          %add3A_271 = vector.broadcast %add3A_270 : i32 to vector<16xi32>
          %add3A_272 = arith.addi %iota3A, %add3A_271 : vector<16xi32>
          tpu.vector_store_idx %arg10[%add3A_272], %broadcast_in_dim3A_3 : memref<128xi32, #tpu.memory_space<vmem>>[vector<16xi32>], vector<16xi32>,
          %add3A_273 = arith.constant 96 : i32
          %add3A_274 = vector.broadcast %add3A_273 : i32 to vector<16xi32>
          %add3A_275 = arith.addi %iota3A, %add3A_274 : vector<16xi32>
          tpu.vector_store_idx %arg10[%add3A_275], %broadcast_in_dim3A_3 : memref<128xi32, #tpu.memory_space<vmem>>[vector<16xi32>], vector<16xi32>,
          %add3A_276 = arith.constant 112 : i32
          %add3A_277 = vector.broadcast %add3A_276 : i32 to vector<16xi32>
          %add3A_278 = arith.addi %iota3A, %add3A_277 : vector<16xi32>
          tpu.vector_store_idx %arg10[%add3A_278], %broadcast_in_dim3A_3 : memref<128xi32, #tpu.memory_space<vmem>>[vector<16xi32>], vector<16xi32>,
        } else {
        }
        %eq3A_181 = arith.constant 128 : i32
        %eq3A_182 = arith.cmpi eq, %while3A_177, %eq3A_181 : i32
        %jit3A_183 = arith.constant 0 : i32
        %select_n3A_184 = arith.select %eq3A_182, %jit3A_183, %while3A_177 : i32
        %broadcast_in_dim3A_185 = vector.broadcast %while3A_176 : i32 to vector<16xi32>
        %eq3A_186 = arith.cmpi eq, %sub3A_152, %broadcast_in_dim3A_185 : vector<16xi32>
        %and3A_187 = arith.andi %and3A_143, %eq3A_186 : vector<16xi1>
        %jit3A_188 = arith.constant 0 : i32
        %broadcast_in_dim3A_189 = vector.broadcast %jit3A_188 : i32 to vector<16xi32>
        %select_n3A_190 = arith.select %and3A_187, %select_n3A_158, %broadcast_in_dim3A_189 : vector<16xi1>, vector<16xi32>
        %reduce_max3A = arith.constant true
        %reduce_max3A_191 = vector.broadcast %reduce_max3A : i1 to vector<16xi1>
        %reduce_max3A_192 = arith.constant -2147483648 : i32
        %reduce_max3A_193 = vector.broadcast %reduce_max3A_192 : i32 to vector<16xi32>
        %reduce_max3A_194 = arith.xori %select_n3A_190, %reduce_max3A_193 : vector<16xi32>
        %reduce_max3A_195 = tpu.scan <max>, %reduce_max3A_194 masked %reduce_max3A_191 : vector<16xi32>, vector<16xi1> -> vector<16xi32>
        %reduce_max3A_196 = arith.xori %reduce_max3A_195, %reduce_max3A_193 : vector<16xi32>
        %reduce_max3A_197 = vector.extract %reduce_max3A_196[15] : i32 from vector<16xi32>
        %jit3A_198 = arith.constant 0 : i32
        %broadcast_in_dim3A_199 = vector.broadcast %jit3A_198 : i32 to vector<16xi32>
        %select_n3A_200 = arith.select %and3A_187, %select_n3A_164, %broadcast_in_dim3A_199 : vector<16xi1>, vector<16xi32>
        %reduce_max3A_201 = arith.constant true
        %reduce_max3A_202 = vector.broadcast %reduce_max3A_201 : i1 to vector<16xi1>
        %reduce_max3A_203 = arith.constant -2147483648 : i32
        %reduce_max3A_204 = vector.broadcast %reduce_max3A_203 : i32 to vector<16xi32>
        %reduce_max3A_205 = arith.xori %select_n3A_200, %reduce_max3A_204 : vector<16xi32>
        %reduce_max3A_206 = tpu.scan <max>, %reduce_max3A_205 masked %reduce_max3A_202 : vector<16xi32>, vector<16xi1> -> vector<16xi32>
        %reduce_max3A_207 = arith.xori %reduce_max3A_206, %reduce_max3A_204 : vector<16xi32>
        %reduce_max3A_208 = vector.extract %reduce_max3A_207[15] : i32 from vector<16xi32>
        %broadcast_in_dim3A_209 = vector.broadcast %reduce_max3A_197 : i32 to vector<16xi32>
        %add3A_210 = arith.constant 0 : i32
        %add3A_211 = vector.broadcast %add3A_210 : i32 to vector<16xi32>
        %add3A_212 = arith.addi %iota3A, %add3A_211 : vector<16xi32>
        %gather3A = tpu.vector_load_idx %arg7[%add3A_212, %broadcast_in_dim3A_209] : memref<64x512xf32, #tpu.memory_space<vmem>>[vector<16xi32>, vector<16xi32>], vector<16xf32>,
        %swap3A = arith.index_cast %select_n3A_184 : i32 to index
        %swap3A_213 = arith.constant 0 : index
        %swap3A_214 = tpu.vector_load %arg9[%swap3A, %swap3A_213] {strides = array<i32>} : memref<128x128xf32, #tpu.memory_space<vmem>>, vector<16xf32>,
        tpu.vector_store %arg9[%swap3A, %swap3A_213], %gather3A {strides = array<i32>} : memref<128x128xf32, #tpu.memory_space<vmem>>, vector<16xf32>,
        %add3A_215 = arith.constant 16 : i32
        %add3A_216 = vector.broadcast %add3A_215 : i32 to vector<16xi32>
        %add3A_217 = arith.addi %iota3A, %add3A_216 : vector<16xi32>
        %gather3A_218 = tpu.vector_load_idx %arg7[%add3A_217, %broadcast_in_dim3A_209] : memref<64x512xf32, #tpu.memory_space<vmem>>[vector<16xi32>, vector<16xi32>], vector<16xf32>,
        %swap3A_219 = arith.index_cast %select_n3A_184 : i32 to index
        %swap3A_220 = arith.constant 16 : index
        %swap3A_221 = tpu.vector_load %arg9[%swap3A_219, %swap3A_220] {strides = array<i32>} : memref<128x128xf32, #tpu.memory_space<vmem>>, vector<16xf32>,
        tpu.vector_store %arg9[%swap3A_219, %swap3A_220], %gather3A_218 {strides = array<i32>} : memref<128x128xf32, #tpu.memory_space<vmem>>, vector<16xf32>,
        %add3A_222 = arith.constant 32 : i32
        %add3A_223 = vector.broadcast %add3A_222 : i32 to vector<16xi32>
        %add3A_224 = arith.addi %iota3A, %add3A_223 : vector<16xi32>
        %gather3A_225 = tpu.vector_load_idx %arg7[%add3A_224, %broadcast_in_dim3A_209] : memref<64x512xf32, #tpu.memory_space<vmem>>[vector<16xi32>, vector<16xi32>], vector<16xf32>,
        %swap3A_226 = arith.index_cast %select_n3A_184 : i32 to index
        %swap3A_227 = arith.constant 32 : index
        %swap3A_228 = tpu.vector_load %arg9[%swap3A_226, %swap3A_227] {strides = array<i32>} : memref<128x128xf32, #tpu.memory_space<vmem>>, vector<16xf32>,
        tpu.vector_store %arg9[%swap3A_226, %swap3A_227], %gather3A_225 {strides = array<i32>} : memref<128x128xf32, #tpu.memory_space<vmem>>, vector<16xf32>,
        %add3A_229 = arith.constant 48 : i32
        %add3A_230 = vector.broadcast %add3A_229 : i32 to vector<16xi32>
        %add3A_231 = arith.addi %iota3A, %add3A_230 : vector<16xi32>
        %gather3A_232 = tpu.vector_load_idx %arg7[%add3A_231, %broadcast_in_dim3A_209] : memref<64x512xf32, #tpu.memory_space<vmem>>[vector<16xi32>, vector<16xi32>], vector<16xf32>,
        %swap3A_233 = arith.index_cast %select_n3A_184 : i32 to index
        %swap3A_234 = arith.constant 48 : index
        %swap3A_235 = tpu.vector_load %arg9[%swap3A_233, %swap3A_234] {strides = array<i32>} : memref<128x128xf32, #tpu.memory_space<vmem>>, vector<16xf32>,
        tpu.vector_store %arg9[%swap3A_233, %swap3A_234], %gather3A_232 {strides = array<i32>} : memref<128x128xf32, #tpu.memory_space<vmem>>, vector<16xf32>,
        %broadcast_in_dim3A_236 = vector.broadcast %select_n3A_184 : i32 to vector<16xi32>
        %broadcast_in_dim3A_237 = vector.broadcast %reduce_max3A_208 : i32 to vector<16xi32>
        %eq3A_238 = arith.constant 0 : i32
        %eq3A_239 = vector.broadcast %eq3A_238 : i32 to vector<16xi32>
        %eq3A_240 = arith.cmpi eq, %iota3A, %eq3A_239 : vector<16xi32>
        tpu.vector_store_idx %arg10[%broadcast_in_dim3A_236], %broadcast_in_dim3A_237 masked %eq3A_240 : memref<128xi32, #tpu.memory_space<vmem>>[vector<16xi32>], vector<16xi32>, vector<16xi1>
        %add3A_241 = arith.constant 1 : i32
        %add3A_242 = arith.addi %select_n3A_184, %add3A_241 : i32
        scf.yield %add3A_242 : i32
      }
      %while3A_174 = arith.constant 1 : i32
      %while3A_175 = scf.for %while3A_176 = %while3A_171 to %while3A_167 step %while3A_174 iter_args(%while3A_177 = %while3A_173) -> (i32)  : i32 {
        %eq3A_178 = arith.constant 128 : i32
        %eq3A_179 = arith.cmpi eq, %while3A_177, %eq3A_178 : i32
        %convert_element_type3A = arith.extui %eq3A_179 : i1 to i32
        %cond3A = arith.constant 0 : i32
        %cond3A_180 = arith.cmpi ne, %convert_element_type3A, %cond3A : i32
        scf.if %cond3A_180 {
          %dma_start3A_243 = arith.constant 2 : i32
          %dma_start3A_244 = arith.constant 0 : i32
          %dma_start3A_245 = arith.constant 0 : i32
          %dma_start3A_246 = tpu.memref_slice %arg4[%dma_start3A_244, %dma_start3A_245] : memref<16385x128xf32, #tpu.memory_space<hbm>> -> memref<16385x128xf32, #tpu.memory_space<hbm>>
          %dma_start3A_247 = tpu.memref_slice %arg11[%dma_start3A_243] : memref<4x!tpu.dma_semaphore, #tpu.memory_space<semaphore_mem>> -> memref<1x!tpu.dma_semaphore, #tpu.memory_space<semaphore_mem>>
          %dma_start3A_248 = tpu.memref_squeeze %dma_start3A_247 : memref<1x!tpu.dma_semaphore, #tpu.memory_space<semaphore_mem>> -> memref<!tpu.dma_semaphore, #tpu.memory_space<semaphore_mem>>
          tpu.enqueue_indirect_dma source(%arg9 : memref<128x128xf32, #tpu.memory_space<vmem>>) target(%dma_start3A_246 : memref<16385x128xf32, #tpu.memory_space<hbm>>) offsets(%arg10 : memref<128xi32, #tpu.memory_space<vmem>>) semaphore(%dma_start3A_248 : memref<!tpu.dma_semaphore, #tpu.memory_space<semaphore_mem>>)
          %dma_wait3A_249 = arith.constant 2 : i32
          %dma_wait3A_250 = arith.constant 0 : i32
          %dma_wait3A_251 = arith.constant 0 : i32
          %dma_wait3A_252 = tpu.memref_slice %arg4[%dma_wait3A_250, %dma_wait3A_251] : memref<16385x128xf32, #tpu.memory_space<hbm>> -> memref<16385x128xf32, #tpu.memory_space<hbm>>
          %dma_wait3A_253 = tpu.memref_slice %arg11[%dma_wait3A_249] : memref<4x!tpu.dma_semaphore, #tpu.memory_space<semaphore_mem>> -> memref<1x!tpu.dma_semaphore, #tpu.memory_space<semaphore_mem>>
          %dma_wait3A_254 = tpu.memref_squeeze %dma_wait3A_253 : memref<1x!tpu.dma_semaphore, #tpu.memory_space<semaphore_mem>> -> memref<!tpu.dma_semaphore, #tpu.memory_space<semaphore_mem>>
          tpu.wait_indirect_dma semaphore(%dma_wait3A_254 : memref<!tpu.dma_semaphore, #tpu.memory_space<semaphore_mem>>) src(%arg9 : memref<128x128xf32, #tpu.memory_space<vmem>>) dst(%dma_wait3A_252 : memref<16385x128xf32, #tpu.memory_space<hbm>>)
          %add3A_255 = arith.constant 0 : i32
          %add3A_256 = vector.broadcast %add3A_255 : i32 to vector<16xi32>
          %add3A_257 = arith.addi %iota3A, %add3A_256 : vector<16xi32>
          tpu.vector_store_idx %arg10[%add3A_257], %broadcast_in_dim3A_3 : memref<128xi32, #tpu.memory_space<vmem>>[vector<16xi32>], vector<16xi32>,
          %add3A_258 = arith.constant 16 : i32
          %add3A_259 = vector.broadcast %add3A_258 : i32 to vector<16xi32>
          %add3A_260 = arith.addi %iota3A, %add3A_259 : vector<16xi32>
          tpu.vector_store_idx %arg10[%add3A_260], %broadcast_in_dim3A_3 : memref<128xi32, #tpu.memory_space<vmem>>[vector<16xi32>], vector<16xi32>,
          %add3A_261 = arith.constant 32 : i32
          %add3A_262 = vector.broadcast %add3A_261 : i32 to vector<16xi32>
          %add3A_263 = arith.addi %iota3A, %add3A_262 : vector<16xi32>
          tpu.vector_store_idx %arg10[%add3A_263], %broadcast_in_dim3A_3 : memref<128xi32, #tpu.memory_space<vmem>>[vector<16xi32>], vector<16xi32>,
          %add3A_264 = arith.constant 48 : i32
          %add3A_265 = vector.broadcast %add3A_264 : i32 to vector<16xi32>
          %add3A_266 = arith.addi %iota3A, %add3A_265 : vector<16xi32>
          tpu.vector_store_idx %arg10[%add3A_266], %broadcast_in_dim3A_3 : memref<128xi32, #tpu.memory_space<vmem>>[vector<16xi32>], vector<16xi32>,
          %add3A_267 = arith.constant 64 : i32
          %add3A_268 = vector.broadcast %add3A_267 : i32 to vector<16xi32>
          %add3A_269 = arith.addi %iota3A, %add3A_268 : vector<16xi32>
          tpu.vector_store_idx %arg10[%add3A_269], %broadcast_in_dim3A_3 : memref<128xi32, #tpu.memory_space<vmem>>[vector<16xi32>], vector<16xi32>,
          %add3A_270 = arith.constant 80 : i32
          %add3A_271 = vector.broadcast %add3A_270 : i32 to vector<16xi32>
          %add3A_272 = arith.addi %iota3A, %add3A_271 : vector<16xi32>
          tpu.vector_store_idx %arg10[%add3A_272], %broadcast_in_dim3A_3 : memref<128xi32, #tpu.memory_space<vmem>>[vector<16xi32>], vector<16xi32>,
          %add3A_273 = arith.constant 96 : i32
          %add3A_274 = vector.broadcast %add3A_273 : i32 to vector<16xi32>
          %add3A_275 = arith.addi %iota3A, %add3A_274 : vector<16xi32>
          tpu.vector_store_idx %arg10[%add3A_275], %broadcast_in_dim3A_3 : memref<128xi32, #tpu.memory_space<vmem>>[vector<16xi32>], vector<16xi32>,
          %add3A_276 = arith.constant 112 : i32
          %add3A_277 = vector.broadcast %add3A_276 : i32 to vector<16xi32>
          %add3A_278 = arith.addi %iota3A, %add3A_277 : vector<16xi32>
          tpu.vector_store_idx %arg10[%add3A_278], %broadcast_in_dim3A_3 : memref<128xi32, #tpu.memory_space<vmem>>[vector<16xi32>], vector<16xi32>,
        } else {
        }
        %eq3A_181 = arith.constant 128 : i32
        %eq3A_182 = arith.cmpi eq, %while3A_177, %eq3A_181 : i32
        %jit3A_183 = arith.constant 0 : i32
        %select_n3A_184 = arith.select %eq3A_182, %jit3A_183, %while3A_177 : i32
        %broadcast_in_dim3A_185 = vector.broadcast %while3A_176 : i32 to vector<16xi32>
        %eq3A_186 = arith.cmpi eq, %sub3A_152, %broadcast_in_dim3A_185 : vector<16xi32>
        %and3A_187 = arith.andi %and3A_143, %eq3A_186 : vector<16xi1>
        %jit3A_188 = arith.constant 0 : i32
        %broadcast_in_dim3A_189 = vector.broadcast %jit3A_188 : i32 to vector<16xi32>
        %select_n3A_190 = arith.select %and3A_187, %select_n3A_158, %broadcast_in_dim3A_189 : vector<16xi1>, vector<16xi32>
        %reduce_max3A = arith.constant true
        %reduce_max3A_191 = vector.broadcast %reduce_max3A : i1 to vector<16xi1>
        %reduce_max3A_192 = arith.constant -2147483648 : i32
        %reduce_max3A_193 = vector.broadcast %reduce_max3A_192 : i32 to vector<16xi32>
        %reduce_max3A_194 = arith.xori %select_n3A_190, %reduce_max3A_193 : vector<16xi32>
        %reduce_max3A_195 = tpu.scan <max>, %reduce_max3A_194 masked %reduce_max3A_191 : vector<16xi32>, vector<16xi1> -> vector<16xi32>
        %reduce_max3A_196 = arith.xori %reduce_max3A_195, %reduce_max3A_193 : vector<16xi32>
        %reduce_max3A_197 = vector.extract %reduce_max3A_196[15] : i32 from vector<16xi32>
        %jit3A_198 = arith.constant 0 : i32
        %broadcast_in_dim3A_199 = vector.broadcast %jit3A_198 : i32 to vector<16xi32>
        %select_n3A_200 = arith.select %and3A_187, %select_n3A_164, %broadcast_in_dim3A_199 : vector<16xi1>, vector<16xi32>
        %reduce_max3A_201 = arith.constant true
        %reduce_max3A_202 = vector.broadcast %reduce_max3A_201 : i1 to vector<16xi1>
        %reduce_max3A_203 = arith.constant -2147483648 : i32
        %reduce_max3A_204 = vector.broadcast %reduce_max3A_203 : i32 to vector<16xi32>
        %reduce_max3A_205 = arith.xori %select_n3A_200, %reduce_max3A_204 : vector<16xi32>
        %reduce_max3A_206 = tpu.scan <max>, %reduce_max3A_205 masked %reduce_max3A_202 : vector<16xi32>, vector<16xi1> -> vector<16xi32>
        %reduce_max3A_207 = arith.xori %reduce_max3A_206, %reduce_max3A_204 : vector<16xi32>
        %reduce_max3A_208 = vector.extract %reduce_max3A_207[15] : i32 from vector<16xi32>
        %broadcast_in_dim3A_209 = vector.broadcast %reduce_max3A_197 : i32 to vector<16xi32>
        %add3A_210 = arith.constant 0 : i32
        %add3A_211 = vector.broadcast %add3A_210 : i32 to vector<16xi32>
        %add3A_212 = arith.addi %iota3A, %add3A_211 : vector<16xi32>
        %gather3A = tpu.vector_load_idx %arg7[%add3A_212, %broadcast_in_dim3A_209] : memref<64x512xf32, #tpu.memory_space<vmem>>[vector<16xi32>, vector<16xi32>], vector<16xf32>,
        %swap3A = arith.index_cast %select_n3A_184 : i32 to index
        %swap3A_213 = arith.constant 0 : index
        %swap3A_214 = tpu.vector_load %arg9[%swap3A, %swap3A_213] {strides = array<i32>} : memref<128x128xf32, #tpu.memory_space<vmem>>, vector<16xf32>,
        tpu.vector_store %arg9[%swap3A, %swap3A_213], %gather3A {strides = array<i32>} : memref<128x128xf32, #tpu.memory_space<vmem>>, vector<16xf32>,
        %add3A_215 = arith.constant 16 : i32
        %add3A_216 = vector.broadcast %add3A_215 : i32 to vector<16xi32>
        %add3A_217 = arith.addi %iota3A, %add3A_216 : vector<16xi32>
        %gather3A_218 = tpu.vector_load_idx %arg7[%add3A_217, %broadcast_in_dim3A_209] : memref<64x512xf32, #tpu.memory_space<vmem>>[vector<16xi32>, vector<16xi32>], vector<16xf32>,
        %swap3A_219 = arith.index_cast %select_n3A_184 : i32 to index
        %swap3A_220 = arith.constant 16 : index
        %swap3A_221 = tpu.vector_load %arg9[%swap3A_219, %swap3A_220] {strides = array<i32>} : memref<128x128xf32, #tpu.memory_space<vmem>>, vector<16xf32>,
        tpu.vector_store %arg9[%swap3A_219, %swap3A_220], %gather3A_218 {strides = array<i32>} : memref<128x128xf32, #tpu.memory_space<vmem>>, vector<16xf32>,
        %add3A_222 = arith.constant 32 : i32
        %add3A_223 = vector.broadcast %add3A_222 : i32 to vector<16xi32>
        %add3A_224 = arith.addi %iota3A, %add3A_223 : vector<16xi32>
        %gather3A_225 = tpu.vector_load_idx %arg7[%add3A_224, %broadcast_in_dim3A_209] : memref<64x512xf32, #tpu.memory_space<vmem>>[vector<16xi32>, vector<16xi32>], vector<16xf32>,
        %swap3A_226 = arith.index_cast %select_n3A_184 : i32 to index
        %swap3A_227 = arith.constant 32 : index
        %swap3A_228 = tpu.vector_load %arg9[%swap3A_226, %swap3A_227] {strides = array<i32>} : memref<128x128xf32, #tpu.memory_space<vmem>>, vector<16xf32>,
        tpu.vector_store %arg9[%swap3A_226, %swap3A_227], %gather3A_225 {strides = array<i32>} : memref<128x128xf32, #tpu.memory_space<vmem>>, vector<16xf32>,
        %add3A_229 = arith.constant 48 : i32
        %add3A_230 = vector.broadcast %add3A_229 : i32 to vector<16xi32>
        %add3A_231 = arith.addi %iota3A, %add3A_230 : vector<16xi32>
        %gather3A_232 = tpu.vector_load_idx %arg7[%add3A_231, %broadcast_in_dim3A_209] : memref<64x512xf32, #tpu.memory_space<vmem>>[vector<16xi32>, vector<16xi32>], vector<16xf32>,
        %swap3A_233 = arith.index_cast %select_n3A_184 : i32 to index
        %swap3A_234 = arith.constant 48 : index
        %swap3A_235 = tpu.vector_load %arg9[%swap3A_233, %swap3A_234] {strides = array<i32>} : memref<128x128xf32, #tpu.memory_space<vmem>>, vector<16xf32>,
        tpu.vector_store %arg9[%swap3A_233, %swap3A_234], %gather3A_232 {strides = array<i32>} : memref<128x128xf32, #tpu.memory_space<vmem>>, vector<16xf32>,
        %broadcast_in_dim3A_236 = vector.broadcast %select_n3A_184 : i32 to vector<16xi32>
        %broadcast_in_dim3A_237 = vector.broadcast %reduce_max3A_208 : i32 to vector<16xi32>
        %eq3A_238 = arith.constant 0 : i32
        %eq3A_239 = vector.broadcast %eq3A_238 : i32 to vector<16xi32>
        %eq3A_240 = arith.cmpi eq, %iota3A, %eq3A_239 : vector<16xi32>
        tpu.vector_store_idx %arg10[%broadcast_in_dim3A_236], %broadcast_in_dim3A_237 masked %eq3A_240 : memref<128xi32, #tpu.memory_space<vmem>>[vector<16xi32>], vector<16xi32>, vector<16xi1>
        %add3A_241 = arith.constant 1 : i32
        %add3A_242 = arith.addi %select_n3A_184, %add3A_241 : i32
        scf.yield %add3A_242 : i32
      }
      scf.yield %while3A_175 : i32
    }
    %dma_start3A_85 = arith.constant 0 : i32
    %dma_start3A_86 = arith.constant 0 : i32
    %dma_start3A_87 = arith.constant 999424 : i32
    %dma_start3A_88 = tpu.memref_slice %arg3[%dma_start3A_86, %dma_start3A_87] : memref<64x1000000xf32, #tpu.memory_space<hbm>> -> memref<64x512xf32, #tpu.memory_space<hbm>>
    %dma_start3A_89 = tpu.memref_slice %arg11[%dma_start3A_85] : memref<4x!tpu.dma_semaphore, #tpu.memory_space<semaphore_mem>> -> memref<1x!tpu.dma_semaphore, #tpu.memory_space<semaphore_mem>>
    %dma_start3A_90 = tpu.memref_squeeze %dma_start3A_89 : memref<1x!tpu.dma_semaphore, #tpu.memory_space<semaphore_mem>> -> memref<!tpu.dma_semaphore, #tpu.memory_space<semaphore_mem>>
    %dma_start3A_91 = arith.constant 0 : i32
    %dma_start3A_92 = arith.constant 999424 : i32
    %dma_start3A_93 = tpu.memref_slice %arg3[%dma_start3A_91, %dma_start3A_92] : memref<64x1000000xf32, #tpu.memory_space<hbm>> -> memref<64x512xf32, #tpu.memory_space<hbm>>
    tpu.enqueue_dma source(%dma_start3A_93 : memref<64x512xf32, #tpu.memory_space<hbm>>) target(%arg7 : memref<64x512xf32, #tpu.memory_space<vmem>>) target_semaphore(%dma_start3A_90 : memref<!tpu.dma_semaphore, #tpu.memory_space<semaphore_mem>>)
    %dma_wait3A_94 = arith.constant 0 : i32
    %dma_wait3A_95 = arith.constant 0 : i32
    %dma_wait3A_96 = arith.constant 0 : i32
    %dma_wait3A_97 = tpu.memref_slice %arg3[%dma_wait3A_95, %dma_wait3A_96] : memref<64x1000000xf32, #tpu.memory_space<hbm>> -> memref<64x512xf32, #tpu.memory_space<hbm>>
    %dma_wait3A_98 = tpu.memref_slice %arg11[%dma_wait3A_94] : memref<4x!tpu.dma_semaphore, #tpu.memory_space<semaphore_mem>> -> memref<1x!tpu.dma_semaphore, #tpu.memory_space<semaphore_mem>>
    %dma_wait3A_99 = tpu.memref_squeeze %dma_wait3A_98 : memref<1x!tpu.dma_semaphore, #tpu.memory_space<semaphore_mem>> -> memref<!tpu.dma_semaphore, #tpu.memory_space<semaphore_mem>>
    %dma_wait3A_100 = arith.constant 0 : i32
    %dma_wait3A_101 = arith.constant 0 : i32
    %dma_wait3A_102 = tpu.memref_slice %arg3[%dma_wait3A_100, %dma_wait3A_101] : memref<64x1000000xf32, #tpu.memory_space<hbm>> -> memref<64x512xf32, #tpu.memory_space<hbm>>
    tpu.wait_dma2 semaphore(%dma_wait3A_99 : memref<!tpu.dma_semaphore, #tpu.memory_space<semaphore_mem>>) src(%dma_wait3A_102 : memref<64x512xf32, #tpu.memory_space<hbm>>) dst(%arg7 : memref<64x512xf32, #tpu.memory_space<vmem>>)
    %while3A_103 = arith.constant 0 : i32
    %while3A_104 = arith.subi %div3A_41, %while3A_103 : i32
    %while3A_105 = arith.addi %while3A_103, %while3A_104 : i32
    %while3A_106 = arith.constant 1 : i32
    %while3A_107 = arith.divsi %while3A_104, %while3A_106 : i32
    %while3A_108 = arith.muli %while3A_107, %while3A_106 : i32
    %while3A_109 = arith.addi %while3A_103, %while3A_108 : i32
    %while3A_110 = arith.constant 1 : i32
    %while3A_111 = scf.for %while3A_126 = %while3A_103 to %while3A_109 step %while3A_110 iter_args(%while3A_127 = %while3A_84) -> (i32)  : i32 {
      %mul3A_128 = arith.constant 16 : i32
      %mul3A_129 = arith.muli %while3A_126, %mul3A_128 : i32
      %get3A = arith.index_cast %mul3A_129 : i32 to index
      %get3A_130 = tpu.vector_load %arg6[%get3A] {strides = array<i32>} : memref<16384xi32, #tpu.memory_space<vmem>>, vector<16xi32>,
      %mul3A_131 = arith.constant 16 : i32
      %mul3A_132 = arith.muli %while3A_126, %mul3A_131 : i32
      %add3A_133 = vector.broadcast %mul3A_132 : i32 to vector<16xi32>
      %add3A_134 = arith.addi %iota3A, %add3A_133 : vector<16xi32>
      %lt3A = vector.broadcast %scan3A_37 : i32 to vector<16xi32>
      %lt3A_135 = arith.cmpi slt, %add3A_134, %lt3A : vector<16xi32>
      %shift_right_logical3A = arith.constant 14 : i32
      %shift_right_logical3A_136 = vector.broadcast %shift_right_logical3A : i32 to vector<16xi32>
      %shift_right_logical3A_137 = arith.shrui %get3A_130, %shift_right_logical3A_136 : vector<16xi32>
      %ge3A = arith.constant 31232 : i32
      %ge3A_138 = vector.broadcast %ge3A : i32 to vector<16xi32>
      %ge3A_139 = arith.cmpi sge, %shift_right_logical3A_137, %ge3A_138 : vector<16xi32>
      %and3A = arith.andi %lt3A_135, %ge3A_139 : vector<16xi1>
      %add3A_140 = arith.constant 31232 : i32
      %add3A_141 = arith.addi %add3A_140, %select_n3A_8 : i32
      %lt3A_142 = vector.broadcast %add3A_141 : i32 to vector<16xi32>
      %lt3A_143 = arith.cmpi slt, %shift_right_logical3A_137, %lt3A_142 : vector<16xi32>
      %and3A_144 = arith.andi %and3A, %lt3A_143 : vector<16xi1>
      %jit3A_145 = arith.constant 1 : i32
      %jit3A_146 = arith.constant 0 : i32
      %broadcast_in_dim3A_147 = vector.broadcast %jit3A_145 : i32 to vector<16xi32>
      %broadcast_in_dim3A_148 = vector.broadcast %jit3A_146 : i32 to vector<16xi32>
      %select_n3A_149 = arith.select %and3A_144, %broadcast_in_dim3A_147, %broadcast_in_dim3A_148 : vector<16xi1>, vector<16xi32>
      %broadcast_in_dim3A_150 = arith.constant true
      %broadcast_in_dim3A_151 = vector.broadcast %broadcast_in_dim3A_150 : i1 to vector<16xi1>
      %masked_cumsum3A = tpu.scan <sum>, %select_n3A_149 masked %broadcast_in_dim3A_151 : vector<16xi32>, vector<16xi1> -> vector<16xi32>
      %sub3A = arith.constant 1 : i32
      %sub3A_152 = vector.broadcast %sub3A : i32 to vector<16xi32>
      %sub3A_153 = arith.subi %masked_cumsum3A, %sub3A_152 : vector<16xi32>
      %all_reduce_population_count3A = tpu.all_reduce %and3A_144 {dim = 0 : i64, kind = #tpu.reduction_kind<sum>} : vector<16xi1> -> vector<16xi32>
      %slice3A = vector.extract_strided_slice %all_reduce_population_count3A {offsets = [0], sizes = [1], strides = [1]} : vector<16xi32> to vector<1xi32>
      %squeeze3A = vector.extract %slice3A[0] : i32 from vector<1xi32>
      %sub3A_154 = arith.constant 31232 : i32
      %sub3A_155 = vector.broadcast %sub3A_154 : i32 to vector<16xi32>
      %sub3A_156 = arith.subi %shift_right_logical3A_137, %sub3A_155 : vector<16xi32>
      %jit3A_157 = arith.constant 0 : i32
      %broadcast_in_dim3A_158 = vector.broadcast %jit3A_157 : i32 to vector<16xi32>
      %select_n3A_159 = arith.select %and3A_144, %sub3A_156, %broadcast_in_dim3A_158 : vector<16xi1>, vector<16xi32>
      %and3A_160 = arith.constant 16383 : i32
      %and3A_161 = vector.broadcast %and3A_160 : i32 to vector<16xi32>
      %and3A_162 = arith.andi %get3A_130, %and3A_161 : vector<16xi32>
      %jit3A_163 = arith.constant 0 : i32
      %broadcast_in_dim3A_164 = vector.broadcast %jit3A_163 : i32 to vector<16xi32>
      %select_n3A_165 = arith.select %and3A_144, %and3A_162, %broadcast_in_dim3A_164 : vector<16xi1>, vector<16xi32>
      %while3A_166 = arith.constant 0 : i32
      %while3A_167 = arith.subi %squeeze3A, %while3A_166 : i32
      %while3A_168 = arith.addi %while3A_166, %while3A_167 : i32
      %while3A_169 = arith.constant 1 : i32
      %while3A_170 = arith.divsi %while3A_167, %while3A_169 : i32
      %while3A_171 = arith.muli %while3A_170, %while3A_169 : i32
      %while3A_172 = arith.addi %while3A_166, %while3A_171 : i32
      %while3A_173 = arith.constant 1 : i32
      %while3A_174 = scf.for %while3A_177 = %while3A_166 to %while3A_172 step %while3A_173 iter_args(%while3A_178 = %while3A_127) -> (i32)  : i32 {
        %eq3A_179 = arith.constant 128 : i32
        %eq3A_180 = arith.cmpi eq, %while3A_178, %eq3A_179 : i32
        %convert_element_type3A = arith.extui %eq3A_180 : i1 to i32
        %cond3A = arith.constant 0 : i32
        %cond3A_181 = arith.cmpi ne, %convert_element_type3A, %cond3A : i32
        scf.if %cond3A_181 {
          %dma_start3A_244 = arith.constant 2 : i32
          %dma_start3A_245 = arith.constant 0 : i32
          %dma_start3A_246 = arith.constant 0 : i32
          %dma_start3A_247 = tpu.memref_slice %arg4[%dma_start3A_245, %dma_start3A_246] : memref<16385x128xf32, #tpu.memory_space<hbm>> -> memref<16385x128xf32, #tpu.memory_space<hbm>>
          %dma_start3A_248 = tpu.memref_slice %arg11[%dma_start3A_244] : memref<4x!tpu.dma_semaphore, #tpu.memory_space<semaphore_mem>> -> memref<1x!tpu.dma_semaphore, #tpu.memory_space<semaphore_mem>>
          %dma_start3A_249 = tpu.memref_squeeze %dma_start3A_248 : memref<1x!tpu.dma_semaphore, #tpu.memory_space<semaphore_mem>> -> memref<!tpu.dma_semaphore, #tpu.memory_space<semaphore_mem>>
          tpu.enqueue_indirect_dma source(%arg9 : memref<128x128xf32, #tpu.memory_space<vmem>>) target(%dma_start3A_247 : memref<16385x128xf32, #tpu.memory_space<hbm>>) offsets(%arg10 : memref<128xi32, #tpu.memory_space<vmem>>) semaphore(%dma_start3A_249 : memref<!tpu.dma_semaphore, #tpu.memory_space<semaphore_mem>>)
          %dma_wait3A_250 = arith.constant 2 : i32
          %dma_wait3A_251 = arith.constant 0 : i32
          %dma_wait3A_252 = arith.constant 0 : i32
          %dma_wait3A_253 = tpu.memref_slice %arg4[%dma_wait3A_251, %dma_wait3A_252] : memref<16385x128xf32, #tpu.memory_space<hbm>> -> memref<16385x128xf32, #tpu.memory_space<hbm>>
          %dma_wait3A_254 = tpu.memref_slice %arg11[%dma_wait3A_250] : memref<4x!tpu.dma_semaphore, #tpu.memory_space<semaphore_mem>> -> memref<1x!tpu.dma_semaphore, #tpu.memory_space<semaphore_mem>>
          %dma_wait3A_255 = tpu.memref_squeeze %dma_wait3A_254 : memref<1x!tpu.dma_semaphore, #tpu.memory_space<semaphore_mem>> -> memref<!tpu.dma_semaphore, #tpu.memory_space<semaphore_mem>>
          tpu.wait_indirect_dma semaphore(%dma_wait3A_255 : memref<!tpu.dma_semaphore, #tpu.memory_space<semaphore_mem>>) src(%arg9 : memref<128x128xf32, #tpu.memory_space<vmem>>) dst(%dma_wait3A_253 : memref<16385x128xf32, #tpu.memory_space<hbm>>)
          %add3A_256 = arith.constant 0 : i32
          %add3A_257 = vector.broadcast %add3A_256 : i32 to vector<16xi32>
          %add3A_258 = arith.addi %iota3A, %add3A_257 : vector<16xi32>
          tpu.vector_store_idx %arg10[%add3A_258], %broadcast_in_dim3A_3 : memref<128xi32, #tpu.memory_space<vmem>>[vector<16xi32>], vector<16xi32>,
          %add3A_259 = arith.constant 16 : i32
          %add3A_260 = vector.broadcast %add3A_259 : i32 to vector<16xi32>
          %add3A_261 = arith.addi %iota3A, %add3A_260 : vector<16xi32>
          tpu.vector_store_idx %arg10[%add3A_261], %broadcast_in_dim3A_3 : memref<128xi32, #tpu.memory_space<vmem>>[vector<16xi32>], vector<16xi32>,
          %add3A_262 = arith.constant 32 : i32
          %add3A_263 = vector.broadcast %add3A_262 : i32 to vector<16xi32>
          %add3A_264 = arith.addi %iota3A, %add3A_263 : vector<16xi32>
          tpu.vector_store_idx %arg10[%add3A_264], %broadcast_in_dim3A_3 : memref<128xi32, #tpu.memory_space<vmem>>[vector<16xi32>], vector<16xi32>,
          %add3A_265 = arith.constant 48 : i32
          %add3A_266 = vector.broadcast %add3A_265 : i32 to vector<16xi32>
          %add3A_267 = arith.addi %iota3A, %add3A_266 : vector<16xi32>
          tpu.vector_store_idx %arg10[%add3A_267], %broadcast_in_dim3A_3 : memref<128xi32, #tpu.memory_space<vmem>>[vector<16xi32>], vector<16xi32>,
          %add3A_268 = arith.constant 64 : i32
          %add3A_269 = vector.broadcast %add3A_268 : i32 to vector<16xi32>
          %add3A_270 = arith.addi %iota3A, %add3A_269 : vector<16xi32>
          tpu.vector_store_idx %arg10[%add3A_270], %broadcast_in_dim3A_3 : memref<128xi32, #tpu.memory_space<vmem>>[vector<16xi32>], vector<16xi32>,
          %add3A_271 = arith.constant 80 : i32
          %add3A_272 = vector.broadcast %add3A_271 : i32 to vector<16xi32>
          %add3A_273 = arith.addi %iota3A, %add3A_272 : vector<16xi32>
          tpu.vector_store_idx %arg10[%add3A_273], %broadcast_in_dim3A_3 : memref<128xi32, #tpu.memory_space<vmem>>[vector<16xi32>], vector<16xi32>,
          %add3A_274 = arith.constant 96 : i32
          %add3A_275 = vector.broadcast %add3A_274 : i32 to vector<16xi32>
          %add3A_276 = arith.addi %iota3A, %add3A_275 : vector<16xi32>
          tpu.vector_store_idx %arg10[%add3A_276], %broadcast_in_dim3A_3 : memref<128xi32, #tpu.memory_space<vmem>>[vector<16xi32>], vector<16xi32>,
          %add3A_277 = arith.constant 112 : i32
          %add3A_278 = vector.broadcast %add3A_277 : i32 to vector<16xi32>
          %add3A_279 = arith.addi %iota3A, %add3A_278 : vector<16xi32>
          tpu.vector_store_idx %arg10[%add3A_279], %broadcast_in_dim3A_3 : memref<128xi32, #tpu.memory_space<vmem>>[vector<16xi32>], vector<16xi32>,
        } else {
        }
        %eq3A_182 = arith.constant 128 : i32
        %eq3A_183 = arith.cmpi eq, %while3A_178, %eq3A_182 : i32
        %jit3A_184 = arith.constant 0 : i32
        %select_n3A_185 = arith.select %eq3A_183, %jit3A_184, %while3A_178 : i32
        %broadcast_in_dim3A_186 = vector.broadcast %while3A_177 : i32 to vector<16xi32>
        %eq3A_187 = arith.cmpi eq, %sub3A_153, %broadcast_in_dim3A_186 : vector<16xi32>
        %and3A_188 = arith.andi %and3A_144, %eq3A_187 : vector<16xi1>
        %jit3A_189 = arith.constant 0 : i32
        %broadcast_in_dim3A_190 = vector.broadcast %jit3A_189 : i32 to vector<16xi32>
        %select_n3A_191 = arith.select %and3A_188, %select_n3A_159, %broadcast_in_dim3A_190 : vector<16xi1>, vector<16xi32>
        %reduce_max3A = arith.constant true
        %reduce_max3A_192 = vector.broadcast %reduce_max3A : i1 to vector<16xi1>
        %reduce_max3A_193 = arith.constant -2147483648 : i32
        %reduce_max3A_194 = vector.broadcast %reduce_max3A_193 : i32 to vector<16xi32>
        %reduce_max3A_195 = arith.xori %select_n3A_191, %reduce_max3A_194 : vector<16xi32>
        %reduce_max3A_196 = tpu.scan <max>, %reduce_max3A_195 masked %reduce_max3A_192 : vector<16xi32>, vector<16xi1> -> vector<16xi32>
        %reduce_max3A_197 = arith.xori %reduce_max3A_196, %reduce_max3A_194 : vector<16xi32>
        %reduce_max3A_198 = vector.extract %reduce_max3A_197[15] : i32 from vector<16xi32>
        %jit3A_199 = arith.constant 0 : i32
        %broadcast_in_dim3A_200 = vector.broadcast %jit3A_199 : i32 to vector<16xi32>
        %select_n3A_201 = arith.select %and3A_188, %select_n3A_165, %broadcast_in_dim3A_200 : vector<16xi1>, vector<16xi32>
        %reduce_max3A_202 = arith.constant true
        %reduce_max3A_203 = vector.broadcast %reduce_max3A_202 : i1 to vector<16xi1>
        %reduce_max3A_204 = arith.constant -2147483648 : i32
        %reduce_max3A_205 = vector.broadcast %reduce_max3A_204 : i32 to vector<16xi32>
        %reduce_max3A_206 = arith.xori %select_n3A_201, %reduce_max3A_205 : vector<16xi32>
        %reduce_max3A_207 = tpu.scan <max>, %reduce_max3A_206 masked %reduce_max3A_203 : vector<16xi32>, vector<16xi1> -> vector<16xi32>
        %reduce_max3A_208 = arith.xori %reduce_max3A_207, %reduce_max3A_205 : vector<16xi32>
        %reduce_max3A_209 = vector.extract %reduce_max3A_208[15] : i32 from vector<16xi32>
        %broadcast_in_dim3A_210 = vector.broadcast %reduce_max3A_198 : i32 to vector<16xi32>
        %add3A_211 = arith.constant 0 : i32
        %add3A_212 = vector.broadcast %add3A_211 : i32 to vector<16xi32>
        %add3A_213 = arith.addi %iota3A, %add3A_212 : vector<16xi32>
        %gather3A = tpu.vector_load_idx %arg7[%add3A_213, %broadcast_in_dim3A_210] : memref<64x512xf32, #tpu.memory_space<vmem>>[vector<16xi32>, vector<16xi32>], vector<16xf32>,
        %swap3A = arith.index_cast %select_n3A_185 : i32 to index
        %swap3A_214 = arith.constant 0 : index
        %swap3A_215 = tpu.vector_load %arg9[%swap3A, %swap3A_214] {strides = array<i32>} : memref<128x128xf32, #tpu.memory_space<vmem>>, vector<16xf32>,
        tpu.vector_store %arg9[%swap3A, %swap3A_214], %gather3A {strides = array<i32>} : memref<128x128xf32, #tpu.memory_space<vmem>>, vector<16xf32>,
        %add3A_216 = arith.constant 16 : i32
        %add3A_217 = vector.broadcast %add3A_216 : i32 to vector<16xi32>
        %add3A_218 = arith.addi %iota3A, %add3A_217 : vector<16xi32>
        %gather3A_219 = tpu.vector_load_idx %arg7[%add3A_218, %broadcast_in_dim3A_210] : memref<64x512xf32, #tpu.memory_space<vmem>>[vector<16xi32>, vector<16xi32>], vector<16xf32>,
        %swap3A_220 = arith.index_cast %select_n3A_185 : i32 to index
        %swap3A_221 = arith.constant 16 : index
        %swap3A_222 = tpu.vector_load %arg9[%swap3A_220, %swap3A_221] {strides = array<i32>} : memref<128x128xf32, #tpu.memory_space<vmem>>, vector<16xf32>,
        tpu.vector_store %arg9[%swap3A_220, %swap3A_221], %gather3A_219 {strides = array<i32>} : memref<128x128xf32, #tpu.memory_space<vmem>>, vector<16xf32>,
        %add3A_223 = arith.constant 32 : i32
        %add3A_224 = vector.broadcast %add3A_223 : i32 to vector<16xi32>
        %add3A_225 = arith.addi %iota3A, %add3A_224 : vector<16xi32>
        %gather3A_226 = tpu.vector_load_idx %arg7[%add3A_225, %broadcast_in_dim3A_210] : memref<64x512xf32, #tpu.memory_space<vmem>>[vector<16xi32>, vector<16xi32>], vector<16xf32>,
        %swap3A_227 = arith.index_cast %select_n3A_185 : i32 to index
        %swap3A_228 = arith.constant 32 : index
        %swap3A_229 = tpu.vector_load %arg9[%swap3A_227, %swap3A_228] {strides = array<i32>} : memref<128x128xf32, #tpu.memory_space<vmem>>, vector<16xf32>,
        tpu.vector_store %arg9[%swap3A_227, %swap3A_228], %gather3A_226 {strides = array<i32>} : memref<128x128xf32, #tpu.memory_space<vmem>>, vector<16xf32>,
        %add3A_230 = arith.constant 48 : i32
        %add3A_231 = vector.broadcast %add3A_230 : i32 to vector<16xi32>
        %add3A_232 = arith.addi %iota3A, %add3A_231 : vector<16xi32>
        %gather3A_233 = tpu.vector_load_idx %arg7[%add3A_232, %broadcast_in_dim3A_210] : memref<64x512xf32, #tpu.memory_space<vmem>>[vector<16xi32>, vector<16xi32>], vector<16xf32>,
        %swap3A_234 = arith.index_cast %select_n3A_185 : i32 to index
        %swap3A_235 = arith.constant 48 : index
        %swap3A_236 = tpu.vector_load %arg9[%swap3A_234, %swap3A_235] {strides = array<i32>} : memref<128x128xf32, #tpu.memory_space<vmem>>, vector<16xf32>,
        tpu.vector_store %arg9[%swap3A_234, %swap3A_235], %gather3A_233 {strides = array<i32>} : memref<128x128xf32, #tpu.memory_space<vmem>>, vector<16xf32>,
        %broadcast_in_dim3A_237 = vector.broadcast %select_n3A_185 : i32 to vector<16xi32>
        %broadcast_in_dim3A_238 = vector.broadcast %reduce_max3A_209 : i32 to vector<16xi32>
        %eq3A_239 = arith.constant 0 : i32
        %eq3A_240 = vector.broadcast %eq3A_239 : i32 to vector<16xi32>
        %eq3A_241 = arith.cmpi eq, %iota3A, %eq3A_240 : vector<16xi32>
        tpu.vector_store_idx %arg10[%broadcast_in_dim3A_237], %broadcast_in_dim3A_238 masked %eq3A_241 : memref<128xi32, #tpu.memory_space<vmem>>[vector<16xi32>], vector<16xi32>, vector<16xi1>
        %add3A_242 = arith.constant 1 : i32
        %add3A_243 = arith.addi %select_n3A_185, %add3A_242 : i32
        scf.yield %add3A_243 : i32
      }
      %while3A_175 = arith.constant 1 : i32
      %while3A_176 = scf.for %while3A_177 = %while3A_172 to %while3A_168 step %while3A_175 iter_args(%while3A_178 = %while3A_174) -> (i32)  : i32 {
        %eq3A_179 = arith.constant 128 : i32
        %eq3A_180 = arith.cmpi eq, %while3A_178, %eq3A_179 : i32
        %convert_element_type3A = arith.extui %eq3A_180 : i1 to i32
        %cond3A = arith.constant 0 : i32
        %cond3A_181 = arith.cmpi ne, %convert_element_type3A, %cond3A : i32
        scf.if %cond3A_181 {
          %dma_start3A_244 = arith.constant 2 : i32
          %dma_start3A_245 = arith.constant 0 : i32
          %dma_start3A_246 = arith.constant 0 : i32
          %dma_start3A_247 = tpu.memref_slice %arg4[%dma_start3A_245, %dma_start3A_246] : memref<16385x128xf32, #tpu.memory_space<hbm>> -> memref<16385x128xf32, #tpu.memory_space<hbm>>
          %dma_start3A_248 = tpu.memref_slice %arg11[%dma_start3A_244] : memref<4x!tpu.dma_semaphore, #tpu.memory_space<semaphore_mem>> -> memref<1x!tpu.dma_semaphore, #tpu.memory_space<semaphore_mem>>
          %dma_start3A_249 = tpu.memref_squeeze %dma_start3A_248 : memref<1x!tpu.dma_semaphore, #tpu.memory_space<semaphore_mem>> -> memref<!tpu.dma_semaphore, #tpu.memory_space<semaphore_mem>>
          tpu.enqueue_indirect_dma source(%arg9 : memref<128x128xf32, #tpu.memory_space<vmem>>) target(%dma_start3A_247 : memref<16385x128xf32, #tpu.memory_space<hbm>>) offsets(%arg10 : memref<128xi32, #tpu.memory_space<vmem>>) semaphore(%dma_start3A_249 : memref<!tpu.dma_semaphore, #tpu.memory_space<semaphore_mem>>)
          %dma_wait3A_250 = arith.constant 2 : i32
          %dma_wait3A_251 = arith.constant 0 : i32
          %dma_wait3A_252 = arith.constant 0 : i32
          %dma_wait3A_253 = tpu.memref_slice %arg4[%dma_wait3A_251, %dma_wait3A_252] : memref<16385x128xf32, #tpu.memory_space<hbm>> -> memref<16385x128xf32, #tpu.memory_space<hbm>>
          %dma_wait3A_254 = tpu.memref_slice %arg11[%dma_wait3A_250] : memref<4x!tpu.dma_semaphore, #tpu.memory_space<semaphore_mem>> -> memref<1x!tpu.dma_semaphore, #tpu.memory_space<semaphore_mem>>
          %dma_wait3A_255 = tpu.memref_squeeze %dma_wait3A_254 : memref<1x!tpu.dma_semaphore, #tpu.memory_space<semaphore_mem>> -> memref<!tpu.dma_semaphore, #tpu.memory_space<semaphore_mem>>
          tpu.wait_indirect_dma semaphore(%dma_wait3A_255 : memref<!tpu.dma_semaphore, #tpu.memory_space<semaphore_mem>>) src(%arg9 : memref<128x128xf32, #tpu.memory_space<vmem>>) dst(%dma_wait3A_253 : memref<16385x128xf32, #tpu.memory_space<hbm>>)
          %add3A_256 = arith.constant 0 : i32
          %add3A_257 = vector.broadcast %add3A_256 : i32 to vector<16xi32>
          %add3A_258 = arith.addi %iota3A, %add3A_257 : vector<16xi32>
          tpu.vector_store_idx %arg10[%add3A_258], %broadcast_in_dim3A_3 : memref<128xi32, #tpu.memory_space<vmem>>[vector<16xi32>], vector<16xi32>,
          %add3A_259 = arith.constant 16 : i32
          %add3A_260 = vector.broadcast %add3A_259 : i32 to vector<16xi32>
          %add3A_261 = arith.addi %iota3A, %add3A_260 : vector<16xi32>
          tpu.vector_store_idx %arg10[%add3A_261], %broadcast_in_dim3A_3 : memref<128xi32, #tpu.memory_space<vmem>>[vector<16xi32>], vector<16xi32>,
          %add3A_262 = arith.constant 32 : i32
          %add3A_263 = vector.broadcast %add3A_262 : i32 to vector<16xi32>
          %add3A_264 = arith.addi %iota3A, %add3A_263 : vector<16xi32>
          tpu.vector_store_idx %arg10[%add3A_264], %broadcast_in_dim3A_3 : memref<128xi32, #tpu.memory_space<vmem>>[vector<16xi32>], vector<16xi32>,
          %add3A_265 = arith.constant 48 : i32
          %add3A_266 = vector.broadcast %add3A_265 : i32 to vector<16xi32>
          %add3A_267 = arith.addi %iota3A, %add3A_266 : vector<16xi32>
          tpu.vector_store_idx %arg10[%add3A_267], %broadcast_in_dim3A_3 : memref<128xi32, #tpu.memory_space<vmem>>[vector<16xi32>], vector<16xi32>,
          %add3A_268 = arith.constant 64 : i32
          %add3A_269 = vector.broadcast %add3A_268 : i32 to vector<16xi32>
          %add3A_270 = arith.addi %iota3A, %add3A_269 : vector<16xi32>
          tpu.vector_store_idx %arg10[%add3A_270], %broadcast_in_dim3A_3 : memref<128xi32, #tpu.memory_space<vmem>>[vector<16xi32>], vector<16xi32>,
          %add3A_271 = arith.constant 80 : i32
          %add3A_272 = vector.broadcast %add3A_271 : i32 to vector<16xi32>
          %add3A_273 = arith.addi %iota3A, %add3A_272 : vector<16xi32>
          tpu.vector_store_idx %arg10[%add3A_273], %broadcast_in_dim3A_3 : memref<128xi32, #tpu.memory_space<vmem>>[vector<16xi32>], vector<16xi32>,
          %add3A_274 = arith.constant 96 : i32
          %add3A_275 = vector.broadcast %add3A_274 : i32 to vector<16xi32>
          %add3A_276 = arith.addi %iota3A, %add3A_275 : vector<16xi32>
          tpu.vector_store_idx %arg10[%add3A_276], %broadcast_in_dim3A_3 : memref<128xi32, #tpu.memory_space<vmem>>[vector<16xi32>], vector<16xi32>,
          %add3A_277 = arith.constant 112 : i32
          %add3A_278 = vector.broadcast %add3A_277 : i32 to vector<16xi32>
          %add3A_279 = arith.addi %iota3A, %add3A_278 : vector<16xi32>
          tpu.vector_store_idx %arg10[%add3A_279], %broadcast_in_dim3A_3 : memref<128xi32, #tpu.memory_space<vmem>>[vector<16xi32>], vector<16xi32>,
        } else {
        }
        %eq3A_182 = arith.constant 128 : i32
        %eq3A_183 = arith.cmpi eq, %while3A_178, %eq3A_182 : i32
        %jit3A_184 = arith.constant 0 : i32
        %select_n3A_185 = arith.select %eq3A_183, %jit3A_184, %while3A_178 : i32
        %broadcast_in_dim3A_186 = vector.broadcast %while3A_177 : i32 to vector<16xi32>
        %eq3A_187 = arith.cmpi eq, %sub3A_153, %broadcast_in_dim3A_186 : vector<16xi32>
        %and3A_188 = arith.andi %and3A_144, %eq3A_187 : vector<16xi1>
        %jit3A_189 = arith.constant 0 : i32
        %broadcast_in_dim3A_190 = vector.broadcast %jit3A_189 : i32 to vector<16xi32>
        %select_n3A_191 = arith.select %and3A_188, %select_n3A_159, %broadcast_in_dim3A_190 : vector<16xi1>, vector<16xi32>
        %reduce_max3A = arith.constant true
        %reduce_max3A_192 = vector.broadcast %reduce_max3A : i1 to vector<16xi1>
        %reduce_max3A_193 = arith.constant -2147483648 : i32
        %reduce_max3A_194 = vector.broadcast %reduce_max3A_193 : i32 to vector<16xi32>
        %reduce_max3A_195 = arith.xori %select_n3A_191, %reduce_max3A_194 : vector<16xi32>
        %reduce_max3A_196 = tpu.scan <max>, %reduce_max3A_195 masked %reduce_max3A_192 : vector<16xi32>, vector<16xi1> -> vector<16xi32>
        %reduce_max3A_197 = arith.xori %reduce_max3A_196, %reduce_max3A_194 : vector<16xi32>
        %reduce_max3A_198 = vector.extract %reduce_max3A_197[15] : i32 from vector<16xi32>
        %jit3A_199 = arith.constant 0 : i32
        %broadcast_in_dim3A_200 = vector.broadcast %jit3A_199 : i32 to vector<16xi32>
        %select_n3A_201 = arith.select %and3A_188, %select_n3A_165, %broadcast_in_dim3A_200 : vector<16xi1>, vector<16xi32>
        %reduce_max3A_202 = arith.constant true
        %reduce_max3A_203 = vector.broadcast %reduce_max3A_202 : i1 to vector<16xi1>
        %reduce_max3A_204 = arith.constant -2147483648 : i32
        %reduce_max3A_205 = vector.broadcast %reduce_max3A_204 : i32 to vector<16xi32>
        %reduce_max3A_206 = arith.xori %select_n3A_201, %reduce_max3A_205 : vector<16xi32>
        %reduce_max3A_207 = tpu.scan <max>, %reduce_max3A_206 masked %reduce_max3A_203 : vector<16xi32>, vector<16xi1> -> vector<16xi32>
        %reduce_max3A_208 = arith.xori %reduce_max3A_207, %reduce_max3A_205 : vector<16xi32>
        %reduce_max3A_209 = vector.extract %reduce_max3A_208[15] : i32 from vector<16xi32>
        %broadcast_in_dim3A_210 = vector.broadcast %reduce_max3A_198 : i32 to vector<16xi32>
        %add3A_211 = arith.constant 0 : i32
        %add3A_212 = vector.broadcast %add3A_211 : i32 to vector<16xi32>
        %add3A_213 = arith.addi %iota3A, %add3A_212 : vector<16xi32>
        %gather3A = tpu.vector_load_idx %arg7[%add3A_213, %broadcast_in_dim3A_210] : memref<64x512xf32, #tpu.memory_space<vmem>>[vector<16xi32>, vector<16xi32>], vector<16xf32>,
        %swap3A = arith.index_cast %select_n3A_185 : i32 to index
        %swap3A_214 = arith.constant 0 : index
        %swap3A_215 = tpu.vector_load %arg9[%swap3A, %swap3A_214] {strides = array<i32>} : memref<128x128xf32, #tpu.memory_space<vmem>>, vector<16xf32>,
        tpu.vector_store %arg9[%swap3A, %swap3A_214], %gather3A {strides = array<i32>} : memref<128x128xf32, #tpu.memory_space<vmem>>, vector<16xf32>,
        %add3A_216 = arith.constant 16 : i32
        %add3A_217 = vector.broadcast %add3A_216 : i32 to vector<16xi32>
        %add3A_218 = arith.addi %iota3A, %add3A_217 : vector<16xi32>
        %gather3A_219 = tpu.vector_load_idx %arg7[%add3A_218, %broadcast_in_dim3A_210] : memref<64x512xf32, #tpu.memory_space<vmem>>[vector<16xi32>, vector<16xi32>], vector<16xf32>,
        %swap3A_220 = arith.index_cast %select_n3A_185 : i32 to index
        %swap3A_221 = arith.constant 16 : index
        %swap3A_222 = tpu.vector_load %arg9[%swap3A_220, %swap3A_221] {strides = array<i32>} : memref<128x128xf32, #tpu.memory_space<vmem>>, vector<16xf32>,
        tpu.vector_store %arg9[%swap3A_220, %swap3A_221], %gather3A_219 {strides = array<i32>} : memref<128x128xf32, #tpu.memory_space<vmem>>, vector<16xf32>,
        %add3A_223 = arith.constant 32 : i32
        %add3A_224 = vector.broadcast %add3A_223 : i32 to vector<16xi32>
        %add3A_225 = arith.addi %iota3A, %add3A_224 : vector<16xi32>
        %gather3A_226 = tpu.vector_load_idx %arg7[%add3A_225, %broadcast_in_dim3A_210] : memref<64x512xf32, #tpu.memory_space<vmem>>[vector<16xi32>, vector<16xi32>], vector<16xf32>,
        %swap3A_227 = arith.index_cast %select_n3A_185 : i32 to index
        %swap3A_228 = arith.constant 32 : index
        %swap3A_229 = tpu.vector_load %arg9[%swap3A_227, %swap3A_228] {strides = array<i32>} : memref<128x128xf32, #tpu.memory_space<vmem>>, vector<16xf32>,
        tpu.vector_store %arg9[%swap3A_227, %swap3A_228], %gather3A_226 {strides = array<i32>} : memref<128x128xf32, #tpu.memory_space<vmem>>, vector<16xf32>,
        %add3A_230 = arith.constant 48 : i32
        %add3A_231 = vector.broadcast %add3A_230 : i32 to vector<16xi32>
        %add3A_232 = arith.addi %iota3A, %add3A_231 : vector<16xi32>
        %gather3A_233 = tpu.vector_load_idx %arg7[%add3A_232, %broadcast_in_dim3A_210] : memref<64x512xf32, #tpu.memory_space<vmem>>[vector<16xi32>, vector<16xi32>], vector<16xf32>,
        %swap3A_234 = arith.index_cast %select_n3A_185 : i32 to index
        %swap3A_235 = arith.constant 48 : index
        %swap3A_236 = tpu.vector_load %arg9[%swap3A_234, %swap3A_235] {strides = array<i32>} : memref<128x128xf32, #tpu.memory_space<vmem>>, vector<16xf32>,
        tpu.vector_store %arg9[%swap3A_234, %swap3A_235], %gather3A_233 {strides = array<i32>} : memref<128x128xf32, #tpu.memory_space<vmem>>, vector<16xf32>,
        %broadcast_in_dim3A_237 = vector.broadcast %select_n3A_185 : i32 to vector<16xi32>
        %broadcast_in_dim3A_238 = vector.broadcast %reduce_max3A_209 : i32 to vector<16xi32>
        %eq3A_239 = arith.constant 0 : i32
        %eq3A_240 = vector.broadcast %eq3A_239 : i32 to vector<16xi32>
        %eq3A_241 = arith.cmpi eq, %iota3A, %eq3A_240 : vector<16xi32>
        tpu.vector_store_idx %arg10[%broadcast_in_dim3A_237], %broadcast_in_dim3A_238 masked %eq3A_241 : memref<128xi32, #tpu.memory_space<vmem>>[vector<16xi32>], vector<16xi32>, vector<16xi1>
        %add3A_242 = arith.constant 1 : i32
        %add3A_243 = arith.addi %select_n3A_185, %add3A_242 : i32
        scf.yield %add3A_243 : i32
      }
      scf.yield %while3A_176 : i32
    }
    %while3A_112 = arith.constant 1 : i32
    %while3A_113 = scf.for %while3A_126 = %while3A_109 to %while3A_105 step %while3A_112 iter_args(%while3A_127 = %while3A_111) -> (i32)  : i32 {
      %mul3A_128 = arith.constant 16 : i32
      %mul3A_129 = arith.muli %while3A_126, %mul3A_128 : i32
      %get3A = arith.index_cast %mul3A_129 : i32 to index
      %get3A_130 = tpu.vector_load %arg6[%get3A] {strides = array<i32>} : memref<16384xi32, #tpu.memory_space<vmem>>, vector<16xi32>,
      %mul3A_131 = arith.constant 16 : i32
      %mul3A_132 = arith.muli %while3A_126, %mul3A_131 : i32
      %add3A_133 = vector.broadcast %mul3A_132 : i32 to vector<16xi32>
      %add3A_134 = arith.addi %iota3A, %add3A_133 : vector<16xi32>
      %lt3A = vector.broadcast %scan3A_37 : i32 to vector<16xi32>
      %lt3A_135 = arith.cmpi slt, %add3A_134, %lt3A : vector<16xi32>
      %shift_right_logical3A = arith.constant 14 : i32
      %shift_right_logical3A_136 = vector.broadcast %shift_right_logical3A : i32 to vector<16xi32>
      %shift_right_logical3A_137 = arith.shrui %get3A_130, %shift_right_logical3A_136 : vector<16xi32>
      %ge3A = arith.constant 31232 : i32
      %ge3A_138 = vector.broadcast %ge3A : i32 to vector<16xi32>
      %ge3A_139 = arith.cmpi sge, %shift_right_logical3A_137, %ge3A_138 : vector<16xi32>
      %and3A = arith.andi %lt3A_135, %ge3A_139 : vector<16xi1>
      %add3A_140 = arith.constant 31232 : i32
      %add3A_141 = arith.addi %add3A_140, %select_n3A_8 : i32
      %lt3A_142 = vector.broadcast %add3A_141 : i32 to vector<16xi32>
      %lt3A_143 = arith.cmpi slt, %shift_right_logical3A_137, %lt3A_142 : vector<16xi32>
      %and3A_144 = arith.andi %and3A, %lt3A_143 : vector<16xi1>
      %jit3A_145 = arith.constant 1 : i32
      %jit3A_146 = arith.constant 0 : i32
      %broadcast_in_dim3A_147 = vector.broadcast %jit3A_145 : i32 to vector<16xi32>
      %broadcast_in_dim3A_148 = vector.broadcast %jit3A_146 : i32 to vector<16xi32>
      %select_n3A_149 = arith.select %and3A_144, %broadcast_in_dim3A_147, %broadcast_in_dim3A_148 : vector<16xi1>, vector<16xi32>
      %broadcast_in_dim3A_150 = arith.constant true
      %broadcast_in_dim3A_151 = vector.broadcast %broadcast_in_dim3A_150 : i1 to vector<16xi1>
      %masked_cumsum3A = tpu.scan <sum>, %select_n3A_149 masked %broadcast_in_dim3A_151 : vector<16xi32>, vector<16xi1> -> vector<16xi32>
      %sub3A = arith.constant 1 : i32
      %sub3A_152 = vector.broadcast %sub3A : i32 to vector<16xi32>
      %sub3A_153 = arith.subi %masked_cumsum3A, %sub3A_152 : vector<16xi32>
      %all_reduce_population_count3A = tpu.all_reduce %and3A_144 {dim = 0 : i64, kind = #tpu.reduction_kind<sum>} : vector<16xi1> -> vector<16xi32>
      %slice3A = vector.extract_strided_slice %all_reduce_population_count3A {offsets = [0], sizes = [1], strides = [1]} : vector<16xi32> to vector<1xi32>
      %squeeze3A = vector.extract %slice3A[0] : i32 from vector<1xi32>
      %sub3A_154 = arith.constant 31232 : i32
      %sub3A_155 = vector.broadcast %sub3A_154 : i32 to vector<16xi32>
      %sub3A_156 = arith.subi %shift_right_logical3A_137, %sub3A_155 : vector<16xi32>
      %jit3A_157 = arith.constant 0 : i32
      %broadcast_in_dim3A_158 = vector.broadcast %jit3A_157 : i32 to vector<16xi32>
      %select_n3A_159 = arith.select %and3A_144, %sub3A_156, %broadcast_in_dim3A_158 : vector<16xi1>, vector<16xi32>
      %and3A_160 = arith.constant 16383 : i32
      %and3A_161 = vector.broadcast %and3A_160 : i32 to vector<16xi32>
      %and3A_162 = arith.andi %get3A_130, %and3A_161 : vector<16xi32>
      %jit3A_163 = arith.constant 0 : i32
      %broadcast_in_dim3A_164 = vector.broadcast %jit3A_163 : i32 to vector<16xi32>
      %select_n3A_165 = arith.select %and3A_144, %and3A_162, %broadcast_in_dim3A_164 : vector<16xi1>, vector<16xi32>
      %while3A_166 = arith.constant 0 : i32
      %while3A_167 = arith.subi %squeeze3A, %while3A_166 : i32
      %while3A_168 = arith.addi %while3A_166, %while3A_167 : i32
      %while3A_169 = arith.constant 1 : i32
      %while3A_170 = arith.divsi %while3A_167, %while3A_169 : i32
      %while3A_171 = arith.muli %while3A_170, %while3A_169 : i32
      %while3A_172 = arith.addi %while3A_166, %while3A_171 : i32
      %while3A_173 = arith.constant 1 : i32
      %while3A_174 = scf.for %while3A_177 = %while3A_166 to %while3A_172 step %while3A_173 iter_args(%while3A_178 = %while3A_127) -> (i32)  : i32 {
        %eq3A_179 = arith.constant 128 : i32
        %eq3A_180 = arith.cmpi eq, %while3A_178, %eq3A_179 : i32
        %convert_element_type3A = arith.extui %eq3A_180 : i1 to i32
        %cond3A = arith.constant 0 : i32
        %cond3A_181 = arith.cmpi ne, %convert_element_type3A, %cond3A : i32
        scf.if %cond3A_181 {
          %dma_start3A_244 = arith.constant 2 : i32
          %dma_start3A_245 = arith.constant 0 : i32
          %dma_start3A_246 = arith.constant 0 : i32
          %dma_start3A_247 = tpu.memref_slice %arg4[%dma_start3A_245, %dma_start3A_246] : memref<16385x128xf32, #tpu.memory_space<hbm>> -> memref<16385x128xf32, #tpu.memory_space<hbm>>
          %dma_start3A_248 = tpu.memref_slice %arg11[%dma_start3A_244] : memref<4x!tpu.dma_semaphore, #tpu.memory_space<semaphore_mem>> -> memref<1x!tpu.dma_semaphore, #tpu.memory_space<semaphore_mem>>
          %dma_start3A_249 = tpu.memref_squeeze %dma_start3A_248 : memref<1x!tpu.dma_semaphore, #tpu.memory_space<semaphore_mem>> -> memref<!tpu.dma_semaphore, #tpu.memory_space<semaphore_mem>>
          tpu.enqueue_indirect_dma source(%arg9 : memref<128x128xf32, #tpu.memory_space<vmem>>) target(%dma_start3A_247 : memref<16385x128xf32, #tpu.memory_space<hbm>>) offsets(%arg10 : memref<128xi32, #tpu.memory_space<vmem>>) semaphore(%dma_start3A_249 : memref<!tpu.dma_semaphore, #tpu.memory_space<semaphore_mem>>)
          %dma_wait3A_250 = arith.constant 2 : i32
          %dma_wait3A_251 = arith.constant 0 : i32
          %dma_wait3A_252 = arith.constant 0 : i32
          %dma_wait3A_253 = tpu.memref_slice %arg4[%dma_wait3A_251, %dma_wait3A_252] : memref<16385x128xf32, #tpu.memory_space<hbm>> -> memref<16385x128xf32, #tpu.memory_space<hbm>>
          %dma_wait3A_254 = tpu.memref_slice %arg11[%dma_wait3A_250] : memref<4x!tpu.dma_semaphore, #tpu.memory_space<semaphore_mem>> -> memref<1x!tpu.dma_semaphore, #tpu.memory_space<semaphore_mem>>
          %dma_wait3A_255 = tpu.memref_squeeze %dma_wait3A_254 : memref<1x!tpu.dma_semaphore, #tpu.memory_space<semaphore_mem>> -> memref<!tpu.dma_semaphore, #tpu.memory_space<semaphore_mem>>
          tpu.wait_indirect_dma semaphore(%dma_wait3A_255 : memref<!tpu.dma_semaphore, #tpu.memory_space<semaphore_mem>>) src(%arg9 : memref<128x128xf32, #tpu.memory_space<vmem>>) dst(%dma_wait3A_253 : memref<16385x128xf32, #tpu.memory_space<hbm>>)
          %add3A_256 = arith.constant 0 : i32
          %add3A_257 = vector.broadcast %add3A_256 : i32 to vector<16xi32>
          %add3A_258 = arith.addi %iota3A, %add3A_257 : vector<16xi32>
          tpu.vector_store_idx %arg10[%add3A_258], %broadcast_in_dim3A_3 : memref<128xi32, #tpu.memory_space<vmem>>[vector<16xi32>], vector<16xi32>,
          %add3A_259 = arith.constant 16 : i32
          %add3A_260 = vector.broadcast %add3A_259 : i32 to vector<16xi32>
          %add3A_261 = arith.addi %iota3A, %add3A_260 : vector<16xi32>
          tpu.vector_store_idx %arg10[%add3A_261], %broadcast_in_dim3A_3 : memref<128xi32, #tpu.memory_space<vmem>>[vector<16xi32>], vector<16xi32>,
          %add3A_262 = arith.constant 32 : i32
          %add3A_263 = vector.broadcast %add3A_262 : i32 to vector<16xi32>
          %add3A_264 = arith.addi %iota3A, %add3A_263 : vector<16xi32>
          tpu.vector_store_idx %arg10[%add3A_264], %broadcast_in_dim3A_3 : memref<128xi32, #tpu.memory_space<vmem>>[vector<16xi32>], vector<16xi32>,
          %add3A_265 = arith.constant 48 : i32
          %add3A_266 = vector.broadcast %add3A_265 : i32 to vector<16xi32>
          %add3A_267 = arith.addi %iota3A, %add3A_266 : vector<16xi32>
          tpu.vector_store_idx %arg10[%add3A_267], %broadcast_in_dim3A_3 : memref<128xi32, #tpu.memory_space<vmem>>[vector<16xi32>], vector<16xi32>,
          %add3A_268 = arith.constant 64 : i32
          %add3A_269 = vector.broadcast %add3A_268 : i32 to vector<16xi32>
          %add3A_270 = arith.addi %iota3A, %add3A_269 : vector<16xi32>
          tpu.vector_store_idx %arg10[%add3A_270], %broadcast_in_dim3A_3 : memref<128xi32, #tpu.memory_space<vmem>>[vector<16xi32>], vector<16xi32>,
          %add3A_271 = arith.constant 80 : i32
          %add3A_272 = vector.broadcast %add3A_271 : i32 to vector<16xi32>
          %add3A_273 = arith.addi %iota3A, %add3A_272 : vector<16xi32>
          tpu.vector_store_idx %arg10[%add3A_273], %broadcast_in_dim3A_3 : memref<128xi32, #tpu.memory_space<vmem>>[vector<16xi32>], vector<16xi32>,
          %add3A_274 = arith.constant 96 : i32
          %add3A_275 = vector.broadcast %add3A_274 : i32 to vector<16xi32>
          %add3A_276 = arith.addi %iota3A, %add3A_275 : vector<16xi32>
          tpu.vector_store_idx %arg10[%add3A_276], %broadcast_in_dim3A_3 : memref<128xi32, #tpu.memory_space<vmem>>[vector<16xi32>], vector<16xi32>,
          %add3A_277 = arith.constant 112 : i32
          %add3A_278 = vector.broadcast %add3A_277 : i32 to vector<16xi32>
          %add3A_279 = arith.addi %iota3A, %add3A_278 : vector<16xi32>
          tpu.vector_store_idx %arg10[%add3A_279], %broadcast_in_dim3A_3 : memref<128xi32, #tpu.memory_space<vmem>>[vector<16xi32>], vector<16xi32>,
        } else {
        }
        %eq3A_182 = arith.constant 128 : i32
        %eq3A_183 = arith.cmpi eq, %while3A_178, %eq3A_182 : i32
        %jit3A_184 = arith.constant 0 : i32
        %select_n3A_185 = arith.select %eq3A_183, %jit3A_184, %while3A_178 : i32
        %broadcast_in_dim3A_186 = vector.broadcast %while3A_177 : i32 to vector<16xi32>
        %eq3A_187 = arith.cmpi eq, %sub3A_153, %broadcast_in_dim3A_186 : vector<16xi32>
        %and3A_188 = arith.andi %and3A_144, %eq3A_187 : vector<16xi1>
        %jit3A_189 = arith.constant 0 : i32
        %broadcast_in_dim3A_190 = vector.broadcast %jit3A_189 : i32 to vector<16xi32>
        %select_n3A_191 = arith.select %and3A_188, %select_n3A_159, %broadcast_in_dim3A_190 : vector<16xi1>, vector<16xi32>
        %reduce_max3A = arith.constant true
        %reduce_max3A_192 = vector.broadcast %reduce_max3A : i1 to vector<16xi1>
        %reduce_max3A_193 = arith.constant -2147483648 : i32
        %reduce_max3A_194 = vector.broadcast %reduce_max3A_193 : i32 to vector<16xi32>
        %reduce_max3A_195 = arith.xori %select_n3A_191, %reduce_max3A_194 : vector<16xi32>
        %reduce_max3A_196 = tpu.scan <max>, %reduce_max3A_195 masked %reduce_max3A_192 : vector<16xi32>, vector<16xi1> -> vector<16xi32>
        %reduce_max3A_197 = arith.xori %reduce_max3A_196, %reduce_max3A_194 : vector<16xi32>
        %reduce_max3A_198 = vector.extract %reduce_max3A_197[15] : i32 from vector<16xi32>
        %jit3A_199 = arith.constant 0 : i32
        %broadcast_in_dim3A_200 = vector.broadcast %jit3A_199 : i32 to vector<16xi32>
        %select_n3A_201 = arith.select %and3A_188, %select_n3A_165, %broadcast_in_dim3A_200 : vector<16xi1>, vector<16xi32>
        %reduce_max3A_202 = arith.constant true
        %reduce_max3A_203 = vector.broadcast %reduce_max3A_202 : i1 to vector<16xi1>
        %reduce_max3A_204 = arith.constant -2147483648 : i32
        %reduce_max3A_205 = vector.broadcast %reduce_max3A_204 : i32 to vector<16xi32>
        %reduce_max3A_206 = arith.xori %select_n3A_201, %reduce_max3A_205 : vector<16xi32>
        %reduce_max3A_207 = tpu.scan <max>, %reduce_max3A_206 masked %reduce_max3A_203 : vector<16xi32>, vector<16xi1> -> vector<16xi32>
        %reduce_max3A_208 = arith.xori %reduce_max3A_207, %reduce_max3A_205 : vector<16xi32>
        %reduce_max3A_209 = vector.extract %reduce_max3A_208[15] : i32 from vector<16xi32>
        %broadcast_in_dim3A_210 = vector.broadcast %reduce_max3A_198 : i32 to vector<16xi32>
        %add3A_211 = arith.constant 0 : i32
        %add3A_212 = vector.broadcast %add3A_211 : i32 to vector<16xi32>
        %add3A_213 = arith.addi %iota3A, %add3A_212 : vector<16xi32>
        %gather3A = tpu.vector_load_idx %arg7[%add3A_213, %broadcast_in_dim3A_210] : memref<64x512xf32, #tpu.memory_space<vmem>>[vector<16xi32>, vector<16xi32>], vector<16xf32>,
        %swap3A = arith.index_cast %select_n3A_185 : i32 to index
        %swap3A_214 = arith.constant 0 : index
        %swap3A_215 = tpu.vector_load %arg9[%swap3A, %swap3A_214] {strides = array<i32>} : memref<128x128xf32, #tpu.memory_space<vmem>>, vector<16xf32>,
        tpu.vector_store %arg9[%swap3A, %swap3A_214], %gather3A {strides = array<i32>} : memref<128x128xf32, #tpu.memory_space<vmem>>, vector<16xf32>,
        %add3A_216 = arith.constant 16 : i32
        %add3A_217 = vector.broadcast %add3A_216 : i32 to vector<16xi32>
        %add3A_218 = arith.addi %iota3A, %add3A_217 : vector<16xi32>
        %gather3A_219 = tpu.vector_load_idx %arg7[%add3A_218, %broadcast_in_dim3A_210] : memref<64x512xf32, #tpu.memory_space<vmem>>[vector<16xi32>, vector<16xi32>], vector<16xf32>,
        %swap3A_220 = arith.index_cast %select_n3A_185 : i32 to index
        %swap3A_221 = arith.constant 16 : index
        %swap3A_222 = tpu.vector_load %arg9[%swap3A_220, %swap3A_221] {strides = array<i32>} : memref<128x128xf32, #tpu.memory_space<vmem>>, vector<16xf32>,
        tpu.vector_store %arg9[%swap3A_220, %swap3A_221], %gather3A_219 {strides = array<i32>} : memref<128x128xf32, #tpu.memory_space<vmem>>, vector<16xf32>,
        %add3A_223 = arith.constant 32 : i32
        %add3A_224 = vector.broadcast %add3A_223 : i32 to vector<16xi32>
        %add3A_225 = arith.addi %iota3A, %add3A_224 : vector<16xi32>
        %gather3A_226 = tpu.vector_load_idx %arg7[%add3A_225, %broadcast_in_dim3A_210] : memref<64x512xf32, #tpu.memory_space<vmem>>[vector<16xi32>, vector<16xi32>], vector<16xf32>,
        %swap3A_227 = arith.index_cast %select_n3A_185 : i32 to index
        %swap3A_228 = arith.constant 32 : index
        %swap3A_229 = tpu.vector_load %arg9[%swap3A_227, %swap3A_228] {strides = array<i32>} : memref<128x128xf32, #tpu.memory_space<vmem>>, vector<16xf32>,
        tpu.vector_store %arg9[%swap3A_227, %swap3A_228], %gather3A_226 {strides = array<i32>} : memref<128x128xf32, #tpu.memory_space<vmem>>, vector<16xf32>,
        %add3A_230 = arith.constant 48 : i32
        %add3A_231 = vector.broadcast %add3A_230 : i32 to vector<16xi32>
        %add3A_232 = arith.addi %iota3A, %add3A_231 : vector<16xi32>
        %gather3A_233 = tpu.vector_load_idx %arg7[%add3A_232, %broadcast_in_dim3A_210] : memref<64x512xf32, #tpu.memory_space<vmem>>[vector<16xi32>, vector<16xi32>], vector<16xf32>,
        %swap3A_234 = arith.index_cast %select_n3A_185 : i32 to index
        %swap3A_235 = arith.constant 48 : index
        %swap3A_236 = tpu.vector_load %arg9[%swap3A_234, %swap3A_235] {strides = array<i32>} : memref<128x128xf32, #tpu.memory_space<vmem>>, vector<16xf32>,
        tpu.vector_store %arg9[%swap3A_234, %swap3A_235], %gather3A_233 {strides = array<i32>} : memref<128x128xf32, #tpu.memory_space<vmem>>, vector<16xf32>,
        %broadcast_in_dim3A_237 = vector.broadcast %select_n3A_185 : i32 to vector<16xi32>
        %broadcast_in_dim3A_238 = vector.broadcast %reduce_max3A_209 : i32 to vector<16xi32>
        %eq3A_239 = arith.constant 0 : i32
        %eq3A_240 = vector.broadcast %eq3A_239 : i32 to vector<16xi32>
        %eq3A_241 = arith.cmpi eq, %iota3A, %eq3A_240 : vector<16xi32>
        tpu.vector_store_idx %arg10[%broadcast_in_dim3A_237], %broadcast_in_dim3A_238 masked %eq3A_241 : memref<128xi32, #tpu.memory_space<vmem>>[vector<16xi32>], vector<16xi32>, vector<16xi1>
        %add3A_242 = arith.constant 1 : i32
        %add3A_243 = arith.addi %select_n3A_185, %add3A_242 : i32
        scf.yield %add3A_243 : i32
      }
      %while3A_175 = arith.constant 1 : i32
      %while3A_176 = scf.for %while3A_177 = %while3A_172 to %while3A_168 step %while3A_175 iter_args(%while3A_178 = %while3A_174) -> (i32)  : i32 {
        %eq3A_179 = arith.constant 128 : i32
        %eq3A_180 = arith.cmpi eq, %while3A_178, %eq3A_179 : i32
        %convert_element_type3A = arith.extui %eq3A_180 : i1 to i32
        %cond3A = arith.constant 0 : i32
        %cond3A_181 = arith.cmpi ne, %convert_element_type3A, %cond3A : i32
        scf.if %cond3A_181 {
          %dma_start3A_244 = arith.constant 2 : i32
          %dma_start3A_245 = arith.constant 0 : i32
          %dma_start3A_246 = arith.constant 0 : i32
          %dma_start3A_247 = tpu.memref_slice %arg4[%dma_start3A_245, %dma_start3A_246] : memref<16385x128xf32, #tpu.memory_space<hbm>> -> memref<16385x128xf32, #tpu.memory_space<hbm>>
          %dma_start3A_248 = tpu.memref_slice %arg11[%dma_start3A_244] : memref<4x!tpu.dma_semaphore, #tpu.memory_space<semaphore_mem>> -> memref<1x!tpu.dma_semaphore, #tpu.memory_space<semaphore_mem>>
          %dma_start3A_249 = tpu.memref_squeeze %dma_start3A_248 : memref<1x!tpu.dma_semaphore, #tpu.memory_space<semaphore_mem>> -> memref<!tpu.dma_semaphore, #tpu.memory_space<semaphore_mem>>
          tpu.enqueue_indirect_dma source(%arg9 : memref<128x128xf32, #tpu.memory_space<vmem>>) target(%dma_start3A_247 : memref<16385x128xf32, #tpu.memory_space<hbm>>) offsets(%arg10 : memref<128xi32, #tpu.memory_space<vmem>>) semaphore(%dma_start3A_249 : memref<!tpu.dma_semaphore, #tpu.memory_space<semaphore_mem>>)
          %dma_wait3A_250 = arith.constant 2 : i32
          %dma_wait3A_251 = arith.constant 0 : i32
          %dma_wait3A_252 = arith.constant 0 : i32
          %dma_wait3A_253 = tpu.memref_slice %arg4[%dma_wait3A_251, %dma_wait3A_252] : memref<16385x128xf32, #tpu.memory_space<hbm>> -> memref<16385x128xf32, #tpu.memory_space<hbm>>
          %dma_wait3A_254 = tpu.memref_slice %arg11[%dma_wait3A_250] : memref<4x!tpu.dma_semaphore, #tpu.memory_space<semaphore_mem>> -> memref<1x!tpu.dma_semaphore, #tpu.memory_space<semaphore_mem>>
          %dma_wait3A_255 = tpu.memref_squeeze %dma_wait3A_254 : memref<1x!tpu.dma_semaphore, #tpu.memory_space<semaphore_mem>> -> memref<!tpu.dma_semaphore, #tpu.memory_space<semaphore_mem>>
          tpu.wait_indirect_dma semaphore(%dma_wait3A_255 : memref<!tpu.dma_semaphore, #tpu.memory_space<semaphore_mem>>) src(%arg9 : memref<128x128xf32, #tpu.memory_space<vmem>>) dst(%dma_wait3A_253 : memref<16385x128xf32, #tpu.memory_space<hbm>>)
          %add3A_256 = arith.constant 0 : i32
          %add3A_257 = vector.broadcast %add3A_256 : i32 to vector<16xi32>
          %add3A_258 = arith.addi %iota3A, %add3A_257 : vector<16xi32>
          tpu.vector_store_idx %arg10[%add3A_258], %broadcast_in_dim3A_3 : memref<128xi32, #tpu.memory_space<vmem>>[vector<16xi32>], vector<16xi32>,
          %add3A_259 = arith.constant 16 : i32
          %add3A_260 = vector.broadcast %add3A_259 : i32 to vector<16xi32>
          %add3A_261 = arith.addi %iota3A, %add3A_260 : vector<16xi32>
          tpu.vector_store_idx %arg10[%add3A_261], %broadcast_in_dim3A_3 : memref<128xi32, #tpu.memory_space<vmem>>[vector<16xi32>], vector<16xi32>,
          %add3A_262 = arith.constant 32 : i32
          %add3A_263 = vector.broadcast %add3A_262 : i32 to vector<16xi32>
          %add3A_264 = arith.addi %iota3A, %add3A_263 : vector<16xi32>
          tpu.vector_store_idx %arg10[%add3A_264], %broadcast_in_dim3A_3 : memref<128xi32, #tpu.memory_space<vmem>>[vector<16xi32>], vector<16xi32>,
          %add3A_265 = arith.constant 48 : i32
          %add3A_266 = vector.broadcast %add3A_265 : i32 to vector<16xi32>
          %add3A_267 = arith.addi %iota3A, %add3A_266 : vector<16xi32>
          tpu.vector_store_idx %arg10[%add3A_267], %broadcast_in_dim3A_3 : memref<128xi32, #tpu.memory_space<vmem>>[vector<16xi32>], vector<16xi32>,
          %add3A_268 = arith.constant 64 : i32
          %add3A_269 = vector.broadcast %add3A_268 : i32 to vector<16xi32>
          %add3A_270 = arith.addi %iota3A, %add3A_269 : vector<16xi32>
          tpu.vector_store_idx %arg10[%add3A_270], %broadcast_in_dim3A_3 : memref<128xi32, #tpu.memory_space<vmem>>[vector<16xi32>], vector<16xi32>,
          %add3A_271 = arith.constant 80 : i32
          %add3A_272 = vector.broadcast %add3A_271 : i32 to vector<16xi32>
          %add3A_273 = arith.addi %iota3A, %add3A_272 : vector<16xi32>
          tpu.vector_store_idx %arg10[%add3A_273], %broadcast_in_dim3A_3 : memref<128xi32, #tpu.memory_space<vmem>>[vector<16xi32>], vector<16xi32>,
          %add3A_274 = arith.constant 96 : i32
          %add3A_275 = vector.broadcast %add3A_274 : i32 to vector<16xi32>
          %add3A_276 = arith.addi %iota3A, %add3A_275 : vector<16xi32>
          tpu.vector_store_idx %arg10[%add3A_276], %broadcast_in_dim3A_3 : memref<128xi32, #tpu.memory_space<vmem>>[vector<16xi32>], vector<16xi32>,
          %add3A_277 = arith.constant 112 : i32
          %add3A_278 = vector.broadcast %add3A_277 : i32 to vector<16xi32>
          %add3A_279 = arith.addi %iota3A, %add3A_278 : vector<16xi32>
          tpu.vector_store_idx %arg10[%add3A_279], %broadcast_in_dim3A_3 : memref<128xi32, #tpu.memory_space<vmem>>[vector<16xi32>], vector<16xi32>,
        } else {
        }
        %eq3A_182 = arith.constant 128 : i32
        %eq3A_183 = arith.cmpi eq, %while3A_178, %eq3A_182 : i32
        %jit3A_184 = arith.constant 0 : i32
        %select_n3A_185 = arith.select %eq3A_183, %jit3A_184, %while3A_178 : i32
        %broadcast_in_dim3A_186 = vector.broadcast %while3A_177 : i32 to vector<16xi32>
        %eq3A_187 = arith.cmpi eq, %sub3A_153, %broadcast_in_dim3A_186 : vector<16xi32>
        %and3A_188 = arith.andi %and3A_144, %eq3A_187 : vector<16xi1>
        %jit3A_189 = arith.constant 0 : i32
        %broadcast_in_dim3A_190 = vector.broadcast %jit3A_189 : i32 to vector<16xi32>
        %select_n3A_191 = arith.select %and3A_188, %select_n3A_159, %broadcast_in_dim3A_190 : vector<16xi1>, vector<16xi32>
        %reduce_max3A = arith.constant true
        %reduce_max3A_192 = vector.broadcast %reduce_max3A : i1 to vector<16xi1>
        %reduce_max3A_193 = arith.constant -2147483648 : i32
        %reduce_max3A_194 = vector.broadcast %reduce_max3A_193 : i32 to vector<16xi32>
        %reduce_max3A_195 = arith.xori %select_n3A_191, %reduce_max3A_194 : vector<16xi32>
        %reduce_max3A_196 = tpu.scan <max>, %reduce_max3A_195 masked %reduce_max3A_192 : vector<16xi32>, vector<16xi1> -> vector<16xi32>
        %reduce_max3A_197 = arith.xori %reduce_max3A_196, %reduce_max3A_194 : vector<16xi32>
        %reduce_max3A_198 = vector.extract %reduce_max3A_197[15] : i32 from vector<16xi32>
        %jit3A_199 = arith.constant 0 : i32
        %broadcast_in_dim3A_200 = vector.broadcast %jit3A_199 : i32 to vector<16xi32>
        %select_n3A_201 = arith.select %and3A_188, %select_n3A_165, %broadcast_in_dim3A_200 : vector<16xi1>, vector<16xi32>
        %reduce_max3A_202 = arith.constant true
        %reduce_max3A_203 = vector.broadcast %reduce_max3A_202 : i1 to vector<16xi1>
        %reduce_max3A_204 = arith.constant -2147483648 : i32
        %reduce_max3A_205 = vector.broadcast %reduce_max3A_204 : i32 to vector<16xi32>
        %reduce_max3A_206 = arith.xori %select_n3A_201, %reduce_max3A_205 : vector<16xi32>
        %reduce_max3A_207 = tpu.scan <max>, %reduce_max3A_206 masked %reduce_max3A_203 : vector<16xi32>, vector<16xi1> -> vector<16xi32>
        %reduce_max3A_208 = arith.xori %reduce_max3A_207, %reduce_max3A_205 : vector<16xi32>
        %reduce_max3A_209 = vector.extract %reduce_max3A_208[15] : i32 from vector<16xi32>
        %broadcast_in_dim3A_210 = vector.broadcast %reduce_max3A_198 : i32 to vector<16xi32>
        %add3A_211 = arith.constant 0 : i32
        %add3A_212 = vector.broadcast %add3A_211 : i32 to vector<16xi32>
        %add3A_213 = arith.addi %iota3A, %add3A_212 : vector<16xi32>
        %gather3A = tpu.vector_load_idx %arg7[%add3A_213, %broadcast_in_dim3A_210] : memref<64x512xf32, #tpu.memory_space<vmem>>[vector<16xi32>, vector<16xi32>], vector<16xf32>,
        %swap3A = arith.index_cast %select_n3A_185 : i32 to index
        %swap3A_214 = arith.constant 0 : index
        %swap3A_215 = tpu.vector_load %arg9[%swap3A, %swap3A_214] {strides = array<i32>} : memref<128x128xf32, #tpu.memory_space<vmem>>, vector<16xf32>,
        tpu.vector_store %arg9[%swap3A, %swap3A_214], %gather3A {strides = array<i32>} : memref<128x128xf32, #tpu.memory_space<vmem>>, vector<16xf32>,
        %add3A_216 = arith.constant 16 : i32
        %add3A_217 = vector.broadcast %add3A_216 : i32 to vector<16xi32>
        %add3A_218 = arith.addi %iota3A, %add3A_217 : vector<16xi32>
        %gather3A_219 = tpu.vector_load_idx %arg7[%add3A_218, %broadcast_in_dim3A_210] : memref<64x512xf32, #tpu.memory_space<vmem>>[vector<16xi32>, vector<16xi32>], vector<16xf32>,
        %swap3A_220 = arith.index_cast %select_n3A_185 : i32 to index
        %swap3A_221 = arith.constant 16 : index
        %swap3A_222 = tpu.vector_load %arg9[%swap3A_220, %swap3A_221] {strides = array<i32>} : memref<128x128xf32, #tpu.memory_space<vmem>>, vector<16xf32>,
        tpu.vector_store %arg9[%swap3A_220, %swap3A_221], %gather3A_219 {strides = array<i32>} : memref<128x128xf32, #tpu.memory_space<vmem>>, vector<16xf32>,
        %add3A_223 = arith.constant 32 : i32
        %add3A_224 = vector.broadcast %add3A_223 : i32 to vector<16xi32>
        %add3A_225 = arith.addi %iota3A, %add3A_224 : vector<16xi32>
        %gather3A_226 = tpu.vector_load_idx %arg7[%add3A_225, %broadcast_in_dim3A_210] : memref<64x512xf32, #tpu.memory_space<vmem>>[vector<16xi32>, vector<16xi32>], vector<16xf32>,
        %swap3A_227 = arith.index_cast %select_n3A_185 : i32 to index
        %swap3A_228 = arith.constant 32 : index
        %swap3A_229 = tpu.vector_load %arg9[%swap3A_227, %swap3A_228] {strides = array<i32>} : memref<128x128xf32, #tpu.memory_space<vmem>>, vector<16xf32>,
        tpu.vector_store %arg9[%swap3A_227, %swap3A_228], %gather3A_226 {strides = array<i32>} : memref<128x128xf32, #tpu.memory_space<vmem>>, vector<16xf32>,
        %add3A_230 = arith.constant 48 : i32
        %add3A_231 = vector.broadcast %add3A_230 : i32 to vector<16xi32>
        %add3A_232 = arith.addi %iota3A, %add3A_231 : vector<16xi32>
        %gather3A_233 = tpu.vector_load_idx %arg7[%add3A_232, %broadcast_in_dim3A_210] : memref<64x512xf32, #tpu.memory_space<vmem>>[vector<16xi32>, vector<16xi32>], vector<16xf32>,
        %swap3A_234 = arith.index_cast %select_n3A_185 : i32 to index
        %swap3A_235 = arith.constant 48 : index
        %swap3A_236 = tpu.vector_load %arg9[%swap3A_234, %swap3A_235] {strides = array<i32>} : memref<128x128xf32, #tpu.memory_space<vmem>>, vector<16xf32>,
        tpu.vector_store %arg9[%swap3A_234, %swap3A_235], %gather3A_233 {strides = array<i32>} : memref<128x128xf32, #tpu.memory_space<vmem>>, vector<16xf32>,
        %broadcast_in_dim3A_237 = vector.broadcast %select_n3A_185 : i32 to vector<16xi32>
        %broadcast_in_dim3A_238 = vector.broadcast %reduce_max3A_209 : i32 to vector<16xi32>
        %eq3A_239 = arith.constant 0 : i32
        %eq3A_240 = vector.broadcast %eq3A_239 : i32 to vector<16xi32>
        %eq3A_241 = arith.cmpi eq, %iota3A, %eq3A_240 : vector<16xi32>
        tpu.vector_store_idx %arg10[%broadcast_in_dim3A_237], %broadcast_in_dim3A_238 masked %eq3A_241 : memref<128xi32, #tpu.memory_space<vmem>>[vector<16xi32>], vector<16xi32>, vector<16xi1>
        %add3A_242 = arith.constant 1 : i32
        %add3A_243 = arith.addi %select_n3A_185, %add3A_242 : i32
        scf.yield %add3A_243 : i32
      }
      scf.yield %while3A_176 : i32
    }
    %dma_start3A_114 = arith.constant 2 : i32
    %dma_start3A_115 = arith.constant 0 : i32
    %dma_start3A_116 = arith.constant 0 : i32
    %dma_start3A_117 = tpu.memref_slice %arg4[%dma_start3A_115, %dma_start3A_116] : memref<16385x128xf32, #tpu.memory_space<hbm>> -> memref<16385x128xf32, #tpu.memory_space<hbm>>
    %dma_start3A_118 = tpu.memref_slice %arg11[%dma_start3A_114] : memref<4x!tpu.dma_semaphore, #tpu.memory_space<semaphore_mem>> -> memref<1x!tpu.dma_semaphore, #tpu.memory_space<semaphore_mem>>
    %dma_start3A_119 = tpu.memref_squeeze %dma_start3A_118 : memref<1x!tpu.dma_semaphore, #tpu.memory_space<semaphore_mem>> -> memref<!tpu.dma_semaphore, #tpu.memory_space<semaphore_mem>>
    tpu.enqueue_indirect_dma source(%arg9 : memref<128x128xf32, #tpu.memory_space<vmem>>) target(%dma_start3A_117 : memref<16385x128xf32, #tpu.memory_space<hbm>>) offsets(%arg10 : memref<128xi32, #tpu.memory_space<vmem>>) semaphore(%dma_start3A_119 : memref<!tpu.dma_semaphore, #tpu.memory_space<semaphore_mem>>)
    %dma_wait3A_120 = arith.constant 2 : i32
    %dma_wait3A_121 = arith.constant 0 : i32
    %dma_wait3A_122 = arith.constant 0 : i32
    %dma_wait3A_123 = tpu.memref_slice %arg4[%dma_wait3A_121, %dma_wait3A_122] : memref<16385x128xf32, #tpu.memory_space<hbm>> -> memref<16385x128xf32, #tpu.memory_space<hbm>>
    %dma_wait3A_124 = tpu.memref_slice %arg11[%dma_wait3A_120] : memref<4x!tpu.dma_semaphore, #tpu.memory_space<semaphore_mem>> -> memref<1x!tpu.dma_semaphore, #tpu.memory_space<semaphore_mem>>
    %dma_wait3A_125 = tpu.memref_squeeze %dma_wait3A_124 : memref<1x!tpu.dma_semaphore, #tpu.memory_space<semaphore_mem>> -> memref<!tpu.dma_semaphore, #tpu.memory_space<semaphore_mem>>
    tpu.wait_indirect_dma semaphore(%dma_wait3A_125 : memref<!tpu.dma_semaphore, #tpu.memory_space<semaphore_mem>>) src(%arg9 : memref<128x128xf32, #tpu.memory_space<vmem>>) dst(%dma_wait3A_123 : memref<16385x128xf32, #tpu.memory_space<hbm>>)
    return
  }
}

</mosaic_0001>

<sc_bundles>
// kernel: kernel.3.cloned.1.call-start
scs
__scs_entry_jumppad:
0x0: {  	(pc) =	sbr.rel $0x88, $3  }
0x1: {  	(tag) =	ssettag $0x0;
	lr =	simm.s32 $0x1  }
0x2: {  	[smem:$0x3F9F] =	sst lr;
	_ =	strace $0xD0000000  }
0x3: {  	_ = 	snop  }
0x4: {  	_ = 	snop  }
0x5: {  	_ = 	snop  }
0x6: {  	_ = 	snop  }
0x7: {  	_ = 	snop  }
__scs_overlays_trampoline_lowered:
0x8: {  	[smem:$0x3FAE] =	sst s0  }
0x9: {  	[smem:$0x3FAF] =	sst s1  }
0xa: {  	[smem:$0x3FB0] =	sst s2  }
0xb: {  	[smem:$0x3FB1] =	sst s3  }
0xc: {  	[smem:$0x3FB2] =	sst s4  }
0xd: {  	[smem:$0x3FB3] =	sst s5  }
0xe: {  	[smem:$0x3FB4] =	sst s6  }
0xf: {  	[smem:$0x3FB5] =	sst s7  }
0x10: {  	[smem:$0x3FB6] =	sst s8  }
0x11: {  	[smem:$0x3FB7] =	sst s9;
	s0 =	simm.s32 @!p0 $0x0  }
0x12: {  	s1 =	sld [smem:$0x3F9D];
	s0 =	simm.s32 @p0 $0x1  }
0x13: {  	[smem:$0x3FB8] =	sst s0;
	s0 =	simm.s32 @!p1 $0x0  }
0x14: {  	s2 =	sld [smem:$0x3F9C];
	s0 =	simm.s32 @p1 $0x1  }
0x15: {  	[smem:$0x3FB9] =	sst s0;
	s0 =	simm.s32 @!p2 $0x0  }
0x16: {  	s3 =	sld [smem:$0x3FDB];
	s0 =	simm.s32 @p2 $0x1  }
0x17: {  	s4 =	simm.s32 $0x1BF5;
	[smem:$0x3FBB] =	sst s0  }
0x18: {  	s0 =	sld [smem:$0x3F9E];
	_ =	swait.ge [sflag:s4], $0x0  }
0x19: {  	s7 =	sld [smem:$0x3F9F]  }
0x1a: {  	s8 =	sadd.s32 $0xFFFFE003, lr  }
0x1b: {  	s9 =	sadd.s32 $0xFFFFFEF7, lr;
	s5 =	simm.s32 $0xFFFFFFFF;
	p2 =	slt.u32 s8, $0xFFFFF086  }
0x1c: {  	p1 =	slt.u32 s9, $0xF7A;
	s5 =	simm.s32 @!p2 $0x0  }
0x1d: {  	s5 =	simm.s32 @p1 $0x1;
	p0 =	seq.s32 s7, s2  }
0x1e: {  	s7 =	smul.u32 @!p0 $0xF7A, s2;
	p2 =	seq.s32 @!p0 s5, $0x0  }
0x1f: {  	s9 =	smul.u32 $0xF7A, s1;
	s8 =	simm.s32 @!p0 $0x1BF5;
	p2 =	por !p2, p0  }
0x20: {  	[sflag:s8] =	ssyncset.s32 @!p0 $0xFFFFF086;
	s6 =	sadd.s32 @!p0 s3, s7;
	s7 =	simm.s32 @!p0 $0x108  }
0x21: {  	s3 =	sadd.s32 s3, s9;
	s6 =	sadd.s32 @!p0 $0x88, s6;
	s7 =	simm.s32 @p2 $0x1082  }
0x22: {  	[simem:s7], [sflag:s8] =	dma.local @!p0 [hbm:s6], $0xF7A  }
0x23: {  	s9 =	sor.u32 $0xD0000000, s2;
	s6 =	simm.s32 $0x108;
	_ =	swait.ge @!p0 [sflag:s8], $0x0  }
0x24: {  	s3 =	sadd.s32 $0x88, s3;
	s6 =	simm.s32 @!p1 $0x1082;
	[sflag:s4] =	ssyncset.s32 $0xFFFFF086  }
0x25: {  	[simem:s6], [sflag:s4] =	dma.local [hbm:s3], $0xF7A  }
0x26: {  	[smem:$0x3F9F] =	sst s1;
	(tag) =	ssettag s2;
	_ =	strace s9  }
0x27: {  	s1 =	sld [smem:$0x3FAF]  }
0x28: {  	s2 =	sld [smem:$0x3FB0]  }
0x29: {  	s4 =	sld [smem:$0x3FB2]  }
0x2a: {  	p0 =	seq.s32 s5, $0x0;
	s5 =	sld [smem:$0x3FB3]  }
0x2b: {  	s6 =	sld [smem:$0x3FB4]  }
0x2c: {  	s7 =	sld [smem:$0x3FB5]  }
0x2d: {  	s3 =	simm.s32 $0x108;
	s8 =	sld [smem:$0x3FB6]  }
0x2e: {  	s3 =	simm.s32 @!p0 $0x1082;
	s9 =	sld [smem:$0x3FB7]  }
0x2f: {  	lr =	sadd.s32 s0, s3;
	s0 =	sld [smem:$0x3FAE]  }
0x30: {  	s3 =	sld [smem:$0x3FB1]  }
0x31: {  	[smem:$0x3FBA] =	sst s10  }
0x32: {  	s10 =	sld [smem:$0x3FB8];
	_ =	sdelay $0x3  }
0x33: {  	p0 =	seq.s32 s10, $0x1;
	s10 =	sld [smem:$0x3FBA];
	_ =	sdelay $0x3  }
0x34: {  	[smem:$0x3FBA] =	sst s10  }
0x35: {  	s10 =	sld [smem:$0x3FB9];
	_ =	sdelay $0x3  }
0x36: {  	p1 =	seq.s32 s10, $0x1;
	s10 =	sld [smem:$0x3FBA];
	_ =	sdelay $0x3  }
0x37: {  	[smem:$0x3FBA] =	sst s10  }
0x38: {  	s10 =	sld [smem:$0x3FBB]  }
0x39: {  	_ = 	snop;
	(pc) =	sbr.ind lr, $3  }
0x3a: {  	_ = 	snop  }
0x3b: {  	_ = 	snop  }
0x3c: {  	p2 =	seq.s32 s10, $0x1;
	s10 =	sld [smem:$0x3FBA]  }
0x3d: {  	_ =	shalt  }
0x3e: {  	_ =	shalt  }
0x3f: {  	_ =	shalt  }
0x40: {  	_ =	shalt  }
0x41: {  	_ =	shalt  }
0x42: {  	_ =	shalt  }
0x43: {  	_ =	shalt  }
0x44: {  	_ =	shalt  }
0x45: {  	_ =	shalt  }
0x46: {  	_ =	shalt  }
0x47: {  	_ =	shalt  }
0x48: {  	_ =	shalt  }
0x49: {  	_ =	shalt  }
0x4a: {  	_ =	shalt  }
0x4b: {  	_ =	shalt  }
0x4c: {  	_ =	shalt  }
0x4d: {  	_ =	shalt  }
0x4e: {  	_ =	shalt  }
0x4f: {  	_ =	shalt  }
0x50: {  	_ =	shalt  }
0x51: {  	_ =	shalt  }
0x52: {  	_ =	shalt  }
0x53: {  	_ =	shalt  }
0x54: {  	_ =	shalt  }
0x55: {  	_ =	shalt  }
0x56: {  	_ =	shalt  }
0x57: {  	_ =	shalt  }
0x58: {  	_ =	shalt  }
0x59: {  	_ =	shalt  }
0x5a: {  	_ =	shalt  }
0x5b: {  	_ =	shalt  }
0x5c: {  	_ =	shalt  }
0x5d: {  	_ =	shalt  }
0x5e: {  	_ =	shalt  }
0x5f: {  	_ =	shalt  }
0x60: {  	_ =	shalt  }
0x61: {  	_ =	shalt  }
0x62: {  	_ =	shalt  }
0x63: {  	_ =	shalt  }
0x64: {  	_ =	shalt  }
0x65: {  	_ =	shalt  }
0x66: {  	_ =	shalt  }
0x67: {  	_ =	shalt  }
0x68: {  	_ =	shalt  }
0x69: {  	_ =	shalt  }
0x6a: {  	_ =	shalt  }
0x6b: {  	_ =	shalt  }
0x6c: {  	_ =	shalt  }
0x6d: {  	_ =	shalt  }
0x6e: {  	_ =	shalt  }
0x6f: {  	_ =	shalt  }
0x70: {  	_ =	shalt  }
0x71: {  	_ =	shalt  }
0x72: {  	_ =	shalt  }
0x73: {  	_ =	shalt  }
0x74: {  	_ =	shalt  }
0x75: {  	_ =	shalt  }
0x76: {  	_ =	shalt  }
0x77: {  	_ =	shalt  }
0x78: {  	_ =	shalt  }
0x79: {  	_ =	shalt  }
0x7a: {  	_ =	shalt  }
0x7b: {  	_ =	shalt  }
0x7c: {  	_ =	shalt  }
0x7d: {  	_ =	shalt  }
0x7e: {  	_ =	shalt  }
0x7f: {  	_ =	shalt  }
0x80: {  	_ =	shalt  }
0x81: {  	_ =	shalt  }
0x82: {  	_ =	shalt  }
0x83: {  	_ =	shalt  }
0x84: {  	_ =	shalt  }
0x85: {  	_ =	shalt  }
0x86: {  	_ =	shalt  }
0x87: {  	_ =	shalt  }
.Lfunc_end0:
.L_simem_size_0:
called_computation_lowered:
.L_overlay_start_0:
0x88: {  	s2 =	sld [smem:$0x3FD9]  }
0x89: {  	s3 =	sld [smem:$0x3FFE];
	_ =	sdelay $0x1  }
0x8a: {  	s1 =	srdreg.scid  }
0x8b: {  	s0 =	sand.u32 $0x1, s1  }
0x8c: {  	s17 =	sshll.u32 s0, $0xA;
	s2 =	sadd.s32 s3, s2  }
0x8d: {  	s2 =	sadd.s32 s2, s17  }
0x8e: {  	[smem:$0x3FC6] =	sst s2  }
0x8f: {  	_ = 	snop  }
0x90: {  	s2 =	sld [smem:$0x3FC9]  }
0x91: {  	s18 =	sld [smem:$0x3FC8];
	(tm) =	ssettm $0x1  }
0x92: {  	s4 =	sld [smem:$0x3FFB];
	_ =	sdelay $0x3  }
0x93: {  	_ =	strace s4  }
0x94: {  	s4 =	sld [smem:$0x3FFC];
	_ =	sdelay $0x3  }
0x95: {  	_ =	strace s4  }
0x96: {  	s4 =	sld [smem:$0x3FFD];
	_ =	sdelay $0x3  }
0x97: {  	_ =	strace s4  }
0x98: {  	_ =	strace $0x8FFFFFFF  }
0x99: {  	s19 =	sld [smem:$0x3FDB];
	_ =	sdelay $0x1  }
0x9a: {  	s5 =	simm.s32 $_scs_section_size  }
0x9b: {  	s6 =	simm.s32 $_size__tile_overlayer_lowered;
	s7 =	simm.s32 $_tile_overlayer_lowered  }
0x9c: {  	s22 =	simm.s32 $0x1BFF;
	s21 =	sshll.u32 s7, $0x1;
	s4 =	sadd.s32 s5, s19  }
0x9d: {  	s8 =	simm.s32 $0x0;
	s20 =	sshll.u32 s6, $0x1;
	s6 =	sadd.s32 s21, s4  }
0x9e: {  	[timem:s8], [sflag:s22] =	dma.local [hbm:s6], s20  }
0x9f: {  	_ =	swait.ge [sflag:s22], s20  }
0xa0: {  	s5 =	ssub.s32 $0x0, s20;
	[sflag:s22] =	ssyncset.done $0x0  }
0xa1: {  	[sflag:s22] =	ssyncadd.s32 s5;
	_ =	sdelay $0x1  }
0xa2: {  	s23 =	simm.s32 $0x1B8B  }
0xa3: {  	_ =	swait.ge [sflag:s23], $0x1  }
0xa4: {  	[sflag:s23] =	ssyncset.done $0x0  }
0xa5: {  	s25 =	simm.s32 $0x1B8E;
	s24 =	sld [smem:$0x3FFE];
	[sflag:s23] =	ssyncadd.s32 $0xFFFFFFFF  }
0xa6: {  	s26 =	simm.s32 $execute0_lowered;
	[smem:$0x3FD2] =	sst s25  }
0xa7: {  	s6 =	sshll.u32 s26, $0x1;
	_ =	strace $0x80000046;
	[dreg:$0x1] =	wrdreg $0xFFFFFFFF  }
0xa8: {  	s28 =	simm.s32 $_size_execute0_lowered;
	s4 =	sadd.s32 s4, s6;
	[dreg:$0x0] =	wrdreg $0x0  }
0xa9: {  	s6 =	sshll.u32 s28, $0x1;
	[dreg:$0x2] =	wrdreg s4  }
0xaa: {  	[dreg:$0x3] =	wrdreg s6  }
0xab: {  	[dreg:$0x4] =	wrdreg $0xC0  }
0xac: {  	_ =	task [dreg:s8], $0x5FFFF  }
0xad: {  	[dreg:$0x1] =	wrdreg $0xFFFFFFFF  }
0xae: {  	[dreg:$0x0] =	wrdreg $0x60  }
0xaf: {  	[dreg:$0x2] =	wrdreg s2  }
0xb0: {  	[dreg:$0x3] =	wrdreg s18  }
0xb1: {  	[dreg:$0x4] =	wrdreg s24  }
0xb2: {  	[dreg:$0x5] =	wrdreg $0x9  }
0xb3: {  	_ =	task.clear_ibuf [dreg:s8], $0x6FFFF;
	_ =	strace $0x90000046  }
0xb4: {  	s29 =	simm.s32 $0x9;
	_ =	strace $0x80000048  }
0xb5: {  	_ =	swait.ge [sflag:s29], $0x1  }
0xb6: {  	[sflag:s29] =	ssyncadd.s32 $0xFFFFFFFF  }
0xb7: {  	_ =	strace $0x90000048  }
0xb8: {  	_ =	sfence  }
0xb9: {  	s30 =	sld [smem:$0x0];
	_ =	sdelay $0x2  }
0xba: {  	s31 =	sshll.u32 s1, $0xD;
	s1 =	sshrl.u32 s1, $0x2  }
0xbb: {  	s3 =	sand.u32 $0x4000, s31;
	s1 =	sadd.s32 s1, s30  }
0xbc: {  	s0 =	sor.u32 s3, s0;
	s1 =	sshll.u32 s1, $0x11  }
0xbd: {  	s0 =	sor.u32 s1, s0  }
0xbe: {  	s0 =	sadd.s32 $0x8F2B, s0  }
0xbf: {  	[sflag:s0] =	ssyncadd.remote.s32 $0x1  }
0xc0: {  	_ =	sfence.sel $0xFFFF  }
0xc1: {  	[dreg:$0x0] =	wrdreg $0xFFFFFFFF;
	(pc) =	sbr.abs _section_cstart, $3  }
0xc2: {  	[dreg:$0x1] =	wrdreg $0xFFFFFFFF  }
0xc3: {  	_ =	task.clear_ibuf [dreg:s8], $0x2FFFF;
	_ =	strace $0x9FFFFFFF  }
0xc4: {  	(tm) =	ssettm $0x7FFFFFFF  }
0xc5: {  	_ =	shalt  }
tec
execute0_lowered:
.L_overlay_start_1:
0x0: {  	(tag) =	ssettag $0x1  }
0x1: {  	v0 =	vimm.s32 $0x1380;
	vm14 =	vcmask $0x300;
	vm11 =	vcmask $0x704  }
0x2: {  	vm12 =	vcmask $0xB08;
	vm13 =	vcmask $0xF0C;
	vm10 =	vcmask $0x1310  }
0x3: {  	vm9 =	vcmask $0x1714;
	vm8 =	vcmask $0x1B18;
	vm7 =	vcmask $0x1F1C  }
0x4: {  	vm6 =	vcmask $0x2320;
	vm5 =	vcmask $0x2724;
	vm4 =	vcmask $0x2B28  }
0x5: {  	vm3 =	vcmask $0x2F2C;
	vm2 =	vcmask $0x3330;
	vm1 =	vcmask $0x3734  }
0x6: {  	vm0 =	vcmask $0x3B38;
	v13 =	vimm.s32 $0x0;
	v15 =	vimm.s32 $0x3380  }
0x7: {  	v16 =	vimm.s32 $0x5380;
	v17 =	vimm.s32 $0x7380;
	v0 =	vsel vm14, $0x0, v0  }
0x8: {  	s0 =	srdreg.scid;
	s1 =	stileid.u32;
	v15 =	vsel vm14, $0x2000, v15;
	v16 =	vsel vm14, $0x4000, v16;
	v17 =	vsel vm14, $0x6000, v17  }
0x9: {  	s3 =	sand.u32 $0x1, s0;
	s26 =	sshll.u32 s1, $0x1;
	v1 =	vsel vm11, $0x80, v0;
	v15 =	vsel vm11, $0x2080, v15;
	v16 =	vsel vm11, $0x4080, v16  }
0xa: {  	s0 =	sor.u32 s3, s26;
	v17 =	vsel vm11, $0x6080, v17;
	v2 =	vsel vm12, $0x100, v1;
	v15 =	vsel vm12, $0x2100, v15  }
0xb: {  	s2 =	simm.s32 $0xFFF0C000;
	s28 =	smul.u32 $0xFFFF8600, s0;
	p0 =	seq.s32 s0, $0x1E;
	v16 =	vsel vm12, $0x4100, v16;
	v17 =	vsel vm12, $0x6100, v17;
	v3 =	vsel vm13, $0x180, v2  }
0xc: {  	s1 =	simm.s32 $0x7C00;
	s2 =	simm.s32 @!p0 $0xFFF0BDC0;
	v15 =	vsel vm13, $0x2180, v15;
	v16 =	vsel vm13, $0x4180, v16;
	v17 =	vsel vm13, $0x6180, v17  }
0xd: {  	s1 =	simm.s32 @!p0 $0x7A00;
	v0 =	vmov s28;
	v1 =	vmov s2;
	v4 =	vsel vm10, $0x200, v3  }
0xe: {  	v3 =	vmov s1;
	v15 =	vsel vm10, $0x2200, v15;
	v16 =	vsel vm10, $0x4200, v16  }
0xf: {  	v17 =	vsel vm10, $0x6200, v17;
	v2 =	vadd.s32 $0x7A00, v1;
	v5 =	vsel vm9, $0x280, v4  }
0x10: {  	v4 =	vlaneseq.u32;
	v15 =	vsel vm9, $0x2280, v15;
	v16 =	vsel vm9, $0x4280, v16  }
0x11: {  	v17 =	vsel vm9, $0x6280, v17;
	v6 =	vsel vm8, $0x300, v5;
	v5 =	vimm.s32 $0x4000  }
0x12: {  	v15 =	vsel vm8, $0x2300, v15;
	v16 =	vsel vm8, $0x4300, v16;
	v17 =	vsel vm8, $0x6300, v17  }
0x13: {  	v7 =	vsel vm7, $0x380, v6;
	v6 =	vor.u32 $0x10, v4;
	v15 =	vsel vm7, $0x2380, v15  }
0x14: {  	v16 =	vsel vm7, $0x4380, v16;
	v17 =	vsel vm7, $0x6380, v17;
	v8 =	vsel vm6, $0x1000, v7  }
0x15: {  	s29 =	rddreg [dreg:$0x2];
	s4 =	simm.s32 $0x0;
	v7 =	vor.u32 $0x20, v4;
	v15 =	vsel vm6, $0x3000, v15;
	v16 =	vsel vm6, $0x5000, v16  }
0x16: {  	s12 =	simm.s32 $0x1C000;
	s13 =	simm.s32 $0x5;
	s15 =	simm.s32 $0x7A1400;
	v17 =	vsel vm6, $0x7000, v17;
	v9 =	vsel vm5, $0x1080, v8;
	v8 =	vor.u32 $0x30, v4  }
0x17: {  	s14 =	simm.s32 $0x4000;
	s16 =	simm.s32 $0x1000;
	s17 =	simm.s32 $0x8000;
	v15 =	vsel vm5, $0x3080, v15;
	v16 =	vsel vm5, $0x5080, v16;
	v17 =	vsel vm5, $0x7080, v17  }
0x18: {  	s18 =	simm.s32 $0x10000;
	s19 =	simm.s32 $0x1;
	s20 =	simm.s32 $0x2;
	v10 =	vsel vm4, $0x1100, v9;
	v9 =	vor.u32 $0x40, v4;
	v15 =	vsel vm4, $0x3100, v15  }
0x19: {  	s23 =	simm.s32 $0x3;
	s24 =	simm.s32 $0x0;
	s9 =	smul.u32 $0x3D000, s0;
	v16 =	vsel vm4, $0x5100, v16;
	v17 =	vsel vm4, $0x7100, v17;
	v11 =	vsel vm3, $0x1180, v10  }
0x1a: {  	[smem:$0x7FF] =	sst s4;
	s3 =	ssub.s32 $0x2, s3;
	s0 =	smul.u32 $0x7A00, s0;
	v10 =	vor.u32 $0x50, v4;
	v15 =	vsel vm3, $0x3180, v15;
	v16 =	vsel vm3, $0x5180, v16  }
.Ltmp0:
0x1b: {  	s5 =	sadd.s32 $0x800, s29;
	s30 =	sshrl.u32 s3, $0x1;
	v17 =	vsel vm3, $0x7180, v17;
	v12 =	vsel vm2, $0x1200, v11;
	v11 =	vor.u32 $0x60, v4;
	(pc) =	sbr.rel .LBB2_1-.Ltmp0, $4  }
0x1c: {  	s2 =	rddreg [dreg:$0x1];
	_ =	strace $0x80000047;
	s7 =	sshrl.u32 s9, $0x3;
	v15 =	vsel vm2, $0x3200, v15;
	v16 =	vsel vm2, $0x5200, v16;
	v17 =	vsel vm2, $0x7200, v17  }
0x1d: {  	s1 =	ssub.s32 s3, s30;
	s8 =	sadd.s32 $0x2000, s9;
	s9 =	sadd.s32 $0x3000, s9;
	v14 =	vsel vm1, $0x1280, v12;
	v12 =	vor.u32 $0x70, v4;
	v15 =	vsel vm1, $0x3280, v15  }
0x1e: {  	s0 =	sadd.s32 s2, s0;
	s31 =	sadd.s32 s2, s7;
	s10 =	sadd.s32 $0xF4000, s2;
	v16 =	vsel vm1, $0x5280, v16;
	v17 =	vsel vm1, $0x7280, v17;
	v14 =	vsel vm0, $0x1300, v14  }
0x1f: {  	s11 =	smax.u32 s1, $0x1;
	[dreg:$0x4] =	wrdreg s0;
	s7 =	sadd.s32 $0x200, s31;
	v15 =	vsel vm0, $0x3300, v15;
	v16 =	vsel vm0, $0x5300, v16;
	v17 =	vsel vm0, $0x7300, v17  }
.LBB2_41:
0x20: {  	s24 =	sadd.s32 $0x1, s24  }
0x21: {  	p0 =	sne.s32 s24, s11  }
.Ltmp1:
0x22: {  	s0 =	simm.s32 $0x80;
	s1 =	simm.s32 $0x18000;
	(pc) =	sbr.rel @!p0 .LBB2_42-.Ltmp1, $4  }
0x23: {  	[hbm4b:s5+s0] =	stream.indirect.scatter [tilespmem:s1], [sflag:$0x3], $0x80, s12, s0, $0xb8;
	[tilespmem:$0x1C080] =	vst v63  }
0x24: {  	_ =	swait.ge [sflag:s23], $0x4000  }
0x25: {  	[sflag:s23] =	ssyncset.done $0x0  }
0x26: {  	[sflag:s23] =	ssyncadd.s32 $0xFFFFC000  }
.LBB2_1:
0x27: {  	s0 =	rddreg [dreg:$0x0]  }
0x28: {  	[tilespmem:s4], [sflag:$0x5] =	stream.linear.gather [hbm4b:s0+s4], $0x4000, $0x38;
	[tilespmem:$0x1C080] =	vst v63  }
0x29: {  	_ =	swait.ge [sflag:s13], $0x4000  }
0x2a: {  	[sflag:s13] =	ssyncset.done $0x0  }
0x2b: {  	[sflag:s13] =	ssyncadd.s32 $0xFFFFC000  }
0x2c: {  	[tilespmem:v4+s12+$0x0] =	vst.idx.msk $0xffff, v5  }
0x2d: {  	[tilespmem:v6+s12+$0x0] =	vst.idx.msk $0xffff, v5  }
0x2e: {  	[tilespmem:v7+s12+$0x0] =	vst.idx.msk $0xffff, v5  }
0x2f: {  	[tilespmem:v8+s12+$0x0] =	vst.idx.msk $0xffff, v5  }
0x30: {  	[tilespmem:v9+s12+$0x0] =	vst.idx.msk $0xffff, v5  }
0x31: {  	[tilespmem:v10+s12+$0x0] =	vst.idx.msk $0xffff, v5  }
0x32: {  	[tilespmem:v11+s12+$0x0] =	vst.idx.msk $0xffff, v5  }
0x33: {  	[tilespmem:v12+s12+$0x0] =	vst.idx.msk $0xffff, v5  }
0x34: {  	v18 =	vld [tilespmem:s4+$0x0];
	_ =	sdelay $0x4  }
0x35: {  	v19 =	vadd.s32 v1, v18;
	v20 =	vadd.s32 v2, v18  }
0x36: {  	v18 =	vadd.s32 v0, v18;
	vm0 =	vlt.u32 v19, $0x7FFF8600;
	vm1 =	vlt.s32 v20, v3  }
0x37: {  	vm2 =	vlt.u32 v18, $0x7A00;
	vm0 =	vmand vm0, vm1  }
0x38: {  	vm1 =	vmor vm2, vm0  }
0x39: {  	v19 =	vmpcnt.ones.xlane vm1;
	_ =	sdelay $0x1  }
0x3a: {  	(v2sf) =	vpush v19, $0x0;
	v19 =	vsel vm1, $0x1, v13  }
0x3b: {  	(xrf0) =	vadd.scan.msk.s32 $0xffff, v19;
	_ =	sdelay $0x2  }
0x3c: {  	v19 =	vmov s4  }
0x3d: {  	v19 =	vadd.s32 $0xFFFFFFFF, v19  }
0x3e: {  	v19 =	vbroadcast v19, $0x0  }
0x3f: {  	v21, _, _ =	vpop (xrf0)  }
0x40: {  	v19 =	vadd.s32 v21, v19  }
0x41: {  	v18 =	vsel vm0, v20, v18  }
0x42: {  	v18 =	vshll.u32 v18, $0xE  }
0x43: {  	v18 =	vadd.s32 s4, v18  }
0x44: {  	v18 =	vadd.s32 v4, v18  }
0x45: {  	s3 =	simm.s32 $0x10;
	[tilespmem:v19+s14+$0x0] =	vst.idx.msk vm1, v18  }
0x46: {  	v18 =	vld [tilespmem:s3+$0x0]  }
0x47: {  	s1 =	simm.s32 $0x20  }
0x48: {  	s25 =	simm.s32 $0x10;
	s0 =	simm.s32 $0x0;
	s26 =	spop (v2sf)  }
.LBB2_2:
0x49: {  	p0 =	sne.s32 s1, $0x3FF0  }
0x4a: {  	s0 =	sadd.s32 s0, s26;
	s26 =	smov.u32 s1;
	s1 =	sadd.s32 $0x10, s1  }
0x4b: {  	v19 =	vadd.s32 v0, v18;
	v20 =	vadd.s32 v1, v18;
	v18 =	vadd.s32 v2, v18  }
0x4c: {  	vm0 =	vlt.u32 v20, $0x7FFF8600;
	vm1 =	vlt.s32 v18, v3;
	v20 =	vmov s0  }
0x4d: {  	vm2 =	vlt.u32 v19, $0x7A00;
	vm0 =	vmand vm0, vm1;
	v20 =	vadd.s32 $0xFFFFFFFF, v20  }
0x4e: {  	vm1 =	vmor vm2, vm0;
	v18 =	vsel vm0, v18, v19  }
0x4f: {  	v19 =	vsel vm1, $0x1, v13;
	v18 =	vshll.u32 v18, $0xE;
	v21 =	vmpcnt.ones.xlane vm1  }
0x50: {  	v18 =	vadd.s32 s3, v18;
	(xrf0) =	vadd.scan.msk.s32 $0xffff, v19;
	s3 =	smov.u32 s26  }
0x51: {  	(v2sf) =	vpush v21, $0x0;
	_ =	sdelay $0x3  }
0x52: {  	v19 =	vbroadcast v20, $0x0  }
0x53: {  	v20, _, _ =	vpop (xrf0)  }
0x54: {  	v19 =	vadd.s32 v20, v19;
	_ =	sdelay $0x3  }
0x55: {  	v18 =	vadd.s32 v4, v18  }
.Ltmp2:
0x56: {  	s25 =	sadd.s32 $0x10, s25;
	[tilespmem:v19+s14+$0x0] =	vst.idx.msk vm1, v18;
	(pc) =	sbr.rel @p0 .LBB2_2-.Ltmp2, $2  }
0x57: {  	v18 =	vld [tilespmem:s25+$0x0];
	_ =	sdelay $0x2  }
0x58: {  	s26 =	spop (v2sf)  }
0x59: {  	_ = 	snop  }
0x5a: {  	v19 =	vadd.s32 v1, v18;
	v20 =	vadd.s32 v2, v18  }
0x5b: {  	v18 =	vadd.s32 v0, v18;
	vm0 =	vlt.u32 v19, $0x7FFF8600;
	vm1 =	vlt.s32 v20, v3  }
0x5c: {  	vm2 =	vlt.u32 v18, $0x7A00;
	vm0 =	vmand vm0, vm1  }
0x5d: {  	vm1 =	vmor vm2, vm0  }
0x5e: {  	v19 =	vmpcnt.ones.xlane vm1;
	_ =	sdelay $0x1  }
0x5f: {  	(v2sf) =	vpush v19, $0x0;
	v19 =	vsel vm1, $0x1, v13  }
0x60: {  	(xrf0) =	vadd.scan.msk.s32 $0xffff, v19;
	_ =	sdelay $0x1  }
0x61: {  	s0 =	sadd.s32 s0, s26  }
0x62: {  	v19 =	vmov s0  }
0x63: {  	v19 =	vadd.s32 $0xFFFFFFFF, v19  }
0x64: {  	v19 =	vbroadcast v19, $0x0  }
0x65: {  	v21, _, _ =	vpop (xrf0)  }
0x66: {  	v19 =	vadd.s32 v21, v19  }
0x67: {  	v18 =	vsel vm0, v20, v18  }
0x68: {  	v18 =	vshll.u32 v18, $0xE  }
0x69: {  	v18 =	vadd.s32 s3, v18  }
0x6a: {  	v18 =	vadd.s32 v4, v18  }
0x6b: {  	s6 =	rddreg [dreg:$0x4];
	[tilespmem:v19+s14+$0x0] =	vst.idx.msk vm1, v18  }
0x6c: {  	[tilespmem:s17], [sflag:$0x1] =	stream.strided.gather [hbm4b:s6+s16], $0x8000, s15, s16, $0x38;
	[tilespmem:$0x1C080] =	vst v63  }
0x6d: {  	s1 =	spop (v2sf)  }
0x6e: {  	s0 =	sadd.s32 s0, s1  }
0x6f: {  	[tilespmem:s18], [sflag:$0x2] =	stream.strided.gather [hbm4b:s7+s16], $0x8000, s15, s16, $0x38;
	[tilespmem:$0x1C080] =	vst v63  }
0x70: {  	s1 =	sadd.s32 $0xF, s0  }
0x71: {  	s31 =	sshra.s32 s1, $0x1F  }
0x72: {  	s3 =	sshrl.u32 s31, $0x1C  }
0x73: {  	s26 =	simm.s32 $0x0;
	s3 =	sadd.s32 s3, s1  }
0x74: {  	s28 =	simm.s32 $0x0;
	v18 =	vmov s0;
	p0 =	slt.s32 s1, $0x10;
	s25 =	sshra.s32 s3, $0x4  }
.LBB2_4:
.Ltmp3:
0x75: {  	(pc) =	sbr.rel @p0 .LBB2_13-.Ltmp3, $4  }
0x76: {  	_ = 	snop  }
0x77: {  	_ =	swait.ge [sflag:s19], $0x8000  }
0x78: {  	[sflag:s19] =	ssyncset.done $0x0  }
0x79: {  	s30 =	sshll.u32 s28, $0xA;
	[sflag:s19] =	ssyncadd.s32 $0xFFFF8000  }
.Ltmp4:
0x7a: {  	(pc) =	sbr.rel .LBB2_6-.Ltmp4, $3  }
0x7b: {  	_ =	sdelay $0x1  }
0x7c: {  	s0 =	sor.u32 $0x200, s30  }
0x7d: {  	v19 =	vmov s30;
	s29 =	simm.s32 $0x0;
	v20 =	vmov s0  }
.LBB2_8:
0x7e: {  	_ = 	snop  }
.LBB2_11:
0x7f: {  	_ =	sdelay $0x2  }
0x80: {  	s1 =	simm.s32 @!p1 $0x80;
	[tilespmem:s0+$0x18030] =	vst @p2 v25  }
0x81: {  	s0 =	simm.s32 @!p1 $0x1C000;
	s3 =	simm.s32 @!p1 $0x18000;
	v21 =	vlaneseq.u32 @!p1;
	s6 =	simm.s32 @!p1 $0x3;
	[tilespmem:v24+s12+$0x0] =	vst.idx.msk @p2 $0x1, v26  }
0x82: {  	v23, _, _ =	vpop (xrf0);
	v22 =	vor.u32 @!p1 $0x10, v21;
	[hbm4b:s5+s1] =	stream.indirect.scatter @!p1 [tilespmem:s3], [sflag:$0x3], $0x80, s0, s1, $0xb8;
	[tilespmem:$0x1C080] =	vst v63  }
0x83: {  	v24 =	vor.u32 @!p1 $0x20, v21;
	_ =	swait.ge @!p1 [sflag:s6], $0x4000  }
0x84: {  	v25 =	vor.u32 @!p1 $0x30, v21;
	v23 =	vbroadcast v23, $0xF;
	[sflag:s6] =	ssyncset.done @!p1 $0x0  }
0x85: {  	v27 =	vimm.s32 @!p1 $0x4000;
	v26 =	vor.u32 @!p1 $0x40, v21;
	[sflag:s6] =	ssyncadd.s32 @!p1 $0xFFFFC000  }
0x86: {  	v28 =	vor.u32 @!p1 $0x50, v21;
	v29 =	vshll.u32 v23, $0x3;
	[tilespmem:v21+s0+$0x0] =	vst.idx.msk @!p1 $0xffff, v27  }
0x87: {  	v30 =	vor.u32 @!p1 $0x60, v21;
	v23 =	vand.u32 $0x7F, v23;
	v29 =	vand.u32 $0xFFFFFC00, v29;
	[tilespmem:v22+s0+$0x0] =	vst.idx.msk @!p1 $0xffff, v27  }
0x88: {  	v21 =	vor.u32 @!p1 $0x70, v21;
	v22 =	vor.u32 v23, v29;
	[tilespmem:v24+s0+$0x0] =	vst.idx.msk @!p1 $0xffff, v27  }
0x89: {  	v23 =	vadd.s32 v14, v22;
	[tilespmem:v25+s0+$0x0] =	vst.idx.msk @!p1 $0xffff, v27  }
0x8a: {  	[tilespmem:v26+s0+$0x0] =	vst.idx.msk @!p1 $0xffff, v27  }
0x8b: {  	[tilespmem:v28+s0+$0x0] =	vst.idx.msk @!p1 $0xffff, v27  }
0x8c: {  	[tilespmem:v30+s0+$0x0] =	vst.idx.msk @!p1 $0xffff, v27  }
0x8d: {  	[tilespmem:v21+s0+$0x0] =	vst.idx.msk @!p1 $0xffff, v27  }
0x8e: {  	v21 =	vld.idx.msk [tilespmem:v23+s17+$0x0], $0xffff  }
0x8f: {  	v23 =	vadd.s32 v15, v22  }
0x90: {  	s26 =	simm.s32 @!p1 $0x0  }
0x91: {  	s22 =	sshll.u32 s26, $0x9  }
0x92: {  	s0 =	sshra.s32 s22, $0x2  }
0x93: {  	v63, _, _ =	vpop (xrf0);
	[tilespmem:s0+$0x18000] =	vst v21  }
0x94: {  	(v2sf) =	vpush v63, $0xF;
	v21 =	vld.idx.msk [tilespmem:v23+s17+$0x0], $0xffff  }
0x95: {  	v23 =	vadd.s32 v16, v22;
	_ =	sdelay $0x3  }
0x96: {  	[tilespmem:s0+$0x18010] =	vst v21  }
0x97: {  	v21 =	vld.idx.msk [tilespmem:v23+s17+$0x0], $0xffff  }
0x98: {  	v22 =	vadd.s32 v17, v22;
	_ =	sdelay $0x3  }
0x99: {  	[tilespmem:s0+$0x18020] =	vst v21  }
0x9a: {  	v21 =	vld.idx.msk [tilespmem:v22+s17+$0x0], $0xffff  }
0x9b: {  	v22 =	vmov s26;
	_ =	sdelay $0x1  }
0x9c: {  	s31 =	spop (v2sf)  }
0x9d: {  	s1 =	sxor.u32 $0x80000000, s31  }
0x9e: {  	v23 =	vmov s1;
	[tilespmem:s0+$0x18030] =	vst v21  }
0x9f: {  	s26 =	sadd.s32 $0x1, s26;
	[tilespmem:v22+s12+$0x0] =	vst.idx.msk $0x1, v23  }
.LBB2_12:
0xa0: {  	s29 =	sadd.s32 $0x1, s29  }
0xa1: {  	p1 =	sne.s32 s29, s25  }
.Ltmp5:
0xa2: {  	_ = 	snop;
	(pc) =	sbr.rel @!p1 .LBB2_13-.Ltmp5, $1  }
0xa3: {  	_ =	sdelay $0x3  }
.LBB2_6:
0xa4: {  	s0 =	sshll.u32 s29, $0x4  }
0xa5: {  	v22 =	vld [tilespmem:s0+$0x4000];
	_ =	sdelay $0x4  }
0xa6: {  	v21 =	vor.u32 s0, v4;
	v23 =	vshrl.u32 v22, $0xE  }
0xa7: {  	vm0 =	vlt.s32 v21, v18;
	vm1 =	vge.u32 v23, v19  }
0xa8: {  	vm0 =	vmand vm0, vm1;
	vm1 =	vlt.u32 v23, v20  }
0xa9: {  	vm0 =	vmand vm1, vm0  }
0xaa: {  	v21 =	vmpcnt.ones.xlane vm0;
	_ =	sdelay $0x1  }
0xab: {  	(v2sf) =	vpush v21, $0x0;
	_ =	sdelay $0xd  }
0xac: {  	v21 =	vsel vm0, $0x1, v13  }
0xad: {  	(xrf0) =	vadd.scan.msk.s32 $0xffff, v21;
	s31 =	spop (v2sf)  }
0xae: {  	p1 =	slt.s32 s31, $0x1  }
.Ltmp6:
0xaf: {  	_ = 	snop;
	(pc) =	sbr.rel @p1 .LBB2_12-.Ltmp6, $2  }
0xb0: {  	_ =	sdelay $0x2  }
0xb1: {  	v21, _, _ =	vpop (xrf0)  }
0xb2: {  	v21 =	vadd.s32 $0xFFFFFFFF, v21;
	s0 =	simm.s32 $0x0;
	p3 =	sne.s32 s31, $0x1  }
.Ltmp7:
0xb3: {  	v23 =	vsub.s32 v23, v19;
	vm1 =	veq.s32 v21, s0;
	(pc) =	sbr.rel @!p3 .LBB2_8-.Ltmp7, $4  }
0xb4: {  	v24 =	vand.u32 $0x3FFF, v22;
	v22 =	vxor.u32 $0x80000000, v23;
	vm1 =	vmand vm0, vm1  }
0xb5: {  	v23 =	vor.u32 $0x80000000, v24;
	v63 =	vnsel vm1, $0x80000000, v22  }
0xb6: {  	v25 =	vnsel vm1, $0x80000000, v23;
	(xrf0) =	vmax.scan.msk.u32 $0xffff, v63  }
0xb7: {  	s1 =	simm.s32 $0x1;
	p1 =	sne.s32 s26, $0x80;
	p2 =	por $0x0, $0x0;
	(xrf0) =	vmax.scan.msk.u32 $0xffff, v25  }
0xb8: {  	_ =	sdelay $0x1  }
0xb9: {  	s0 =	simm.s32 @!p1 $0x80  }
0xba: {  	s3 =	simm.s32 @!p1 $0x1C000;
	s21 =	simm.s32 @!p1 $0x18000;
	v24 =	vlaneseq.u32 @!p1;
	s22 =	simm.s32 @!p1 $0x3  }
0xbb: {  	v25 =	vor.u32 @!p1 $0x10, v24;
	[hbm4b:s5+s0] =	stream.indirect.scatter @!p1 [tilespmem:s21], [sflag:$0x3], $0x80, s3, s0, $0xb8;
	v26, _, _ =	vpop (xrf0);
	[tilespmem:$0x1C080] =	vst v63  }
0xbc: {  	v27 =	vor.u32 @!p1 $0x20, v24;
	_ =	swait.ge @!p1 [sflag:s22], $0x4000  }
0xbd: {  	v28 =	vor.u32 @!p1 $0x30, v24;
	v26 =	vbroadcast v26, $0xF;
	[sflag:s22] =	ssyncset.done @!p1 $0x0  }
0xbe: {  	v30 =	vimm.s32 @!p1 $0x4000;
	v29 =	vor.u32 @!p1 $0x40, v24;
	[sflag:s22] =	ssyncadd.s32 @!p1 $0xFFFFC000  }
0xbf: {  	v31 =	vor.u32 @!p1 $0x50, v24;
	v32 =	vshll.u32 v26, $0x3;
	[tilespmem:v24+s3+$0x0] =	vst.idx.msk @!p1 $0xffff, v30  }
0xc0: {  	v33 =	vor.u32 @!p1 $0x60, v24;
	v26 =	vand.u32 $0x7F, v26;
	v32 =	vand.u32 $0xFFFFFC00, v32;
	[tilespmem:v25+s3+$0x0] =	vst.idx.msk @!p1 $0xffff, v30  }
0xc1: {  	v24 =	vor.u32 @!p1 $0x70, v24;
	v25 =	vor.u32 v26, v32;
	[tilespmem:v27+s3+$0x0] =	vst.idx.msk @!p1 $0xffff, v30  }
0xc2: {  	v26 =	vadd.s32 v14, v25;
	[tilespmem:v28+s3+$0x0] =	vst.idx.msk @!p1 $0xffff, v30  }
0xc3: {  	[tilespmem:v29+s3+$0x0] =	vst.idx.msk @!p1 $0xffff, v30  }
0xc4: {  	[tilespmem:v31+s3+$0x0] =	vst.idx.msk @!p1 $0xffff, v30  }
0xc5: {  	[tilespmem:v33+s3+$0x0] =	vst.idx.msk @!p1 $0xffff, v30  }
0xc6: {  	[tilespmem:v24+s3+$0x0] =	vst.idx.msk @!p1 $0xffff, v30  }
0xc7: {  	v24, _, _ =	vpop (xrf0);
	v26 =	vld.idx.msk [tilespmem:v26+s17+$0x0], $0xffff  }
0xc8: {  	s21 =	smov.u32 s26;
	(v2sf) =	vpush v24, $0xF;
	v24 =	vadd.s32 v15, v25  }
0xc9: {  	s21 =	simm.s32 @!p1 $0x0  }
0xca: {  	s6 =	sshll.u32 s21, $0x9  }
0xcb: {  	s0 =	sshra.s32 s6, $0x2  }
0xcc: {  	[tilespmem:s0+$0x18000] =	vst v26  }
0xcd: {  	v24 =	vld.idx.msk [tilespmem:v24+s17+$0x0], $0xffff  }
0xce: {  	v26 =	vadd.s32 v16, v25;
	_ =	sdelay $0x3  }
0xcf: {  	[tilespmem:s0+$0x18010] =	vst v24  }
0xd0: {  	v24 =	vld.idx.msk [tilespmem:v26+s17+$0x0], $0xffff  }
0xd1: {  	v25 =	vadd.s32 v17, v25;
	_ =	sdelay $0x2  }
0xd2: {  	vm1 =	veq.s32 v21, s1  }
0xd3: {  	p3 =	sne.s32 s31, $0x2;
	vm1 =	vmand vm0, vm1;
	[tilespmem:s0+$0x18020] =	vst v24  }
.Ltmp8:
0xd4: {  	v26 =	vnsel vm1, $0x80000000, v22;
	v25 =	vld.idx.msk [tilespmem:v25+s17+$0x0], $0xffff;
	(pc) =	sbr.rel @!p3 .LBB2_11-.Ltmp8, $4  }
0xd5: {  	(xrf0) =	vmax.scan.msk.u32 $0xffff, v26;
	v24 =	vmov s21  }
0xd6: {  	v27 =	vnsel vm1, $0x80000000, v23;
	s22 =	spop (v2sf)  }
0xd7: {  	s26 =	sadd.s32 $0x1, s21;
	(xrf0) =	vmax.scan.msk.u32 $0xffff, v27;
	s1 =	sxor.u32 $0x80000000, s22  }
0xd8: {  	p2 =	por $0x1, $0x1;
	s3 =	simm.s32 $0x2;
	p1 =	sne.s32 s26, $0x80;
	v26 =	vmov s1  }
.LBB2_10:
0xd9: {  	s21 =	simm.s32 @!p1 $0x80;
	s22 =	simm.s32 @!p1 $0x1C000;
	s6 =	simm.s32 @!p1 $0x18000;
	v27 =	vlaneseq.u32 @!p1;
	[tilespmem:s0+$0x18030] =	vst v25  }
0xda: {  	s0 =	simm.s32 @!p1 $0x3;
	s1 =	smov.u32 s3;
	s3 =	sadd.s32 $0x1, s3;
	v25 =	vor.u32 @!p1 $0x10, v27;
	v28 =	vor.u32 @!p1 $0x20, v27;
	v29 =	vor.u32 @!p1 $0x30, v27;
	[tilespmem:v24+s12+$0x0] =	vst.idx.msk $0x1, v26  }
0xdb: {  	v24 =	vor.u32 @!p1 $0x40, v27;
	v26 =	vor.u32 @!p1 $0x50, v27;
	v30 =	vor.u32 @!p1 $0x60, v27;
	[hbm4b:s5+s21] =	stream.indirect.scatter @!p1 [tilespmem:s6], [sflag:$0x3], $0x80, s22, s21, $0xb8;
	v31, _, _ =	vpop (xrf0);
	[tilespmem:$0x1C080] =	vst v63  }
0xdc: {  	_ =	swait.ge @!p1 [sflag:s0], $0x4000  }
0xdd: {  	p3 =	sne.s32 s31, s3;
	v32 =	vor.u32 @!p1 $0x70, v27;
	v31 =	vbroadcast v31, $0xF;
	v33, _, _ =	vpop (xrf0)  }
0xde: {  	v34 =	vimm.s32 @!p1 $0x4000;
	[sflag:s0] =	ssyncset.done @!p1 $0x0;
	(v2sf) =	vpush v33, $0xF  }
0xdf: {  	v33 =	vshll.u32 v31, $0x3;
	[sflag:s0] =	ssyncadd.s32 @!p1 $0xFFFFC000  }
0xe0: {  	[tilespmem:v27+s22+$0x0] =	vst.idx.msk @!p1 $0xffff, v34;
	v27 =	vand.u32 $0x7F, v31;
	v31 =	vand.u32 $0xFFFFFC00, v33  }
0xe1: {  	[tilespmem:v25+s22+$0x0] =	vst.idx.msk @!p1 $0xffff, v34;
	v25 =	vor.u32 v27, v31  }
0xe2: {  	[tilespmem:v28+s22+$0x0] =	vst.idx.msk @!p1 $0xffff, v34;
	v27 =	vadd.s32 v14, v25  }
0xe3: {  	[tilespmem:v29+s22+$0x0] =	vst.idx.msk @!p1 $0xffff, v34  }
0xe4: {  	[tilespmem:v24+s22+$0x0] =	vst.idx.msk @!p1 $0xffff, v34  }
0xe5: {  	[tilespmem:v26+s22+$0x0] =	vst.idx.msk @!p1 $0xffff, v34  }
0xe6: {  	[tilespmem:v30+s22+$0x0] =	vst.idx.msk @!p1 $0xffff, v34  }
0xe7: {  	[tilespmem:v32+s22+$0x0] =	vst.idx.msk @!p1 $0xffff, v34  }
0xe8: {  	v24 =	vld.idx.msk [tilespmem:v27+s17+$0x0], $0xffff  }
0xe9: {  	s6 =	smov.u32 s26;
	v26 =	vadd.s32 v15, v25  }
0xea: {  	s6 =	simm.s32 @!p1 $0x0  }
0xeb: {  	s26 =	sadd.s32 $0x1, s6;
	s0 =	sshll.u32 s6, $0x9  }
0xec: {  	s0 =	sshra.s32 s0, $0x2  }
0xed: {  	s21 =	spop (v2sf)  }
0xee: {  	s21 =	sxor.u32 $0x80000000, s21;
	[tilespmem:s0+$0x18000] =	vst v24  }
0xef: {  	v24 =	vld.idx.msk [tilespmem:v26+s17+$0x0], $0xffff  }
0xf0: {  	v26 =	vadd.s32 v16, v25;
	_ =	sdelay $0x4  }
0xf1: {  	[tilespmem:s0+$0x18010] =	vst v24  }
0xf2: {  	v24 =	vld.idx.msk [tilespmem:v26+s17+$0x0], $0xffff  }
0xf3: {  	v25 =	vadd.s32 v17, v25;
	_ =	sdelay $0x4  }
0xf4: {  	vm1 =	veq.s32 v21, s1;
	[tilespmem:s0+$0x18020] =	vst v24  }
0xf5: {  	vm1 =	vmand vm0, vm1;
	v25 =	vld.idx.msk [tilespmem:v25+s17+$0x0], $0xffff  }
.Ltmp9:
0xf6: {  	v26 =	vnsel vm1, $0x80000000, v22;
	v24 =	vmov s6;
	(pc) =	sbr.rel @p3 .LBB2_10-.Ltmp9, $3  }
0xf7: {  	v27 =	vnsel vm1, $0x80000000, v23;
	(xrf0) =	vmax.scan.msk.u32 $0xffff, v26  }
0xf8: {  	(xrf0) =	vmax.scan.msk.u32 $0xffff, v27;
	_ =	sdelay $0x1  }
0xf9: {  	p1 =	sne.s32 s26, $0x80;
	v26 =	vmov s21  }
.Ltmp10:
0xfa: {  	_ = 	snop;
	(pc) =	sbr.rel .LBB2_11-.Ltmp10, $1  }
0xfb: {  	_ =	sdelay $0x3  }
.LBB2_13:
0xfc: {  	s29 =	sshll.u32 s28, $0xD  }
0xfd: {  	s0 =	sadd.s32 s29, s8  }
0xfe: {  	s0 =	sshrl.u32 s0, $0x3  }
.Ltmp11:
0xff: {  	s0 =	sadd.s32 s2, s0;
	(pc) =	sbr.rel @p0 .LBB2_22-.Ltmp11, $4  }
0x100: {  	[tilespmem:s17], [sflag:$0x1] =	stream.strided.gather [hbm4b:s0+s16], $0x8000, s15, s16, $0x38;
	[tilespmem:$0x1C080] =	vst v63  }
0x101: {  	_ =	swait.ge [sflag:s20], $0x8000  }
0x102: {  	[sflag:s20] =	ssyncset.done $0x0  }
0x103: {  	[sflag:s20] =	ssyncadd.s32 $0xFFFF8000  }
.Ltmp12:
0x104: {  	(pc) =	sbr.rel .LBB2_15-.Ltmp12, $3  }
0x105: {  	_ =	sdelay $0x1  }
0x106: {  	s0 =	sor.u32 $0x200, s30;
	s1 =	sadd.s32 $0x400, s30  }
0x107: {  	s30 =	simm.s32 $0x0;
	v19 =	vmov s0;
	v20 =	vmov s1  }
.LBB2_17:
0x108: {  	_ = 	snop  }
.LBB2_20:
0x109: {  	_ =	sdelay $0x2  }
0x10a: {  	s1 =	simm.s32 @!p1 $0x80;
	[tilespmem:s0+$0x18030] =	vst @p2 v25  }
0x10b: {  	s0 =	simm.s32 @!p1 $0x1C000;
	s3 =	simm.s32 @!p1 $0x18000;
	v21 =	vlaneseq.u32 @!p1;
	s6 =	simm.s32 @!p1 $0x3;
	[tilespmem:v24+s12+$0x0] =	vst.idx.msk @p2 $0x1, v26  }
0x10c: {  	v23, _, _ =	vpop (xrf0);
	v22 =	vor.u32 @!p1 $0x10, v21;
	[hbm4b:s5+s1] =	stream.indirect.scatter @!p1 [tilespmem:s3], [sflag:$0x3], $0x80, s0, s1, $0xb8;
	[tilespmem:$0x1C080] =	vst v63  }
0x10d: {  	v24 =	vor.u32 @!p1 $0x20, v21;
	_ =	swait.ge @!p1 [sflag:s6], $0x4000  }
0x10e: {  	v25 =	vor.u32 @!p1 $0x30, v21;
	v23 =	vbroadcast v23, $0xF;
	[sflag:s6] =	ssyncset.done @!p1 $0x0  }
0x10f: {  	v27 =	vimm.s32 @!p1 $0x4000;
	v26 =	vor.u32 @!p1 $0x40, v21;
	[sflag:s6] =	ssyncadd.s32 @!p1 $0xFFFFC000  }
0x110: {  	v28 =	vor.u32 @!p1 $0x50, v21;
	v29 =	vshll.u32 v23, $0x3;
	[tilespmem:v21+s0+$0x0] =	vst.idx.msk @!p1 $0xffff, v27  }
0x111: {  	v30 =	vor.u32 @!p1 $0x60, v21;
	v23 =	vand.u32 $0x7F, v23;
	v29 =	vand.u32 $0xFFFFFC00, v29;
	[tilespmem:v22+s0+$0x0] =	vst.idx.msk @!p1 $0xffff, v27  }
0x112: {  	v21 =	vor.u32 @!p1 $0x70, v21;
	v22 =	vor.u32 v23, v29;
	[tilespmem:v24+s0+$0x0] =	vst.idx.msk @!p1 $0xffff, v27  }
0x113: {  	v23 =	vadd.s32 v14, v22;
	[tilespmem:v25+s0+$0x0] =	vst.idx.msk @!p1 $0xffff, v27  }
0x114: {  	[tilespmem:v26+s0+$0x0] =	vst.idx.msk @!p1 $0xffff, v27  }
0x115: {  	[tilespmem:v28+s0+$0x0] =	vst.idx.msk @!p1 $0xffff, v27  }
0x116: {  	[tilespmem:v30+s0+$0x0] =	vst.idx.msk @!p1 $0xffff, v27  }
0x117: {  	[tilespmem:v21+s0+$0x0] =	vst.idx.msk @!p1 $0xffff, v27  }
0x118: {  	v21 =	vld.idx.msk [tilespmem:v23+s18+$0x0], $0xffff  }
0x119: {  	v23 =	vadd.s32 v15, v22  }
0x11a: {  	s26 =	simm.s32 @!p1 $0x0  }
0x11b: {  	s22 =	sshll.u32 s26, $0x9  }
0x11c: {  	s0 =	sshra.s32 s22, $0x2  }
0x11d: {  	v63, _, _ =	vpop (xrf0);
	[tilespmem:s0+$0x18000] =	vst v21  }
0x11e: {  	(v2sf) =	vpush v63, $0xF;
	v21 =	vld.idx.msk [tilespmem:v23+s18+$0x0], $0xffff  }
0x11f: {  	v23 =	vadd.s32 v16, v22;
	_ =	sdelay $0x3  }
0x120: {  	[tilespmem:s0+$0x18010] =	vst v21  }
0x121: {  	v21 =	vld.idx.msk [tilespmem:v23+s18+$0x0], $0xffff  }
0x122: {  	v22 =	vadd.s32 v17, v22;
	_ =	sdelay $0x3  }
0x123: {  	[tilespmem:s0+$0x18020] =	vst v21  }
0x124: {  	v21 =	vld.idx.msk [tilespmem:v22+s18+$0x0], $0xffff  }
0x125: {  	v22 =	vmov s26;
	_ =	sdelay $0x1  }
0x126: {  	s31 =	spop (v2sf)  }
0x127: {  	s1 =	sxor.u32 $0x80000000, s31  }
0x128: {  	v23 =	vmov s1;
	[tilespmem:s0+$0x18030] =	vst v21  }
0x129: {  	s26 =	sadd.s32 $0x1, s26;
	[tilespmem:v22+s12+$0x0] =	vst.idx.msk $0x1, v23  }
.LBB2_21:
0x12a: {  	s30 =	sadd.s32 $0x1, s30  }
0x12b: {  	p1 =	sne.s32 s30, s25  }
.Ltmp13:
0x12c: {  	_ = 	snop;
	(pc) =	sbr.rel @!p1 .LBB2_22-.Ltmp13, $1  }
0x12d: {  	_ =	sdelay $0x3  }
.LBB2_15:
0x12e: {  	s0 =	sshll.u32 s30, $0x4  }
0x12f: {  	v22 =	vld [tilespmem:s0+$0x4000];
	_ =	sdelay $0x4  }
0x130: {  	v21 =	vor.u32 s0, v4;
	v23 =	vshrl.u32 v22, $0xE  }
0x131: {  	vm0 =	vlt.s32 v21, v18;
	vm1 =	vge.u32 v23, v19  }
0x132: {  	vm0 =	vmand vm0, vm1;
	vm1 =	vlt.u32 v23, v20  }
0x133: {  	vm0 =	vmand vm1, vm0  }
0x134: {  	v21 =	vmpcnt.ones.xlane vm0;
	_ =	sdelay $0x1  }
0x135: {  	(v2sf) =	vpush v21, $0x0;
	_ =	sdelay $0xd  }
0x136: {  	v21 =	vsel vm0, $0x1, v13  }
0x137: {  	(xrf0) =	vadd.scan.msk.s32 $0xffff, v21;
	s31 =	spop (v2sf)  }
0x138: {  	p1 =	slt.s32 s31, $0x1  }
.Ltmp14:
0x139: {  	_ = 	snop;
	(pc) =	sbr.rel @p1 .LBB2_21-.Ltmp14, $2  }
0x13a: {  	_ =	sdelay $0x2  }
0x13b: {  	v21, _, _ =	vpop (xrf0)  }
0x13c: {  	v21 =	vadd.s32 $0xFFFFFFFF, v21;
	s0 =	simm.s32 $0x0;
	p3 =	sne.s32 s31, $0x1  }
.Ltmp15:
0x13d: {  	v23 =	vsub.s32 v23, v19;
	vm1 =	veq.s32 v21, s0;
	(pc) =	sbr.rel @!p3 .LBB2_17-.Ltmp15, $4  }
0x13e: {  	v24 =	vand.u32 $0x3FFF, v22;
	v22 =	vxor.u32 $0x80000000, v23;
	vm1 =	vmand vm0, vm1  }
0x13f: {  	v23 =	vor.u32 $0x80000000, v24;
	v63 =	vnsel vm1, $0x80000000, v22  }
0x140: {  	v25 =	vnsel vm1, $0x80000000, v23;
	(xrf0) =	vmax.scan.msk.u32 $0xffff, v63  }
0x141: {  	s1 =	simm.s32 $0x1;
	p1 =	sne.s32 s26, $0x80;
	p2 =	por $0x0, $0x0;
	(xrf0) =	vmax.scan.msk.u32 $0xffff, v25  }
0x142: {  	_ =	sdelay $0x1  }
0x143: {  	s0 =	simm.s32 @!p1 $0x80  }
0x144: {  	s3 =	simm.s32 @!p1 $0x1C000;
	s6 =	simm.s32 @!p1 $0x18000;
	v24 =	vlaneseq.u32 @!p1;
	s21 =	simm.s32 @!p1 $0x3  }
0x145: {  	v25 =	vor.u32 @!p1 $0x10, v24;
	[hbm4b:s5+s0] =	stream.indirect.scatter @!p1 [tilespmem:s6], [sflag:$0x3], $0x80, s3, s0, $0xb8;
	v26, _, _ =	vpop (xrf0);
	[tilespmem:$0x1C080] =	vst v63  }
0x146: {  	v27 =	vor.u32 @!p1 $0x20, v24;
	_ =	swait.ge @!p1 [sflag:s21], $0x4000  }
0x147: {  	v28 =	vor.u32 @!p1 $0x30, v24;
	v26 =	vbroadcast v26, $0xF;
	[sflag:s21] =	ssyncset.done @!p1 $0x0  }
0x148: {  	v30 =	vimm.s32 @!p1 $0x4000;
	v29 =	vor.u32 @!p1 $0x40, v24;
	[sflag:s21] =	ssyncadd.s32 @!p1 $0xFFFFC000  }
0x149: {  	v31 =	vor.u32 @!p1 $0x50, v24;
	v32 =	vshll.u32 v26, $0x3;
	[tilespmem:v24+s3+$0x0] =	vst.idx.msk @!p1 $0xffff, v30  }
0x14a: {  	v33 =	vor.u32 @!p1 $0x60, v24;
	v26 =	vand.u32 $0x7F, v26;
	v32 =	vand.u32 $0xFFFFFC00, v32;
	[tilespmem:v25+s3+$0x0] =	vst.idx.msk @!p1 $0xffff, v30  }
0x14b: {  	v24 =	vor.u32 @!p1 $0x70, v24;
	v25 =	vor.u32 v26, v32;
	[tilespmem:v27+s3+$0x0] =	vst.idx.msk @!p1 $0xffff, v30  }
0x14c: {  	v26 =	vadd.s32 v14, v25;
	[tilespmem:v28+s3+$0x0] =	vst.idx.msk @!p1 $0xffff, v30  }
0x14d: {  	[tilespmem:v29+s3+$0x0] =	vst.idx.msk @!p1 $0xffff, v30  }
0x14e: {  	[tilespmem:v31+s3+$0x0] =	vst.idx.msk @!p1 $0xffff, v30  }
0x14f: {  	[tilespmem:v33+s3+$0x0] =	vst.idx.msk @!p1 $0xffff, v30  }
0x150: {  	[tilespmem:v24+s3+$0x0] =	vst.idx.msk @!p1 $0xffff, v30  }
0x151: {  	v24, _, _ =	vpop (xrf0);
	v26 =	vld.idx.msk [tilespmem:v26+s18+$0x0], $0xffff  }
0x152: {  	s6 =	smov.u32 s26;
	(v2sf) =	vpush v24, $0xF;
	v24 =	vadd.s32 v15, v25  }
0x153: {  	s6 =	simm.s32 @!p1 $0x0  }
0x154: {  	s21 =	sshll.u32 s6, $0x9  }
0x155: {  	s0 =	sshra.s32 s21, $0x2  }
0x156: {  	[tilespmem:s0+$0x18000] =	vst v26  }
0x157: {  	v24 =	vld.idx.msk [tilespmem:v24+s18+$0x0], $0xffff  }
0x158: {  	v26 =	vadd.s32 v16, v25;
	_ =	sdelay $0x3  }
0x159: {  	[tilespmem:s0+$0x18010] =	vst v24  }
0x15a: {  	v24 =	vld.idx.msk [tilespmem:v26+s18+$0x0], $0xffff  }
0x15b: {  	v25 =	vadd.s32 v17, v25;
	_ =	sdelay $0x2  }
0x15c: {  	vm1 =	veq.s32 v21, s1  }
0x15d: {  	p3 =	sne.s32 s31, $0x2;
	vm1 =	vmand vm0, vm1;
	[tilespmem:s0+$0x18020] =	vst v24  }
.Ltmp16:
0x15e: {  	v26 =	vnsel vm1, $0x80000000, v22;
	v25 =	vld.idx.msk [tilespmem:v25+s18+$0x0], $0xffff;
	(pc) =	sbr.rel @!p3 .LBB2_20-.Ltmp16, $4  }
0x15f: {  	(xrf0) =	vmax.scan.msk.u32 $0xffff, v26;
	v24 =	vmov s6  }
0x160: {  	v27 =	vnsel vm1, $0x80000000, v23;
	s22 =	spop (v2sf)  }
0x161: {  	s26 =	sadd.s32 $0x1, s6;
	(xrf0) =	vmax.scan.msk.u32 $0xffff, v27;
	s1 =	sxor.u32 $0x80000000, s22  }
0x162: {  	p2 =	por $0x1, $0x1;
	s3 =	simm.s32 $0x2;
	p1 =	sne.s32 s26, $0x80;
	v26 =	vmov s1  }
.LBB2_19:
0x163: {  	s6 =	simm.s32 @!p1 $0x80;
	s21 =	simm.s32 @!p1 $0x1C000;
	s22 =	simm.s32 @!p1 $0x18000;
	v27 =	vlaneseq.u32 @!p1;
	[tilespmem:s0+$0x18030] =	vst v25  }
0x164: {  	s0 =	simm.s32 @!p1 $0x3;
	s1 =	smov.u32 s3;
	s3 =	sadd.s32 $0x1, s3;
	v25 =	vor.u32 @!p1 $0x10, v27;
	v28 =	vor.u32 @!p1 $0x20, v27;
	v29 =	vor.u32 @!p1 $0x30, v27;
	[tilespmem:v24+s12+$0x0] =	vst.idx.msk $0x1, v26  }
0x165: {  	v24 =	vor.u32 @!p1 $0x40, v27;
	v26 =	vor.u32 @!p1 $0x50, v27;
	v30 =	vor.u32 @!p1 $0x60, v27;
	[hbm4b:s5+s6] =	stream.indirect.scatter @!p1 [tilespmem:s22], [sflag:$0x3], $0x80, s21, s6, $0xb8;
	v31, _, _ =	vpop (xrf0);
	[tilespmem:$0x1C080] =	vst v63  }
0x166: {  	_ =	swait.ge @!p1 [sflag:s0], $0x4000  }
0x167: {  	p3 =	sne.s32 s31, s3;
	v32 =	vor.u32 @!p1 $0x70, v27;
	v31 =	vbroadcast v31, $0xF;
	v33, _, _ =	vpop (xrf0)  }
0x168: {  	v34 =	vimm.s32 @!p1 $0x4000;
	[sflag:s0] =	ssyncset.done @!p1 $0x0;
	(v2sf) =	vpush v33, $0xF  }
0x169: {  	v33 =	vshll.u32 v31, $0x3;
	[sflag:s0] =	ssyncadd.s32 @!p1 $0xFFFFC000  }
0x16a: {  	[tilespmem:v27+s21+$0x0] =	vst.idx.msk @!p1 $0xffff, v34;
	v27 =	vand.u32 $0x7F, v31;
	v31 =	vand.u32 $0xFFFFFC00, v33  }
0x16b: {  	[tilespmem:v25+s21+$0x0] =	vst.idx.msk @!p1 $0xffff, v34;
	v25 =	vor.u32 v27, v31  }
0x16c: {  	[tilespmem:v28+s21+$0x0] =	vst.idx.msk @!p1 $0xffff, v34;
	v27 =	vadd.s32 v14, v25  }
0x16d: {  	[tilespmem:v29+s21+$0x0] =	vst.idx.msk @!p1 $0xffff, v34  }
0x16e: {  	[tilespmem:v24+s21+$0x0] =	vst.idx.msk @!p1 $0xffff, v34  }
0x16f: {  	[tilespmem:v26+s21+$0x0] =	vst.idx.msk @!p1 $0xffff, v34  }
0x170: {  	[tilespmem:v30+s21+$0x0] =	vst.idx.msk @!p1 $0xffff, v34  }
0x171: {  	[tilespmem:v32+s21+$0x0] =	vst.idx.msk @!p1 $0xffff, v34  }
0x172: {  	v24 =	vld.idx.msk [tilespmem:v27+s18+$0x0], $0xffff  }
0x173: {  	s6 =	smov.u32 s26;
	v26 =	vadd.s32 v15, v25  }
0x174: {  	s6 =	simm.s32 @!p1 $0x0  }
0x175: {  	s26 =	sadd.s32 $0x1, s6;
	s0 =	sshll.u32 s6, $0x9  }
0x176: {  	s0 =	sshra.s32 s0, $0x2  }
0x177: {  	s21 =	spop (v2sf)  }
0x178: {  	s21 =	sxor.u32 $0x80000000, s21;
	[tilespmem:s0+$0x18000] =	vst v24  }
0x179: {  	v24 =	vld.idx.msk [tilespmem:v26+s18+$0x0], $0xffff  }
0x17a: {  	v26 =	vadd.s32 v16, v25;
	_ =	sdelay $0x4  }
0x17b: {  	[tilespmem:s0+$0x18010] =	vst v24  }
0x17c: {  	v24 =	vld.idx.msk [tilespmem:v26+s18+$0x0], $0xffff  }
0x17d: {  	v25 =	vadd.s32 v17, v25;
	_ =	sdelay $0x4  }
0x17e: {  	vm1 =	veq.s32 v21, s1;
	[tilespmem:s0+$0x18020] =	vst v24  }
0x17f: {  	vm1 =	vmand vm0, vm1;
	v25 =	vld.idx.msk [tilespmem:v25+s18+$0x0], $0xffff  }
.Ltmp17:
0x180: {  	v26 =	vnsel vm1, $0x80000000, v22;
	v24 =	vmov s6;
	(pc) =	sbr.rel @p3 .LBB2_19-.Ltmp17, $3  }
0x181: {  	v27 =	vnsel vm1, $0x80000000, v23;
	(xrf0) =	vmax.scan.msk.u32 $0xffff, v26  }
0x182: {  	(xrf0) =	vmax.scan.msk.u32 $0xffff, v27;
	_ =	sdelay $0x1  }
0x183: {  	p1 =	sne.s32 s26, $0x80;
	v26 =	vmov s21  }
.Ltmp18:
0x184: {  	_ = 	snop;
	(pc) =	sbr.rel .LBB2_20-.Ltmp18, $1  }
0x185: {  	_ =	sdelay $0x3  }
.LBB2_22:
0x186: {  	p1 =	seq.s32 s28, $0x1D  }
.Ltmp19:
0x187: {  	_ = 	snop;
	(pc) =	sbr.rel @p1 .LBB2_24-.Ltmp19, $1  }
0x188: {  	_ =	sdelay $0x3  }
.Ltmp20:
0x189: {  	(pc) =	sbr.rel .LBB2_4-.Ltmp20, $4  }
0x18a: {  	s0 =	sadd.s32 s29, s9  }
0x18b: {  	s0 =	sshrl.u32 s0, $0x3  }
0x18c: {  	s28 =	sadd.s32 $0x1, s28;
	s0 =	sadd.s32 s2, s0  }
0x18d: {  	[tilespmem:s18], [sflag:$0x2] =	stream.strided.gather [hbm4b:s0+s16], $0x8000, s15, s16, $0x38;
	[tilespmem:$0x1C080] =	vst v63  }
.LBB2_24:
.Ltmp21:
0x18e: {  	(pc) =	sbr.rel @!p0 .LBB2_25-.Ltmp21, $4  }
0x18f: {  	_ = 	snop  }
0x190: {  	_ =	swait.ge [sflag:s19], $0x8000  }
0x191: {  	[sflag:s19] =	ssyncset.done $0x0  }
0x192: {  	s28 =	simm.s32 $0x0;
	[sflag:s19] =	ssyncadd.s32 $0xFFFF8000  }
.Ltmp22:
0x193: {  	(pc) =	sbr.rel .LBB2_41-.Ltmp22, $4  }
0x194: {  	[tilespmem:s17], [sflag:$0x1] =	stream.strided.gather [hbm4b:s10+s16], $0x8000, s15, s16, $0x38;
	[tilespmem:$0x1C080] =	vst v63  }
0x195: {  	_ =	swait.ge [sflag:s19], $0x8000  }
0x196: {  	[sflag:s19] =	ssyncset.done $0x0  }
0x197: {  	[sflag:s19] =	ssyncadd.s32 $0xFFFF8000  }
.LBB2_27:
0x198: {  	_ = 	snop  }
.LBB2_30:
0x199: {  	_ =	sdelay $0x2  }
0x19a: {  	s1 =	simm.s32 @!p0 $0x80;
	[tilespmem:s0+$0x18030] =	vst @p1 v23  }
0x19b: {  	s0 =	simm.s32 @!p0 $0x1C000;
	s3 =	simm.s32 @!p0 $0x18000;
	v19 =	vlaneseq.u32 @!p0;
	s6 =	simm.s32 @!p0 $0x3;
	[tilespmem:v22+s12+$0x0] =	vst.idx.msk @p1 $0x1, v24  }
0x19c: {  	v21, _, _ =	vpop (xrf0);
	v20 =	vor.u32 @!p0 $0x10, v19;
	[hbm4b:s5+s1] =	stream.indirect.scatter @!p0 [tilespmem:s3], [sflag:$0x3], $0x80, s0, s1, $0xb8;
	[tilespmem:$0x1C080] =	vst v63  }
0x19d: {  	v22 =	vor.u32 @!p0 $0x20, v19;
	_ =	swait.ge @!p0 [sflag:s6], $0x4000  }
0x19e: {  	v23 =	vor.u32 @!p0 $0x30, v19;
	v21 =	vbroadcast v21, $0xF;
	[sflag:s6] =	ssyncset.done @!p0 $0x0  }
0x19f: {  	v25 =	vimm.s32 @!p0 $0x4000;
	v24 =	vor.u32 @!p0 $0x40, v19;
	[sflag:s6] =	ssyncadd.s32 @!p0 $0xFFFFC000  }
0x1a0: {  	v26 =	vor.u32 @!p0 $0x50, v19;
	v27 =	vshll.u32 v21, $0x3;
	[tilespmem:v19+s0+$0x0] =	vst.idx.msk @!p0 $0xffff, v25  }
0x1a1: {  	v28 =	vor.u32 @!p0 $0x60, v19;
	v21 =	vand.u32 $0x7F, v21;
	v27 =	vand.u32 $0xFFFFFC00, v27;
	[tilespmem:v20+s0+$0x0] =	vst.idx.msk @!p0 $0xffff, v25  }
0x1a2: {  	v19 =	vor.u32 @!p0 $0x70, v19;
	v20 =	vor.u32 v21, v27;
	[tilespmem:v22+s0+$0x0] =	vst.idx.msk @!p0 $0xffff, v25  }
0x1a3: {  	v21 =	vadd.s32 v14, v20;
	[tilespmem:v23+s0+$0x0] =	vst.idx.msk @!p0 $0xffff, v25  }
0x1a4: {  	[tilespmem:v24+s0+$0x0] =	vst.idx.msk @!p0 $0xffff, v25  }
0x1a5: {  	[tilespmem:v26+s0+$0x0] =	vst.idx.msk @!p0 $0xffff, v25  }
0x1a6: {  	[tilespmem:v28+s0+$0x0] =	vst.idx.msk @!p0 $0xffff, v25  }
0x1a7: {  	[tilespmem:v19+s0+$0x0] =	vst.idx.msk @!p0 $0xffff, v25  }
0x1a8: {  	v19 =	vld.idx.msk [tilespmem:v21+s17+$0x0], $0xffff  }
0x1a9: {  	v60 =	vadd.s32 v15, v20  }
0x1aa: {  	s26 =	simm.s32 @!p0 $0x0  }
0x1ab: {  	s30 =	sshll.u32 s26, $0x9  }
0x1ac: {  	s0 =	sshra.s32 s30, $0x2  }
0x1ad: {  	v61, _, _ =	vpop (xrf0);
	[tilespmem:s0+$0x18000] =	vst v19  }
0x1ae: {  	(v2sf) =	vpush v61, $0xF;
	v19 =	vld.idx.msk [tilespmem:v60+s17+$0x0], $0xffff  }
0x1af: {  	v62 =	vadd.s32 v16, v20;
	_ =	sdelay $0x3  }
0x1b0: {  	[tilespmem:s0+$0x18010] =	vst v19  }
0x1b1: {  	v19 =	vld.idx.msk [tilespmem:v62+s17+$0x0], $0xffff  }
0x1b2: {  	v20 =	vadd.s32 v17, v20;
	_ =	sdelay $0x3  }
0x1b3: {  	[tilespmem:s0+$0x18020] =	vst v19  }
0x1b4: {  	v19 =	vld.idx.msk [tilespmem:v20+s17+$0x0], $0xffff  }
0x1b5: {  	v20 =	vmov s26;
	_ =	sdelay $0x1  }
0x1b6: {  	s31 =	spop (v2sf)  }
0x1b7: {  	s1 =	sxor.u32 $0x80000000, s31  }
0x1b8: {  	v63 =	vmov s1;
	[tilespmem:s0+$0x18030] =	vst v19  }
0x1b9: {  	s26 =	sadd.s32 $0x1, s26;
	[tilespmem:v20+s12+$0x0] =	vst.idx.msk $0x1, v63  }
.LBB2_31:
0x1ba: {  	s28 =	sadd.s32 $0x1, s28  }
0x1bb: {  	p0 =	sne.s32 s28, s25  }
.Ltmp23:
0x1bc: {  	_ = 	snop;
	(pc) =	sbr.rel @!p0 .LBB2_32-.Ltmp23, $1  }
0x1bd: {  	_ =	sdelay $0x3  }
.LBB2_25:
0x1be: {  	s0 =	sshll.u32 s28, $0x4  }
0x1bf: {  	v20 =	vld [tilespmem:s0+$0x4000];
	_ =	sdelay $0x4  }
0x1c0: {  	v19 =	vor.u32 s0, v4;
	v21 =	vand.u32 $0xFF800000, v20  }
0x1c1: {  	vm0 =	vlt.s32 v19, v18;
	vm1 =	veq.s32 v21, $0x1E000000  }
0x1c2: {  	vm0 =	vmand vm0, vm1  }
0x1c3: {  	v19 =	vmpcnt.ones.xlane vm0;
	_ =	sdelay $0x1  }
0x1c4: {  	(v2sf) =	vpush v19, $0x0;
	_ =	sdelay $0xd  }
0x1c5: {  	v19 =	vsel vm0, $0x1, v13  }
0x1c6: {  	(xrf0) =	vadd.scan.msk.s32 $0xffff, v19;
	s29 =	spop (v2sf)  }
0x1c7: {  	p0 =	slt.s32 s29, $0x1  }
.Ltmp24:
0x1c8: {  	_ = 	snop;
	(pc) =	sbr.rel @p0 .LBB2_31-.Ltmp24, $2  }
0x1c9: {  	_ =	sdelay $0x2  }
0x1ca: {  	v19, _, _ =	vpop (xrf0)  }
0x1cb: {  	v19 =	vadd.s32 $0xFFFFFFFF, v19;
	s0 =	simm.s32 $0x0;
	p2 =	sne.s32 s29, $0x1  }
.Ltmp25:
0x1cc: {  	v21 =	vshrl.u32 v20, $0xE;
	vm1 =	veq.s32 v19, s0;
	(pc) =	sbr.rel @!p2 .LBB2_27-.Ltmp25, $4  }
0x1cd: {  	v22 =	vand.u32 $0x3FFF, v20;
	v20 =	vadd.s32 $0x7FFF8800, v21;
	vm1 =	vmand vm0, vm1  }
0x1ce: {  	v21 =	vor.u32 $0x80000000, v22;
	v22 =	vnsel vm1, $0x80000000, v20  }
0x1cf: {  	v23 =	vnsel vm1, $0x80000000, v21;
	(xrf0) =	vmax.scan.msk.u32 $0xffff, v22  }
0x1d0: {  	s1 =	simm.s32 $0x1;
	p0 =	sne.s32 s26, $0x80;
	p1 =	por $0x0, $0x0;
	(xrf0) =	vmax.scan.msk.u32 $0xffff, v23  }
0x1d1: {  	_ =	sdelay $0x1  }
0x1d2: {  	s0 =	simm.s32 @!p0 $0x80  }
0x1d3: {  	s3 =	simm.s32 @!p0 $0x1C000;
	s6 =	simm.s32 @!p0 $0x18000;
	v22 =	vlaneseq.u32 @!p0;
	s21 =	simm.s32 @!p0 $0x3  }
0x1d4: {  	v23 =	vor.u32 @!p0 $0x10, v22;
	[hbm4b:s5+s0] =	stream.indirect.scatter @!p0 [tilespmem:s6], [sflag:$0x3], $0x80, s3, s0, $0xb8;
	v24, _, _ =	vpop (xrf0);
	[tilespmem:$0x1C080] =	vst v63  }
0x1d5: {  	v25 =	vor.u32 @!p0 $0x20, v22;
	_ =	swait.ge @!p0 [sflag:s21], $0x4000  }
0x1d6: {  	v26 =	vor.u32 @!p0 $0x30, v22;
	v24 =	vbroadcast v24, $0xF;
	[sflag:s21] =	ssyncset.done @!p0 $0x0  }
0x1d7: {  	v28 =	vimm.s32 @!p0 $0x4000;
	v27 =	vor.u32 @!p0 $0x40, v22;
	[sflag:s21] =	ssyncadd.s32 @!p0 $0xFFFFC000  }
0x1d8: {  	v29 =	vor.u32 @!p0 $0x50, v22;
	v30 =	vshll.u32 v24, $0x3;
	[tilespmem:v22+s3+$0x0] =	vst.idx.msk @!p0 $0xffff, v28  }
0x1d9: {  	v31 =	vor.u32 @!p0 $0x60, v22;
	v24 =	vand.u32 $0x7F, v24;
	v30 =	vand.u32 $0xFFFFFC00, v30;
	[tilespmem:v23+s3+$0x0] =	vst.idx.msk @!p0 $0xffff, v28  }
0x1da: {  	v22 =	vor.u32 @!p0 $0x70, v22;
	v23 =	vor.u32 v24, v30;
	[tilespmem:v25+s3+$0x0] =	vst.idx.msk @!p0 $0xffff, v28  }
0x1db: {  	v24 =	vadd.s32 v14, v23;
	[tilespmem:v26+s3+$0x0] =	vst.idx.msk @!p0 $0xffff, v28  }
0x1dc: {  	[tilespmem:v27+s3+$0x0] =	vst.idx.msk @!p0 $0xffff, v28  }
0x1dd: {  	[tilespmem:v29+s3+$0x0] =	vst.idx.msk @!p0 $0xffff, v28  }
0x1de: {  	[tilespmem:v31+s3+$0x0] =	vst.idx.msk @!p0 $0xffff, v28  }
0x1df: {  	[tilespmem:v22+s3+$0x0] =	vst.idx.msk @!p0 $0xffff, v28  }
0x1e0: {  	v22, _, _ =	vpop (xrf0);
	v24 =	vld.idx.msk [tilespmem:v24+s17+$0x0], $0xffff  }
0x1e1: {  	s6 =	smov.u32 s26;
	(v2sf) =	vpush v22, $0xF;
	v22 =	vadd.s32 v15, v23  }
0x1e2: {  	s6 =	simm.s32 @!p0 $0x0  }
0x1e3: {  	s30 =	sshll.u32 s6, $0x9  }
0x1e4: {  	s0 =	sshra.s32 s30, $0x2  }
0x1e5: {  	[tilespmem:s0+$0x18000] =	vst v24  }
0x1e6: {  	v22 =	vld.idx.msk [tilespmem:v22+s17+$0x0], $0xffff  }
0x1e7: {  	v24 =	vadd.s32 v16, v23;
	_ =	sdelay $0x3  }
0x1e8: {  	[tilespmem:s0+$0x18010] =	vst v22  }
0x1e9: {  	v22 =	vld.idx.msk [tilespmem:v24+s17+$0x0], $0xffff  }
0x1ea: {  	v23 =	vadd.s32 v17, v23;
	_ =	sdelay $0x2  }
0x1eb: {  	vm1 =	veq.s32 v19, s1  }
0x1ec: {  	p2 =	sne.s32 s29, $0x2;
	vm1 =	vmand vm0, vm1;
	[tilespmem:s0+$0x18020] =	vst v22  }
.Ltmp26:
0x1ed: {  	v24 =	vnsel vm1, $0x80000000, v20;
	v23 =	vld.idx.msk [tilespmem:v23+s17+$0x0], $0xffff;
	(pc) =	sbr.rel @!p2 .LBB2_30-.Ltmp26, $4  }
0x1ee: {  	(xrf0) =	vmax.scan.msk.u32 $0xffff, v24;
	v22 =	vmov s6  }
0x1ef: {  	v25 =	vnsel vm1, $0x80000000, v21;
	s31 =	spop (v2sf)  }
0x1f0: {  	s26 =	sadd.s32 $0x1, s6;
	(xrf0) =	vmax.scan.msk.u32 $0xffff, v25;
	s1 =	sxor.u32 $0x80000000, s31  }
0x1f1: {  	p1 =	por $0x1, $0x1;
	s3 =	simm.s32 $0x2;
	p0 =	sne.s32 s26, $0x80;
	v24 =	vmov s1  }
.LBB2_29:
0x1f2: {  	s6 =	simm.s32 @!p0 $0x80;
	s21 =	simm.s32 @!p0 $0x1C000;
	s22 =	simm.s32 @!p0 $0x18000;
	v25 =	vlaneseq.u32 @!p0;
	[tilespmem:s0+$0x18030] =	vst v23  }
0x1f3: {  	s0 =	simm.s32 @!p0 $0x3;
	s1 =	smov.u32 s3;
	s3 =	sadd.s32 $0x1, s3;
	v23 =	vor.u32 @!p0 $0x10, v25;
	v26 =	vor.u32 @!p0 $0x20, v25;
	v27 =	vor.u32 @!p0 $0x30, v25;
	[tilespmem:v22+s12+$0x0] =	vst.idx.msk $0x1, v24  }
0x1f4: {  	v22 =	vor.u32 @!p0 $0x40, v25;
	v24 =	vor.u32 @!p0 $0x50, v25;
	v28 =	vor.u32 @!p0 $0x60, v25;
	[hbm4b:s5+s6] =	stream.indirect.scatter @!p0 [tilespmem:s22], [sflag:$0x3], $0x80, s21, s6, $0xb8;
	v29, _, _ =	vpop (xrf0);
	[tilespmem:$0x1C080] =	vst v63  }
0x1f5: {  	_ =	swait.ge @!p0 [sflag:s0], $0x4000  }
0x1f6: {  	p2 =	sne.s32 s29, s3;
	v30 =	vor.u32 @!p0 $0x70, v25;
	v29 =	vbroadcast v29, $0xF;
	v31, _, _ =	vpop (xrf0)  }
0x1f7: {  	v32 =	vimm.s32 @!p0 $0x4000;
	[sflag:s0] =	ssyncset.done @!p0 $0x0;
	(v2sf) =	vpush v31, $0xF  }
0x1f8: {  	v31 =	vshll.u32 v29, $0x3;
	[sflag:s0] =	ssyncadd.s32 @!p0 $0xFFFFC000  }
0x1f9: {  	[tilespmem:v25+s21+$0x0] =	vst.idx.msk @!p0 $0xffff, v32;
	v25 =	vand.u32 $0x7F, v29;
	v29 =	vand.u32 $0xFFFFFC00, v31  }
0x1fa: {  	[tilespmem:v23+s21+$0x0] =	vst.idx.msk @!p0 $0xffff, v32;
	v23 =	vor.u32 v25, v29  }
0x1fb: {  	[tilespmem:v26+s21+$0x0] =	vst.idx.msk @!p0 $0xffff, v32;
	v25 =	vadd.s32 v14, v23  }
0x1fc: {  	[tilespmem:v27+s21+$0x0] =	vst.idx.msk @!p0 $0xffff, v32  }
0x1fd: {  	[tilespmem:v22+s21+$0x0] =	vst.idx.msk @!p0 $0xffff, v32  }
0x1fe: {  	[tilespmem:v24+s21+$0x0] =	vst.idx.msk @!p0 $0xffff, v32  }
0x1ff: {  	[tilespmem:v28+s21+$0x0] =	vst.idx.msk @!p0 $0xffff, v32  }
0x200: {  	[tilespmem:v30+s21+$0x0] =	vst.idx.msk @!p0 $0xffff, v32  }
0x201: {  	v22 =	vld.idx.msk [tilespmem:v25+s17+$0x0], $0xffff  }
0x202: {  	s6 =	smov.u32 s26;
	v24 =	vadd.s32 v15, v23  }
0x203: {  	s6 =	simm.s32 @!p0 $0x0  }
0x204: {  	s26 =	sadd.s32 $0x1, s6;
	s0 =	sshll.u32 s6, $0x9  }
0x205: {  	s0 =	sshra.s32 s0, $0x2  }
0x206: {  	s21 =	spop (v2sf)  }
0x207: {  	s21 =	sxor.u32 $0x80000000, s21;
	[tilespmem:s0+$0x18000] =	vst v22  }
0x208: {  	v22 =	vld.idx.msk [tilespmem:v24+s17+$0x0], $0xffff  }
0x209: {  	v24 =	vadd.s32 v16, v23;
	_ =	sdelay $0x4  }
0x20a: {  	[tilespmem:s0+$0x18010] =	vst v22  }
0x20b: {  	v22 =	vld.idx.msk [tilespmem:v24+s17+$0x0], $0xffff  }
0x20c: {  	v23 =	vadd.s32 v17, v23;
	_ =	sdelay $0x4  }
0x20d: {  	vm1 =	veq.s32 v19, s1;
	[tilespmem:s0+$0x18020] =	vst v22  }
0x20e: {  	vm1 =	vmand vm0, vm1;
	v23 =	vld.idx.msk [tilespmem:v23+s17+$0x0], $0xffff  }
.Ltmp27:
0x20f: {  	v24 =	vnsel vm1, $0x80000000, v20;
	v22 =	vmov s6;
	(pc) =	sbr.rel @p2 .LBB2_29-.Ltmp27, $3  }
0x210: {  	v25 =	vnsel vm1, $0x80000000, v21;
	(xrf0) =	vmax.scan.msk.u32 $0xffff, v24  }
0x211: {  	(xrf0) =	vmax.scan.msk.u32 $0xffff, v25;
	_ =	sdelay $0x1  }
0x212: {  	p0 =	sne.s32 s26, $0x80;
	v24 =	vmov s21  }
.Ltmp28:
0x213: {  	_ = 	snop;
	(pc) =	sbr.rel .LBB2_30-.Ltmp28, $1  }
0x214: {  	_ =	sdelay $0x3  }
.LBB2_32:
.Ltmp29:
0x215: {  	(pc) =	sbr.rel .LBB2_33-.Ltmp29, $4  }
0x216: {  	[tilespmem:s17], [sflag:$0x1] =	stream.strided.gather [hbm4b:s10+s16], $0x8000, s15, s16, $0x38;
	[tilespmem:$0x1C080] =	vst v63  }
0x217: {  	_ =	swait.ge [sflag:s19], $0x8000  }
0x218: {  	[sflag:s19] =	ssyncset.done $0x0  }
0x219: {  	s28 =	simm.s32 $0x0;
	[sflag:s19] =	ssyncadd.s32 $0xFFFF8000  }
.LBB2_35:
0x21a: {  	_ = 	snop  }
.LBB2_38:
0x21b: {  	_ =	sdelay $0x2  }
0x21c: {  	s1 =	simm.s32 @!p0 $0x80;
	[tilespmem:s0+$0x18030] =	vst @p1 v23  }
0x21d: {  	s0 =	simm.s32 @!p0 $0x1C000;
	s3 =	simm.s32 @!p0 $0x18000;
	v19 =	vlaneseq.u32 @!p0;
	s6 =	simm.s32 @!p0 $0x3;
	[tilespmem:v22+s12+$0x0] =	vst.idx.msk @p1 $0x1, v24  }
0x21e: {  	v21, _, _ =	vpop (xrf0);
	v20 =	vor.u32 @!p0 $0x10, v19;
	[hbm4b:s5+s1] =	stream.indirect.scatter @!p0 [tilespmem:s3], [sflag:$0x3], $0x80, s0, s1, $0xb8;
	[tilespmem:$0x1C080] =	vst v63  }
0x21f: {  	v22 =	vor.u32 @!p0 $0x20, v19;
	_ =	swait.ge @!p0 [sflag:s6], $0x4000  }
0x220: {  	v23 =	vor.u32 @!p0 $0x30, v19;
	v21 =	vbroadcast v21, $0xF;
	[sflag:s6] =	ssyncset.done @!p0 $0x0  }
0x221: {  	v25 =	vimm.s32 @!p0 $0x4000;
	v24 =	vor.u32 @!p0 $0x40, v19;
	[sflag:s6] =	ssyncadd.s32 @!p0 $0xFFFFC000  }
0x222: {  	v26 =	vor.u32 @!p0 $0x50, v19;
	v27 =	vshll.u32 v21, $0x3;
	[tilespmem:v19+s0+$0x0] =	vst.idx.msk @!p0 $0xffff, v25  }
0x223: {  	v28 =	vor.u32 @!p0 $0x60, v19;
	v21 =	vand.u32 $0x7F, v21;
	v27 =	vand.u32 $0xFFFFFC00, v27;
	[tilespmem:v20+s0+$0x0] =	vst.idx.msk @!p0 $0xffff, v25  }
0x224: {  	v19 =	vor.u32 @!p0 $0x70, v19;
	v20 =	vor.u32 v21, v27;
	[tilespmem:v22+s0+$0x0] =	vst.idx.msk @!p0 $0xffff, v25  }
0x225: {  	v21 =	vadd.s32 v14, v20;
	[tilespmem:v23+s0+$0x0] =	vst.idx.msk @!p0 $0xffff, v25  }
0x226: {  	[tilespmem:v24+s0+$0x0] =	vst.idx.msk @!p0 $0xffff, v25  }
0x227: {  	[tilespmem:v26+s0+$0x0] =	vst.idx.msk @!p0 $0xffff, v25  }
0x228: {  	[tilespmem:v28+s0+$0x0] =	vst.idx.msk @!p0 $0xffff, v25  }
0x229: {  	[tilespmem:v19+s0+$0x0] =	vst.idx.msk @!p0 $0xffff, v25  }
0x22a: {  	v19 =	vld.idx.msk [tilespmem:v21+s17+$0x0], $0xffff  }
0x22b: {  	v60 =	vadd.s32 v15, v20  }
0x22c: {  	s26 =	simm.s32 @!p0 $0x0  }
0x22d: {  	s30 =	sshll.u32 s26, $0x9  }
0x22e: {  	s0 =	sshra.s32 s30, $0x2  }
0x22f: {  	v61, _, _ =	vpop (xrf0);
	[tilespmem:s0+$0x18000] =	vst v19  }
0x230: {  	(v2sf) =	vpush v61, $0xF;
	v19 =	vld.idx.msk [tilespmem:v60+s17+$0x0], $0xffff  }
0x231: {  	v62 =	vadd.s32 v16, v20;
	_ =	sdelay $0x3  }
0x232: {  	[tilespmem:s0+$0x18010] =	vst v19  }
0x233: {  	v19 =	vld.idx.msk [tilespmem:v62+s17+$0x0], $0xffff  }
0x234: {  	v20 =	vadd.s32 v17, v20;
	_ =	sdelay $0x3  }
0x235: {  	[tilespmem:s0+$0x18020] =	vst v19  }
0x236: {  	v19 =	vld.idx.msk [tilespmem:v20+s17+$0x0], $0xffff  }
0x237: {  	v20 =	vmov s26;
	_ =	sdelay $0x1  }
0x238: {  	s31 =	spop (v2sf)  }
0x239: {  	s1 =	sxor.u32 $0x80000000, s31  }
0x23a: {  	v63 =	vmov s1;
	[tilespmem:s0+$0x18030] =	vst v19  }
0x23b: {  	s26 =	sadd.s32 $0x1, s26;
	[tilespmem:v20+s12+$0x0] =	vst.idx.msk $0x1, v63  }
.LBB2_39:
0x23c: {  	s28 =	sadd.s32 $0x1, s28  }
0x23d: {  	p0 =	seq.s32 s28, s25  }
.Ltmp30:
0x23e: {  	_ = 	snop;
	(pc) =	sbr.rel @p0 .LBB2_41-.Ltmp30, $1  }
0x23f: {  	_ =	sdelay $0x3  }
.LBB2_33:
0x240: {  	s0 =	sshll.u32 s28, $0x4  }
0x241: {  	v20 =	vld [tilespmem:s0+$0x4000];
	_ =	sdelay $0x3  }
0x242: {  	v19 =	vor.u32 s0, v4  }
0x243: {  	vm0 =	vlt.s32 v19, v18;
	v21 =	vshrl.u32 v20, $0xE;
	vm1 =	vgt.u32 v20, $0x1E7FFFFF  }
0x244: {  	vm0 =	vmand vm0, vm1;
	vm1 =	vlt.u32 v21, v3  }
0x245: {  	vm0 =	vmand vm0, vm1  }
0x246: {  	v19 =	vmpcnt.ones.xlane vm0;
	_ =	sdelay $0x1  }
0x247: {  	(v2sf) =	vpush v19, $0x0;
	_ =	sdelay $0xd  }
0x248: {  	v19 =	vsel vm0, $0x1, v13  }
0x249: {  	(xrf0) =	vadd.scan.msk.s32 $0xffff, v19;
	s29 =	spop (v2sf)  }
0x24a: {  	p0 =	slt.s32 s29, $0x1  }
.Ltmp31:
0x24b: {  	_ = 	snop;
	(pc) =	sbr.rel @p0 .LBB2_39-.Ltmp31, $2  }
0x24c: {  	_ =	sdelay $0x2  }
0x24d: {  	v19, _, _ =	vpop (xrf0)  }
0x24e: {  	v19 =	vadd.s32 $0xFFFFFFFF, v19;
	s0 =	simm.s32 $0x0;
	p2 =	sne.s32 s29, $0x1  }
.Ltmp32:
0x24f: {  	vm1 =	veq.s32 v19, s0;
	(pc) =	sbr.rel @!p2 .LBB2_35-.Ltmp32, $4  }
0x250: {  	v22 =	vand.u32 $0x3FFF, v20;
	v20 =	vadd.s32 $0x7FFF8600, v21;
	vm1 =	vmand vm0, vm1  }
0x251: {  	v21 =	vor.u32 $0x80000000, v22;
	v22 =	vnsel vm1, $0x80000000, v20  }
0x252: {  	v23 =	vnsel vm1, $0x80000000, v21;
	(xrf0) =	vmax.scan.msk.u32 $0xffff, v22  }
0x253: {  	s1 =	simm.s32 $0x1;
	p0 =	sne.s32 s26, $0x80;
	p1 =	por $0x0, $0x0;
	(xrf0) =	vmax.scan.msk.u32 $0xffff, v23  }
0x254: {  	_ =	sdelay $0x1  }
0x255: {  	s0 =	simm.s32 @!p0 $0x80  }
0x256: {  	s3 =	simm.s32 @!p0 $0x1C000;
	s6 =	simm.s32 @!p0 $0x18000;
	v22 =	vlaneseq.u32 @!p0;
	s21 =	simm.s32 @!p0 $0x3  }
0x257: {  	v23 =	vor.u32 @!p0 $0x10, v22;
	[hbm4b:s5+s0] =	stream.indirect.scatter @!p0 [tilespmem:s6], [sflag:$0x3], $0x80, s3, s0, $0xb8;
	v24, _, _ =	vpop (xrf0);
	[tilespmem:$0x1C080] =	vst v63  }
0x258: {  	v25 =	vor.u32 @!p0 $0x20, v22;
	_ =	swait.ge @!p0 [sflag:s21], $0x4000  }
0x259: {  	v26 =	vor.u32 @!p0 $0x30, v22;
	v24 =	vbroadcast v24, $0xF;
	[sflag:s21] =	ssyncset.done @!p0 $0x0  }
0x25a: {  	v28 =	vimm.s32 @!p0 $0x4000;
	v27 =	vor.u32 @!p0 $0x40, v22;
	[sflag:s21] =	ssyncadd.s32 @!p0 $0xFFFFC000  }
0x25b: {  	v29 =	vor.u32 @!p0 $0x50, v22;
	v30 =	vshll.u32 v24, $0x3;
	[tilespmem:v22+s3+$0x0] =	vst.idx.msk @!p0 $0xffff, v28  }
0x25c: {  	v31 =	vor.u32 @!p0 $0x60, v22;
	v24 =	vand.u32 $0x7F, v24;
	v30 =	vand.u32 $0xFFFFFC00, v30;
	[tilespmem:v23+s3+$0x0] =	vst.idx.msk @!p0 $0xffff, v28  }
0x25d: {  	v22 =	vor.u32 @!p0 $0x70, v22;
	v23 =	vor.u32 v24, v30;
	[tilespmem:v25+s3+$0x0] =	vst.idx.msk @!p0 $0xffff, v28  }
0x25e: {  	v24 =	vadd.s32 v14, v23;
	[tilespmem:v26+s3+$0x0] =	vst.idx.msk @!p0 $0xffff, v28  }
0x25f: {  	[tilespmem:v27+s3+$0x0] =	vst.idx.msk @!p0 $0xffff, v28  }
0x260: {  	[tilespmem:v29+s3+$0x0] =	vst.idx.msk @!p0 $0xffff, v28  }
0x261: {  	[tilespmem:v31+s3+$0x0] =	vst.idx.msk @!p0 $0xffff, v28  }
0x262: {  	[tilespmem:v22+s3+$0x0] =	vst.idx.msk @!p0 $0xffff, v28  }
0x263: {  	v22, _, _ =	vpop (xrf0);
	v24 =	vld.idx.msk [tilespmem:v24+s17+$0x0], $0xffff  }
0x264: {  	s6 =	smov.u32 s26;
	(v2sf) =	vpush v22, $0xF;
	v22 =	vadd.s32 v15, v23  }
0x265: {  	s6 =	simm.s32 @!p0 $0x0  }
0x266: {  	s30 =	sshll.u32 s6, $0x9  }
0x267: {  	s0 =	sshra.s32 s30, $0x2  }
0x268: {  	[tilespmem:s0+$0x18000] =	vst v24  }
0x269: {  	v22 =	vld.idx.msk [tilespmem:v22+s17+$0x0], $0xffff  }
0x26a: {  	v24 =	vadd.s32 v16, v23;
	_ =	sdelay $0x3  }
0x26b: {  	[tilespmem:s0+$0x18010] =	vst v22  }
0x26c: {  	v22 =	vld.idx.msk [tilespmem:v24+s17+$0x0], $0xffff  }
0x26d: {  	v23 =	vadd.s32 v17, v23;
	_ =	sdelay $0x2  }
0x26e: {  	vm1 =	veq.s32 v19, s1  }
0x26f: {  	p2 =	sne.s32 s29, $0x2;
	vm1 =	vmand vm0, vm1;
	[tilespmem:s0+$0x18020] =	vst v22  }
.Ltmp33:
0x270: {  	v24 =	vnsel vm1, $0x80000000, v20;
	v23 =	vld.idx.msk [tilespmem:v23+s17+$0x0], $0xffff;
	(pc) =	sbr.rel @!p2 .LBB2_38-.Ltmp33, $4  }
0x271: {  	(xrf0) =	vmax.scan.msk.u32 $0xffff, v24;
	v22 =	vmov s6  }
0x272: {  	v25 =	vnsel vm1, $0x80000000, v21;
	s31 =	spop (v2sf)  }
0x273: {  	s26 =	sadd.s32 $0x1, s6;
	(xrf0) =	vmax.scan.msk.u32 $0xffff, v25;
	s1 =	sxor.u32 $0x80000000, s31  }
0x274: {  	p1 =	por $0x1, $0x1;
	s3 =	simm.s32 $0x2;
	p0 =	sne.s32 s26, $0x80;
	v24 =	vmov s1  }
.LBB2_37:
0x275: {  	s6 =	simm.s32 @!p0 $0x80;
	s21 =	simm.s32 @!p0 $0x1C000;
	s22 =	simm.s32 @!p0 $0x18000;
	v25 =	vlaneseq.u32 @!p0;
	[tilespmem:s0+$0x18030] =	vst v23  }
0x276: {  	s0 =	simm.s32 @!p0 $0x3;
	s1 =	smov.u32 s3;
	s3 =	sadd.s32 $0x1, s3;
	v23 =	vor.u32 @!p0 $0x10, v25;
	v26 =	vor.u32 @!p0 $0x20, v25;
	v27 =	vor.u32 @!p0 $0x30, v25;
	[tilespmem:v22+s12+$0x0] =	vst.idx.msk $0x1, v24  }
0x277: {  	v22 =	vor.u32 @!p0 $0x40, v25;
	v24 =	vor.u32 @!p0 $0x50, v25;
	v28 =	vor.u32 @!p0 $0x60, v25;
	[hbm4b:s5+s6] =	stream.indirect.scatter @!p0 [tilespmem:s22], [sflag:$0x3], $0x80, s21, s6, $0xb8;
	v29, _, _ =	vpop (xrf0);
	[tilespmem:$0x1C080] =	vst v63  }
0x278: {  	_ =	swait.ge @!p0 [sflag:s0], $0x4000  }
0x279: {  	p2 =	sne.s32 s29, s3;
	v30 =	vor.u32 @!p0 $0x70, v25;
	v29 =	vbroadcast v29, $0xF;
	v31, _, _ =	vpop (xrf0)  }
0x27a: {  	v32 =	vimm.s32 @!p0 $0x4000;
	[sflag:s0] =	ssyncset.done @!p0 $0x0;
	(v2sf) =	vpush v31, $0xF  }
0x27b: {  	v31 =	vshll.u32 v29, $0x3;
	[sflag:s0] =	ssyncadd.s32 @!p0 $0xFFFFC000  }
0x27c: {  	[tilespmem:v25+s21+$0x0] =	vst.idx.msk @!p0 $0xffff, v32;
	v25 =	vand.u32 $0x7F, v29;
	v29 =	vand.u32 $0xFFFFFC00, v31  }
0x27d: {  	[tilespmem:v23+s21+$0x0] =	vst.idx.msk @!p0 $0xffff, v32;
	v23 =	vor.u32 v25, v29  }
0x27e: {  	[tilespmem:v26+s21+$0x0] =	vst.idx.msk @!p0 $0xffff, v32;
	v25 =	vadd.s32 v14, v23  }
0x27f: {  	[tilespmem:v27+s21+$0x0] =	vst.idx.msk @!p0 $0xffff, v32  }
0x280: {  	[tilespmem:v22+s21+$0x0] =	vst.idx.msk @!p0 $0xffff, v32  }
0x281: {  	[tilespmem:v24+s21+$0x0] =	vst.idx.msk @!p0 $0xffff, v32  }
0x282: {  	[tilespmem:v28+s21+$0x0] =	vst.idx.msk @!p0 $0xffff, v32  }
0x283: {  	[tilespmem:v30+s21+$0x0] =	vst.idx.msk @!p0 $0xffff, v32  }
0x284: {  	v22 =	vld.idx.msk [tilespmem:v25+s17+$0x0], $0xffff  }
0x285: {  	s6 =	smov.u32 s26;
	v24 =	vadd.s32 v15, v23  }
0x286: {  	s6 =	simm.s32 @!p0 $0x0  }
0x287: {  	s26 =	sadd.s32 $0x1, s6;
	s0 =	sshll.u32 s6, $0x9  }
0x288: {  	s0 =	sshra.s32 s0, $0x2  }
0x289: {  	s21 =	spop (v2sf)  }
0x28a: {  	s21 =	sxor.u32 $0x80000000, s21;
	[tilespmem:s0+$0x18000] =	vst v22  }
0x28b: {  	v22 =	vld.idx.msk [tilespmem:v24+s17+$0x0], $0xffff  }
0x28c: {  	v24 =	vadd.s32 v16, v23;
	_ =	sdelay $0x4  }
0x28d: {  	[tilespmem:s0+$0x18010] =	vst v22  }
0x28e: {  	v22 =	vld.idx.msk [tilespmem:v24+s17+$0x0], $0xffff  }
0x28f: {  	v23 =	vadd.s32 v17, v23;
	_ =	sdelay $0x4  }
0x290: {  	vm1 =	veq.s32 v19, s1;
	[tilespmem:s0+$0x18020] =	vst v22  }
0x291: {  	vm1 =	vmand vm0, vm1;
	v23 =	vld.idx.msk [tilespmem:v23+s17+$0x0], $0xffff  }
.Ltmp34:
0x292: {  	v24 =	vnsel vm1, $0x80000000, v20;
	v22 =	vmov s6;
	(pc) =	sbr.rel @p2 .LBB2_37-.Ltmp34, $3  }
0x293: {  	v25 =	vnsel vm1, $0x80000000, v21;
	(xrf0) =	vmax.scan.msk.u32 $0xffff, v24  }
0x294: {  	(xrf0) =	vmax.scan.msk.u32 $0xffff, v25;
	_ =	sdelay $0x1  }
0x295: {  	p0 =	sne.s32 s26, $0x80;
	v24 =	vmov s21  }
.Ltmp35:
0x296: {  	_ = 	snop;
	(pc) =	sbr.rel .LBB2_38-.Ltmp35, $1  }
0x297: {  	_ =	sdelay $0x3  }
.LBB2_42:
0x298: {  	_ =	sfence.sel $0x180000  }
0x299: {  	[bflag:$0x0] =	sbarrier.arrive $0xFFFF  }
0x29a: {  	_ =	strace $0x90000047  }
0x29b: {  	s0 =	stileid.u32;
	[bflag:$0x2] =	sbarrier.arrive $0xFFFF  }
0x29c: {  	p0 =	sne.s32 s0, $0x0;
	s0 =	rddreg [dreg:$0x3]  }
0x29d: {  	s0 =	sadd.s32 @!p0 $0x100000, s0  }
0x29e: {  	[sflag:s0] =	ssyncadd.tile.s32 @!p0 $0x1;
	_ =	shalt  }
.Lfunc_end2:
_tile_overlayer_lowered:
.L_overlay_start_2:
0x29f: {  	(tag) =	ssettag $0x2  }
0x2a0: {  	s0 =	rddreg [dreg:$0x0];
	s2 =	stileid.u32  }
0x2a1: {  	s1 =	rddreg [dreg:$0x1];
	p0 =	sne.s32 s2, $0x0  }
0x2a2: {  	s3 =	rddreg [dreg:$0x2];
	[bflag:$0x3] =	sbarrier.arrive $0xFFFF;
	s2 =	simm.s32 @!p0 $0x1C05  }
0x2a3: {  	[timem:s3], [sflag:s2] =	dma.local @!p0 [hbm:s0], s1  }
0x2a4: {  	s0 =	simm.s32 @!p0 $0x5  }
0x2a5: {  	_ =	swait.ge @!p0 [sflag:s0], s1  }
0x2a6: {  	s1 =	ssub.s32 @!p0 $0x0, s1;
	[sflag:s0] =	ssyncset.done @!p0 $0x0  }
0x2a7: {  	[sflag:s0] =	ssyncadd.s32 @!p0 s1  }
0x2a8: {  	[bflag:$0x3] =	sbarrier.arrive $0xFFFF  }
0x2a9: {  	_ =	shalt  }

</sc_bundles>
